<compile_context>
chip_gen: v7x
topology: tpu7x:2x2x1
jax: 0.10.2.dev20260603
libtpu: 0.0.44.dev20260713+nightly
codegen_flags: <defaults>
</compile_context>

<pallas_src>
import functools

import jax
import jax.numpy as jnp
from jax import lax
from jax.experimental import pallas as pl
from jax.experimental.pallas import tpu as pltpu
from jax.experimental.pallas import tpu_sc as plsc

D_MODEL = 64
CUT0, CUT1, CUT2 = 20000, 200000, 1000000

NC, NS, L = 2, 16, 16
NW = NC * NS
G = 128


def _make_sc_lookup(n):
    per_w = n // NW
    assert n % NW == 0 and per_w % L == 0
    steps = per_w // L
    cap = per_w + G + L

    mesh = plsc.VectorSubcoreMesh(core_axis_name="c", subcore_axis_name="s")

    @functools.partial(
        pl.kernel,
        mesh=mesh,
        compiler_params=pltpu.CompilerParams(
            use_tc_tiling_on_sc=False, needs_layout_passes=False),
        out_type=jax.ShapeDtypeStruct((n, D_MODEL), jnp.float32),
        scratch_types=[
            pltpu.VMEM((per_w,), jnp.int32),
            pltpu.VMEM((cap,), jnp.int32),
            pltpu.VMEM((cap,), jnp.int32),
            pltpu.VMEM((cap,), jnp.int32),
            pltpu.VMEM((cap,), jnp.int32),
            pltpu.VMEM((cap,), jnp.int32),
            pltpu.VMEM((cap,), jnp.int32),
            pltpu.VMEM((G,), jnp.int32),
            pltpu.VMEM((G,), jnp.int32),
            pltpu.VMEM((G, D_MODEL), jnp.float32),
            pltpu.VMEM((G, D_MODEL), jnp.float32),
            pltpu.SemaphoreType.DMA,
            pltpu.SemaphoreType.DMA,
        ],
    )
    def sc_lookup(x_hbm, head_hbm, tail0_hbm, tail1_hbm, out_hbm,
                  idx_v, il0, pl0_, il1, pl1_, il2, pl2_,
                  ps0, ps1, rows0, rows1, sem_g, sem_s):
        wid = lax.axis_index("s") * NC + lax.axis_index("c")
        base = wid * per_w
        pltpu.sync_copy(x_hbm.at[pl.ds(base, per_w)], idx_v)

        lanes = lax.iota(jnp.int32, L)

        dump = jnp.int32(cap - 1)

        def compact(g, offs):
            o0, o1, o2 = offs
            v = idx_v[pl.ds(g * L, L)]
            pos = base + g * L + lanes
            m0 = v < CUT0
            m2 = v >= CUT1
            m1 = jnp.logical_not(m0) & jnp.logical_not(m2)
            new_offs = []
            for m, il, plref, adj, o in (
                (m0, il0, pl0_, v, o0),
                (m1, il1, pl1_, v - CUT0, o1),
                (m2, il2, pl2_, v - CUT1, o2),
            ):
                mi = m.astype(jnp.int32)
                pc = plsc.cumsum(mi)
                dest = jnp.where(m, o + pc - 1, dump)
                plsc.store_scatter(il, [dest], adj)
                plsc.store_scatter(plref, [dest], pos)
                new_offs.append(o + pc[L - 1])
            return tuple(new_offs)

        def compact2(h, offs):
            offs = compact(2 * h, offs)
            return compact(2 * h + 1, offs)

        zero = jnp.int32(0)
        c0, c1, c2 = lax.fori_loop(0, steps // 2, compact2, (zero, zero, zero))

        for table, il, plist, cnt in (
            (head_hbm, il0, pl0_, c0),
            (tail0_hbm, il1, pl1_, c1),
            (tail1_hbm, il2, pl2_, c2),
        ):
            @pl.when(cnt % G != 0)
            def _pad(il=il, plist=plist, cnt=cnt):
                last = jnp.full((L,), cnt - 1, jnp.int32)
                lastv = plsc.load_gather(il, [last])
                lastp = plsc.load_gather(plist, [last])
                for k in range(G // L):
                    il[pl.ds(cnt + k * L, L)] = lastv
                    plist[pl.ds(cnt + k * L, L)] = lastp

            nsub = (cnt + (G - 1)) // G
            rows_bufs = (rows0, rows1)
            ps_bufs = (ps0, ps1)

            def issue_gather(j, parity, table=table, il=il):
                for p in range(2):
                    @pl.when(parity == p)
                    def _():
                        pltpu.async_copy(
                            table.at[il.at[pl.ds(j * G, G)]], rows_bufs[p],
                            sem_g)

            def wait_gather(table=table):
                pltpu.make_async_copy(
                    table.at[il0.at[pl.ds(0, G)]], rows0, sem_g).wait()

            def wait_scatter():
                pltpu.make_async_copy(rows0, out_hbm.at[ps0], sem_s).wait()

            @pl.when(nsub > 0)
            def _(table=table, il=il, plist=plist, nsub=nsub):
                issue_gather(0, 0)

                def gbody(j, _, table=table, il=il, plist=plist, nsub=nsub):
                    parity = j % 2

                    @pl.when(j >= 1)
                    def _():
                        wait_scatter()

                    wait_gather()
                    for p in range(2):
                        @pl.when(parity == p)
                        def _(p=p):
                            for k in range(G // L):
                                ps_bufs[p][pl.ds(k * L, L)] = (
                                    plist[pl.ds(j * G + k * L, L)])
                            pltpu.async_copy(
                                rows_bufs[p], out_hbm.at[ps_bufs[p]], sem_s)

                    @pl.when(j + 1 < nsub)
                    def _():
                        issue_gather(j + 1, (j + 1) % 2)
                    return 0

                lax.fori_loop(0, nsub, gbody, 0)
                wait_scatter()

    return sc_lookup


def kernel(x, head, tail0, tail1):
    b, l = x.shape
    flat = x.reshape(-1)
    out = _make_sc_lookup(flat.shape[0])(flat, head, tail0, tail1)
    return out.reshape(b, l, D_MODEL)

# --- scband reference (transcript-rebuilt; emitter-appended) ---
"""Pipeline reference for scband-adaptive-input-22308060135841 (READ-ONLY COPY).

The authoritative reference and input builder live on the scoring server;
editing this copy changes nothing except your own understanding.
"""

import jax, jax.numpy as jnp
import numpy as np

D_MODEL = 64
N_CLASSES = 1000000
CUTOFF_VALUES = [0, 20000, 200000, 1000000]


def setup_inputs(seed: int = 0) -> dict:
    key = jax.random.key(seed)
    k1, k2, k3, k4 = jax.random.split(key, 4)
    x = jax.random.randint(k1, (1024, 200), 0, N_CLASSES, dtype=jnp.int32)
    head = jax.random.normal(k2, (CUTOFF_VALUES[1] - CUTOFF_VALUES[0], D_MODEL), dtype=jnp.float32)
    tail0 = jax.random.normal(k3, (CUTOFF_VALUES[2] - CUTOFF_VALUES[1], D_MODEL), dtype=jnp.float32)
    tail1 = jax.random.normal(k4, (CUTOFF_VALUES[3] - CUTOFF_VALUES[2], D_MODEL), dtype=jnp.float32)
    return {"x": x, "head": head, "tail0": tail0, "tail1": tail1}


def reference(x, head, tail0, tail1):
    B, L = x.shape
    flat = x.reshape(-1)
    tables = [head, tail0, tail1]
    output = jnp.zeros((flat.shape[0], D_MODEL), dtype=jnp.float32)
    for i in range(len(tables)):
        low = CUTOFF_VALUES[i]
        high = CUTOFF_VALUES[i + 1]
        mask = (flat >= low) & (flat < high)
        idx = jnp.clip(flat - low, 0, tables[i].shape[0] - 1)
        emb = jnp.take(tables[i], idx, axis=0)
        output = jnp.where(mask[:, None], emb, output)
    return output.reshape(B, L, -1)

if __name__ == "__main__":
    import jax
    _d = setup_inputs()
    print(jax.jit(kernel)(*tuple(_d.values())))

</pallas_src>

<mosaic_0001>
#map = affine_map<(d0, d1) -> (0)>
#map1 = affine_map<(d0, d1) -> (0, 0)>
module attributes {stable_mosaic.version = 14 : i64} {
  func.func @sc_lookup(%arg0: i32, %arg1: i32, %arg2: memref<204800xi32, #tpu.memory_space<hbm>>, %arg3: memref<20000x64xf32, #tpu.memory_space<hbm>>, %arg4: memref<180000x64xf32, #tpu.memory_space<hbm>>, %arg5: memref<800000x64xf32, #tpu.memory_space<hbm>>, %arg6: memref<204800x64xf32, #tpu.memory_space<hbm>>, %arg7: memref<6400xi32, #tpu.memory_space<vmem>>, %arg8: memref<6544xi32, #tpu.memory_space<vmem>>, %arg9: memref<6544xi32, #tpu.memory_space<vmem>>, %arg10: memref<6544xi32, #tpu.memory_space<vmem>>, %arg11: memref<6544xi32, #tpu.memory_space<vmem>>, %arg12: memref<6544xi32, #tpu.memory_space<vmem>>, %arg13: memref<6544xi32, #tpu.memory_space<vmem>>, %arg14: memref<128xi32, #tpu.memory_space<vmem>>, %arg15: memref<128xi32, #tpu.memory_space<vmem>>, %arg16: memref<128x64xf32, #tpu.memory_space<vmem>>, %arg17: memref<128x64xf32, #tpu.memory_space<vmem>>, %arg18: memref<!tpu.dma_semaphore, #tpu.memory_space<semaphore_mem>>, %arg19: memref<!tpu.dma_semaphore, #tpu.memory_space<semaphore_mem>>) attributes {dimension_semantics = [#tpu.dimension_semantics<core_parallel>, #tpu.dimension_semantics<subcore_parallel>], iteration_bounds = array<i64: 2, 16>, scalar_prefetch = 0 : i64, scratch_operands = 13 : i64, tpu.core_type = #tpu.core_type<sc_vector_subcore>, window_params = [{transform_indices = #map}, {transform_indices = #map1}, {transform_indices = #map1}, {transform_indices = #map1}, {transform_indices = #map1}]} {
    %mul3A = arith.constant 2 : i32
    %mul3A_0 = arith.muli %arg1, %mul3A : i32
    %add3A = arith.addi %mul3A_0, %arg0 : i32
    %mul3A_1 = arith.constant 6400 : i32
    %mul3A_2 = arith.muli %add3A, %mul3A_1 : i32
    "tpu.region"() ({
      %run_scoped3A = tpu.sem_alloc : memref<!tpu.dma_semaphore, #tpu.memory_space<semaphore_mem>>
      %dma_start3A = tpu.memref_slice %arg2[%mul3A_2] : memref<204800xi32, #tpu.memory_space<hbm>> -> memref<6400xi32, #tpu.memory_space<hbm>>
      %dma_start3A_155 = tpu.memref_slice %arg2[%mul3A_2] : memref<204800xi32, #tpu.memory_space<hbm>> -> memref<6400xi32, #tpu.memory_space<hbm>>
      tpu.enqueue_dma source(%dma_start3A_155 : memref<6400xi32, #tpu.memory_space<hbm>>) target(%arg7 : memref<6400xi32, #tpu.memory_space<vmem>>) target_semaphore(%run_scoped3A : memref<!tpu.dma_semaphore, #tpu.memory_space<semaphore_mem>>)
      %dma_wait3A = tpu.memref_slice %arg2[%mul3A_2] : memref<204800xi32, #tpu.memory_space<hbm>> -> memref<6400xi32, #tpu.memory_space<hbm>>
      %dma_wait3A_156 = tpu.memref_slice %arg2[%mul3A_2] : memref<204800xi32, #tpu.memory_space<hbm>> -> memref<6400xi32, #tpu.memory_space<hbm>>
      tpu.wait_dma2 semaphore(%run_scoped3A : memref<!tpu.dma_semaphore, #tpu.memory_space<semaphore_mem>>) src(%dma_wait3A_156 : memref<6400xi32, #tpu.memory_space<hbm>>) dst(%arg7 : memref<6400xi32, #tpu.memory_space<vmem>>)
      tpu.yield
    }) : () -> ()
    %iota3A = tpu.iota {dimensions = array<i32: 0>} : vector<16xi32>
    %scan3A = arith.constant 6543 : i32
    %scan3A_3 = arith.constant 0 : i32
    %scan3A_4 = arith.constant 0 : i32
    %scan3A_5 = arith.constant 0 : i32
    %scan3A_6 = arith.constant 0 : i32
    %scan3A_7 = arith.constant 200 : i32
    %scan3A_8 = arith.addi %scan3A_6, %scan3A_7 : i32
    %scan3A_9 = arith.constant 1 : i32
    %scan3A_10:3 = scf.for %scan3A_155 = %scan3A_6 to %scan3A_8 step %scan3A_9 iter_args(%scan3A_156 = %scan3A_3, %scan3A_157 = %scan3A_4, %scan3A_158 = %scan3A_5) -> (i32, i32, i32)  : i32 {
      %mul3A_159 = arith.constant 2 : i32
      %mul3A_160 = arith.muli %mul3A_159, %scan3A_155 : i32
      %mul3A_161 = arith.constant 16 : i32
      %mul3A_162 = arith.muli %mul3A_160, %mul3A_161 : i32
      %get3A = arith.index_cast %mul3A_162 : i32 to index
      %get3A_163 = tpu.vector_load %arg7[%get3A] {strides = array<i32>} : memref<6400xi32, #tpu.memory_space<vmem>>, vector<16xi32>,
      %mul3A_164 = arith.constant 16 : i32
      %mul3A_165 = arith.muli %mul3A_160, %mul3A_164 : i32
      %add3A_166 = arith.addi %mul3A_2, %mul3A_165 : i32
      %add3A_167 = vector.broadcast %add3A_166 : i32 to vector<16xi32>
      %add3A_168 = arith.addi %add3A_167, %iota3A : vector<16xi32>
      %lt3A_169 = arith.constant 20000 : i32
      %lt3A_170 = vector.broadcast %lt3A_169 : i32 to vector<16xi32>
      %lt3A_171 = arith.cmpi slt, %get3A_163, %lt3A_170 : vector<16xi32>
      %ge3A = arith.constant 200000 : i32
      %ge3A_172 = vector.broadcast %ge3A : i32 to vector<16xi32>
      %ge3A_173 = arith.cmpi sge, %get3A_163, %ge3A_172 : vector<16xi32>
      %not3A = arith.constant dense<true> : vector<16xi1>
      %not3A_174 = arith.xori %lt3A_171, %not3A : vector<16xi1>
      %not3A_175 = arith.constant dense<true> : vector<16xi1>
      %not3A_176 = arith.xori %ge3A_173, %not3A_175 : vector<16xi1>
      %and3A_177 = arith.andi %not3A_174, %not3A_176 : vector<16xi1>
      %sub3A_178 = arith.constant 20000 : i32
      %sub3A_179 = vector.broadcast %sub3A_178 : i32 to vector<16xi32>
      %sub3A_180 = arith.subi %get3A_163, %sub3A_179 : vector<16xi32>
      %sub3A_181 = arith.constant 200000 : i32
      %sub3A_182 = vector.broadcast %sub3A_181 : i32 to vector<16xi32>
      %sub3A_183 = arith.subi %get3A_163, %sub3A_182 : vector<16xi32>
      %convert_element_type3A_184 = arith.extui %lt3A_171 : vector<16xi1> to vector<16xi32>
      %broadcast_in_dim3A = arith.constant true
      %broadcast_in_dim3A_185 = vector.broadcast %broadcast_in_dim3A : i1 to vector<16xi1>
      %masked_cumsum3A = tpu.scan <sum>, %convert_element_type3A_184 masked %broadcast_in_dim3A_185 : vector<16xi32>, vector<16xi1> -> vector<16xi32>
      %add3A_186 = vector.broadcast %scan3A_156 : i32 to vector<16xi32>
      %add3A_187 = arith.addi %add3A_186, %masked_cumsum3A : vector<16xi32>
      %sub3A_188 = arith.constant 1 : i32
      %sub3A_189 = vector.broadcast %sub3A_188 : i32 to vector<16xi32>
      %sub3A_190 = arith.subi %add3A_187, %sub3A_189 : vector<16xi32>
      %broadcast_in_dim3A_191 = vector.broadcast %scan3A : i32 to vector<16xi32>
      %select_n3A_192 = arith.select %lt3A_171, %sub3A_190, %broadcast_in_dim3A_191 : vector<16xi1>, vector<16xi32>
      tpu.vector_store_idx %arg8[%select_n3A_192], %get3A_163 : memref<6544xi32, #tpu.memory_space<vmem>>[vector<16xi32>], vector<16xi32>,
      tpu.vector_store_idx %arg9[%select_n3A_192], %add3A_168 : memref<6544xi32, #tpu.memory_space<vmem>>[vector<16xi32>], vector<16xi32>,
      %slice3A = vector.extract_strided_slice %masked_cumsum3A {offsets = [15], sizes = [1], strides = [1]} : vector<16xi32> to vector<1xi32>
      %squeeze3A = vector.extract %slice3A[0] : i32 from vector<1xi32>
      %add3A_193 = arith.addi %scan3A_156, %squeeze3A : i32
      %convert_element_type3A_194 = arith.extui %and3A_177 : vector<16xi1> to vector<16xi32>
      %broadcast_in_dim3A_195 = arith.constant true
      %broadcast_in_dim3A_196 = vector.broadcast %broadcast_in_dim3A_195 : i1 to vector<16xi1>
      %masked_cumsum3A_197 = tpu.scan <sum>, %convert_element_type3A_194 masked %broadcast_in_dim3A_196 : vector<16xi32>, vector<16xi1> -> vector<16xi32>
      %add3A_198 = vector.broadcast %scan3A_157 : i32 to vector<16xi32>
      %add3A_199 = arith.addi %add3A_198, %masked_cumsum3A_197 : vector<16xi32>
      %sub3A_200 = arith.constant 1 : i32
      %sub3A_201 = vector.broadcast %sub3A_200 : i32 to vector<16xi32>
      %sub3A_202 = arith.subi %add3A_199, %sub3A_201 : vector<16xi32>
      %broadcast_in_dim3A_203 = vector.broadcast %scan3A : i32 to vector<16xi32>
      %select_n3A_204 = arith.select %and3A_177, %sub3A_202, %broadcast_in_dim3A_203 : vector<16xi1>, vector<16xi32>
      tpu.vector_store_idx %arg10[%select_n3A_204], %sub3A_180 : memref<6544xi32, #tpu.memory_space<vmem>>[vector<16xi32>], vector<16xi32>,
      tpu.vector_store_idx %arg11[%select_n3A_204], %add3A_168 : memref<6544xi32, #tpu.memory_space<vmem>>[vector<16xi32>], vector<16xi32>,
      %slice3A_205 = vector.extract_strided_slice %masked_cumsum3A_197 {offsets = [15], sizes = [1], strides = [1]} : vector<16xi32> to vector<1xi32>
      %squeeze3A_206 = vector.extract %slice3A_205[0] : i32 from vector<1xi32>
      %add3A_207 = arith.addi %scan3A_157, %squeeze3A_206 : i32
      %convert_element_type3A_208 = arith.extui %ge3A_173 : vector<16xi1> to vector<16xi32>
      %broadcast_in_dim3A_209 = arith.constant true
      %broadcast_in_dim3A_210 = vector.broadcast %broadcast_in_dim3A_209 : i1 to vector<16xi1>
      %masked_cumsum3A_211 = tpu.scan <sum>, %convert_element_type3A_208 masked %broadcast_in_dim3A_210 : vector<16xi32>, vector<16xi1> -> vector<16xi32>
      %add3A_212 = vector.broadcast %scan3A_158 : i32 to vector<16xi32>
      %add3A_213 = arith.addi %add3A_212, %masked_cumsum3A_211 : vector<16xi32>
      %sub3A_214 = arith.constant 1 : i32
      %sub3A_215 = vector.broadcast %sub3A_214 : i32 to vector<16xi32>
      %sub3A_216 = arith.subi %add3A_213, %sub3A_215 : vector<16xi32>
      %broadcast_in_dim3A_217 = vector.broadcast %scan3A : i32 to vector<16xi32>
      %select_n3A_218 = arith.select %ge3A_173, %sub3A_216, %broadcast_in_dim3A_217 : vector<16xi1>, vector<16xi32>
      tpu.vector_store_idx %arg12[%select_n3A_218], %sub3A_183 : memref<6544xi32, #tpu.memory_space<vmem>>[vector<16xi32>], vector<16xi32>,
      tpu.vector_store_idx %arg13[%select_n3A_218], %add3A_168 : memref<6544xi32, #tpu.memory_space<vmem>>[vector<16xi32>], vector<16xi32>,
      %slice3A_219 = vector.extract_strided_slice %masked_cumsum3A_211 {offsets = [15], sizes = [1], strides = [1]} : vector<16xi32> to vector<1xi32>
      %squeeze3A_220 = vector.extract %slice3A_219[0] : i32 from vector<1xi32>
      %add3A_221 = arith.addi %scan3A_158, %squeeze3A_220 : i32
      %mul3A_222 = arith.constant 2 : i32
      %mul3A_223 = arith.muli %mul3A_222, %scan3A_155 : i32
      %add3A_224 = arith.constant 1 : i32
      %add3A_225 = arith.addi %mul3A_223, %add3A_224 : i32
      %mul3A_226 = arith.constant 16 : i32
      %mul3A_227 = arith.muli %add3A_225, %mul3A_226 : i32
      %get3A_228 = arith.index_cast %mul3A_227 : i32 to index
      %get3A_229 = tpu.vector_load %arg7[%get3A_228] {strides = array<i32>} : memref<6400xi32, #tpu.memory_space<vmem>>, vector<16xi32>,
      %mul3A_230 = arith.constant 16 : i32
      %mul3A_231 = arith.muli %add3A_225, %mul3A_230 : i32
      %add3A_232 = arith.addi %mul3A_2, %mul3A_231 : i32
      %add3A_233 = vector.broadcast %add3A_232 : i32 to vector<16xi32>
      %add3A_234 = arith.addi %add3A_233, %iota3A : vector<16xi32>
      %lt3A_235 = arith.constant 20000 : i32
      %lt3A_236 = vector.broadcast %lt3A_235 : i32 to vector<16xi32>
      %lt3A_237 = arith.cmpi slt, %get3A_229, %lt3A_236 : vector<16xi32>
      %ge3A_238 = arith.constant 200000 : i32
      %ge3A_239 = vector.broadcast %ge3A_238 : i32 to vector<16xi32>
      %ge3A_240 = arith.cmpi sge, %get3A_229, %ge3A_239 : vector<16xi32>
      %not3A_241 = arith.constant dense<true> : vector<16xi1>
      %not3A_242 = arith.xori %lt3A_237, %not3A_241 : vector<16xi1>
      %not3A_243 = arith.constant dense<true> : vector<16xi1>
      %not3A_244 = arith.xori %ge3A_240, %not3A_243 : vector<16xi1>
      %and3A_245 = arith.andi %not3A_242, %not3A_244 : vector<16xi1>
      %sub3A_246 = arith.constant 20000 : i32
      %sub3A_247 = vector.broadcast %sub3A_246 : i32 to vector<16xi32>
      %sub3A_248 = arith.subi %get3A_229, %sub3A_247 : vector<16xi32>
      %sub3A_249 = arith.constant 200000 : i32
      %sub3A_250 = vector.broadcast %sub3A_249 : i32 to vector<16xi32>
      %sub3A_251 = arith.subi %get3A_229, %sub3A_250 : vector<16xi32>
      %convert_element_type3A_252 = arith.extui %lt3A_237 : vector<16xi1> to vector<16xi32>
      %broadcast_in_dim3A_253 = arith.constant true
      %broadcast_in_dim3A_254 = vector.broadcast %broadcast_in_dim3A_253 : i1 to vector<16xi1>
      %masked_cumsum3A_255 = tpu.scan <sum>, %convert_element_type3A_252 masked %broadcast_in_dim3A_254 : vector<16xi32>, vector<16xi1> -> vector<16xi32>
      %add3A_256 = vector.broadcast %add3A_193 : i32 to vector<16xi32>
      %add3A_257 = arith.addi %add3A_256, %masked_cumsum3A_255 : vector<16xi32>
      %sub3A_258 = arith.constant 1 : i32
      %sub3A_259 = vector.broadcast %sub3A_258 : i32 to vector<16xi32>
      %sub3A_260 = arith.subi %add3A_257, %sub3A_259 : vector<16xi32>
      %broadcast_in_dim3A_261 = vector.broadcast %scan3A : i32 to vector<16xi32>
      %select_n3A_262 = arith.select %lt3A_237, %sub3A_260, %broadcast_in_dim3A_261 : vector<16xi1>, vector<16xi32>
      tpu.vector_store_idx %arg8[%select_n3A_262], %get3A_229 : memref<6544xi32, #tpu.memory_space<vmem>>[vector<16xi32>], vector<16xi32>,
      tpu.vector_store_idx %arg9[%select_n3A_262], %add3A_234 : memref<6544xi32, #tpu.memory_space<vmem>>[vector<16xi32>], vector<16xi32>,
      %slice3A_263 = vector.extract_strided_slice %masked_cumsum3A_255 {offsets = [15], sizes = [1], strides = [1]} : vector<16xi32> to vector<1xi32>
      %squeeze3A_264 = vector.extract %slice3A_263[0] : i32 from vector<1xi32>
      %add3A_265 = arith.addi %add3A_193, %squeeze3A_264 : i32
      %convert_element_type3A_266 = arith.extui %and3A_245 : vector<16xi1> to vector<16xi32>
      %broadcast_in_dim3A_267 = arith.constant true
      %broadcast_in_dim3A_268 = vector.broadcast %broadcast_in_dim3A_267 : i1 to vector<16xi1>
      %masked_cumsum3A_269 = tpu.scan <sum>, %convert_element_type3A_266 masked %broadcast_in_dim3A_268 : vector<16xi32>, vector<16xi1> -> vector<16xi32>
      %add3A_270 = vector.broadcast %add3A_207 : i32 to vector<16xi32>
      %add3A_271 = arith.addi %add3A_270, %masked_cumsum3A_269 : vector<16xi32>
      %sub3A_272 = arith.constant 1 : i32
      %sub3A_273 = vector.broadcast %sub3A_272 : i32 to vector<16xi32>
      %sub3A_274 = arith.subi %add3A_271, %sub3A_273 : vector<16xi32>
      %broadcast_in_dim3A_275 = vector.broadcast %scan3A : i32 to vector<16xi32>
      %select_n3A_276 = arith.select %and3A_245, %sub3A_274, %broadcast_in_dim3A_275 : vector<16xi1>, vector<16xi32>
      tpu.vector_store_idx %arg10[%select_n3A_276], %sub3A_248 : memref<6544xi32, #tpu.memory_space<vmem>>[vector<16xi32>], vector<16xi32>,
      tpu.vector_store_idx %arg11[%select_n3A_276], %add3A_234 : memref<6544xi32, #tpu.memory_space<vmem>>[vector<16xi32>], vector<16xi32>,
      %slice3A_277 = vector.extract_strided_slice %masked_cumsum3A_269 {offsets = [15], sizes = [1], strides = [1]} : vector<16xi32> to vector<1xi32>
      %squeeze3A_278 = vector.extract %slice3A_277[0] : i32 from vector<1xi32>
      %add3A_279 = arith.addi %add3A_207, %squeeze3A_278 : i32
      %convert_element_type3A_280 = arith.extui %ge3A_240 : vector<16xi1> to vector<16xi32>
      %broadcast_in_dim3A_281 = arith.constant true
      %broadcast_in_dim3A_282 = vector.broadcast %broadcast_in_dim3A_281 : i1 to vector<16xi1>
      %masked_cumsum3A_283 = tpu.scan <sum>, %convert_element_type3A_280 masked %broadcast_in_dim3A_282 : vector<16xi32>, vector<16xi1> -> vector<16xi32>
      %add3A_284 = vector.broadcast %add3A_221 : i32 to vector<16xi32>
      %add3A_285 = arith.addi %add3A_284, %masked_cumsum3A_283 : vector<16xi32>
      %sub3A_286 = arith.constant 1 : i32
      %sub3A_287 = vector.broadcast %sub3A_286 : i32 to vector<16xi32>
      %sub3A_288 = arith.subi %add3A_285, %sub3A_287 : vector<16xi32>
      %broadcast_in_dim3A_289 = vector.broadcast %scan3A : i32 to vector<16xi32>
      %select_n3A_290 = arith.select %ge3A_240, %sub3A_288, %broadcast_in_dim3A_289 : vector<16xi1>, vector<16xi32>
      tpu.vector_store_idx %arg12[%select_n3A_290], %sub3A_251 : memref<6544xi32, #tpu.memory_space<vmem>>[vector<16xi32>], vector<16xi32>,
      tpu.vector_store_idx %arg13[%select_n3A_290], %add3A_234 : memref<6544xi32, #tpu.memory_space<vmem>>[vector<16xi32>], vector<16xi32>,
      %slice3A_291 = vector.extract_strided_slice %masked_cumsum3A_283 {offsets = [15], sizes = [1], strides = [1]} : vector<16xi32> to vector<1xi32>
      %squeeze3A_292 = vector.extract %slice3A_291[0] : i32 from vector<1xi32>
      %add3A_293 = arith.addi %add3A_221, %squeeze3A_292 : i32
      scf.yield %add3A_265, %add3A_279, %add3A_293 : i32, i32, i32
    }
    %scan3A_11 = arith.constant 200 : i32
    %jit3A = arith.constant 128 : i32
    %eq3A = arith.constant 0 : i32
    %eq3A_12 = arith.cmpi eq, %jit3A, %eq3A : i32
    %jit3A_13 = arith.constant 1 : i32
    %select_n3A = arith.select %eq3A_12, %jit3A_13, %jit3A : i32
    %rem3A = arith.remsi %scan3A_10#0, %select_n3A : i32
    %ne3A = arith.constant 0 : i32
    %ne3A_14 = arith.cmpi ne, %rem3A, %ne3A : i32
    %lt3A = arith.constant 0 : i32
    %lt3A_15 = arith.cmpi slt, %rem3A, %lt3A : i32
    %lt3A_16 = arith.constant 0 : i32
    %lt3A_17 = arith.cmpi slt, %select_n3A, %lt3A_16 : i32
    %ne3A_18 = arith.xori %lt3A_15, %lt3A_17 : i1
    %and3A = arith.andi %ne3A_18, %ne3A_14 : i1
    %add3A_19 = arith.addi %rem3A, %select_n3A : i32
    %select_n3A_20 = arith.select %and3A, %add3A_19, %rem3A : i32
    %ne3A_21 = arith.constant 0 : i32
    %ne3A_22 = arith.cmpi ne, %select_n3A_20, %ne3A_21 : i32
    %convert_element_type3A = arith.extui %ne3A_22 : i1 to i32
    %cond3A = arith.constant 0 : i32
    %cond3A_23 = arith.cmpi ne, %convert_element_type3A, %cond3A : i32
    scf.if %cond3A_23 {
      %sub3A_155 = arith.constant 1 : i32
      %sub3A_156 = arith.subi %scan3A_10#0, %sub3A_155 : i32
      %broadcast_in_dim3A = vector.broadcast %sub3A_156 : i32 to vector<16xi32>
      %gather3A = tpu.vector_load_idx %arg8[%broadcast_in_dim3A] : memref<6544xi32, #tpu.memory_space<vmem>>[vector<16xi32>], vector<16xi32>,
      %gather3A_157 = tpu.vector_load_idx %arg9[%broadcast_in_dim3A] : memref<6544xi32, #tpu.memory_space<vmem>>[vector<16xi32>], vector<16xi32>,
      %add3A_158 = arith.constant 0 : i32
      %add3A_159 = arith.addi %scan3A_10#0, %add3A_158 : i32
      %swap3A = arith.index_cast %add3A_159 : i32 to index
      %swap3A_160 = tpu.vector_load %arg8[%swap3A] {strides = array<i32>} : memref<6544xi32, #tpu.memory_space<vmem>>, vector<16xi32>,
      tpu.vector_store %arg8[%swap3A], %gather3A {strides = array<i32>} : memref<6544xi32, #tpu.memory_space<vmem>>, vector<16xi32>,
      %add3A_161 = arith.constant 0 : i32
      %add3A_162 = arith.addi %scan3A_10#0, %add3A_161 : i32
      %swap3A_163 = arith.index_cast %add3A_162 : i32 to index
      %swap3A_164 = tpu.vector_load %arg9[%swap3A_163] {strides = array<i32>} : memref<6544xi32, #tpu.memory_space<vmem>>, vector<16xi32>,
      tpu.vector_store %arg9[%swap3A_163], %gather3A_157 {strides = array<i32>} : memref<6544xi32, #tpu.memory_space<vmem>>, vector<16xi32>,
      %add3A_165 = arith.constant 16 : i32
      %add3A_166 = arith.addi %scan3A_10#0, %add3A_165 : i32
      %swap3A_167 = arith.index_cast %add3A_166 : i32 to index
      %swap3A_168 = tpu.vector_load %arg8[%swap3A_167] {strides = array<i32>} : memref<6544xi32, #tpu.memory_space<vmem>>, vector<16xi32>,
      tpu.vector_store %arg8[%swap3A_167], %gather3A {strides = array<i32>} : memref<6544xi32, #tpu.memory_space<vmem>>, vector<16xi32>,
      %add3A_169 = arith.constant 16 : i32
      %add3A_170 = arith.addi %scan3A_10#0, %add3A_169 : i32
      %swap3A_171 = arith.index_cast %add3A_170 : i32 to index
      %swap3A_172 = tpu.vector_load %arg9[%swap3A_171] {strides = array<i32>} : memref<6544xi32, #tpu.memory_space<vmem>>, vector<16xi32>,
      tpu.vector_store %arg9[%swap3A_171], %gather3A_157 {strides = array<i32>} : memref<6544xi32, #tpu.memory_space<vmem>>, vector<16xi32>,
      %add3A_173 = arith.constant 32 : i32
      %add3A_174 = arith.addi %scan3A_10#0, %add3A_173 : i32
      %swap3A_175 = arith.index_cast %add3A_174 : i32 to index
      %swap3A_176 = tpu.vector_load %arg8[%swap3A_175] {strides = array<i32>} : memref<6544xi32, #tpu.memory_space<vmem>>, vector<16xi32>,
      tpu.vector_store %arg8[%swap3A_175], %gather3A {strides = array<i32>} : memref<6544xi32, #tpu.memory_space<vmem>>, vector<16xi32>,
      %add3A_177 = arith.constant 32 : i32
      %add3A_178 = arith.addi %scan3A_10#0, %add3A_177 : i32
      %swap3A_179 = arith.index_cast %add3A_178 : i32 to index
      %swap3A_180 = tpu.vector_load %arg9[%swap3A_179] {strides = array<i32>} : memref<6544xi32, #tpu.memory_space<vmem>>, vector<16xi32>,
      tpu.vector_store %arg9[%swap3A_179], %gather3A_157 {strides = array<i32>} : memref<6544xi32, #tpu.memory_space<vmem>>, vector<16xi32>,
      %add3A_181 = arith.constant 48 : i32
      %add3A_182 = arith.addi %scan3A_10#0, %add3A_181 : i32
      %swap3A_183 = arith.index_cast %add3A_182 : i32 to index
      %swap3A_184 = tpu.vector_load %arg8[%swap3A_183] {strides = array<i32>} : memref<6544xi32, #tpu.memory_space<vmem>>, vector<16xi32>,
      tpu.vector_store %arg8[%swap3A_183], %gather3A {strides = array<i32>} : memref<6544xi32, #tpu.memory_space<vmem>>, vector<16xi32>,
      %add3A_185 = arith.constant 48 : i32
      %add3A_186 = arith.addi %scan3A_10#0, %add3A_185 : i32
      %swap3A_187 = arith.index_cast %add3A_186 : i32 to index
      %swap3A_188 = tpu.vector_load %arg9[%swap3A_187] {strides = array<i32>} : memref<6544xi32, #tpu.memory_space<vmem>>, vector<16xi32>,
      tpu.vector_store %arg9[%swap3A_187], %gather3A_157 {strides = array<i32>} : memref<6544xi32, #tpu.memory_space<vmem>>, vector<16xi32>,
      %add3A_189 = arith.constant 64 : i32
      %add3A_190 = arith.addi %scan3A_10#0, %add3A_189 : i32
      %swap3A_191 = arith.index_cast %add3A_190 : i32 to index
      %swap3A_192 = tpu.vector_load %arg8[%swap3A_191] {strides = array<i32>} : memref<6544xi32, #tpu.memory_space<vmem>>, vector<16xi32>,
      tpu.vector_store %arg8[%swap3A_191], %gather3A {strides = array<i32>} : memref<6544xi32, #tpu.memory_space<vmem>>, vector<16xi32>,
      %add3A_193 = arith.constant 64 : i32
      %add3A_194 = arith.addi %scan3A_10#0, %add3A_193 : i32
      %swap3A_195 = arith.index_cast %add3A_194 : i32 to index
      %swap3A_196 = tpu.vector_load %arg9[%swap3A_195] {strides = array<i32>} : memref<6544xi32, #tpu.memory_space<vmem>>, vector<16xi32>,
      tpu.vector_store %arg9[%swap3A_195], %gather3A_157 {strides = array<i32>} : memref<6544xi32, #tpu.memory_space<vmem>>, vector<16xi32>,
      %add3A_197 = arith.constant 80 : i32
      %add3A_198 = arith.addi %scan3A_10#0, %add3A_197 : i32
      %swap3A_199 = arith.index_cast %add3A_198 : i32 to index
      %swap3A_200 = tpu.vector_load %arg8[%swap3A_199] {strides = array<i32>} : memref<6544xi32, #tpu.memory_space<vmem>>, vector<16xi32>,
      tpu.vector_store %arg8[%swap3A_199], %gather3A {strides = array<i32>} : memref<6544xi32, #tpu.memory_space<vmem>>, vector<16xi32>,
      %add3A_201 = arith.constant 80 : i32
      %add3A_202 = arith.addi %scan3A_10#0, %add3A_201 : i32
      %swap3A_203 = arith.index_cast %add3A_202 : i32 to index
      %swap3A_204 = tpu.vector_load %arg9[%swap3A_203] {strides = array<i32>} : memref<6544xi32, #tpu.memory_space<vmem>>, vector<16xi32>,
      tpu.vector_store %arg9[%swap3A_203], %gather3A_157 {strides = array<i32>} : memref<6544xi32, #tpu.memory_space<vmem>>, vector<16xi32>,
      %add3A_205 = arith.constant 96 : i32
      %add3A_206 = arith.addi %scan3A_10#0, %add3A_205 : i32
      %swap3A_207 = arith.index_cast %add3A_206 : i32 to index
      %swap3A_208 = tpu.vector_load %arg8[%swap3A_207] {strides = array<i32>} : memref<6544xi32, #tpu.memory_space<vmem>>, vector<16xi32>,
      tpu.vector_store %arg8[%swap3A_207], %gather3A {strides = array<i32>} : memref<6544xi32, #tpu.memory_space<vmem>>, vector<16xi32>,
      %add3A_209 = arith.constant 96 : i32
      %add3A_210 = arith.addi %scan3A_10#0, %add3A_209 : i32
      %swap3A_211 = arith.index_cast %add3A_210 : i32 to index
      %swap3A_212 = tpu.vector_load %arg9[%swap3A_211] {strides = array<i32>} : memref<6544xi32, #tpu.memory_space<vmem>>, vector<16xi32>,
      tpu.vector_store %arg9[%swap3A_211], %gather3A_157 {strides = array<i32>} : memref<6544xi32, #tpu.memory_space<vmem>>, vector<16xi32>,
      %add3A_213 = arith.constant 112 : i32
      %add3A_214 = arith.addi %scan3A_10#0, %add3A_213 : i32
      %swap3A_215 = arith.index_cast %add3A_214 : i32 to index
      %swap3A_216 = tpu.vector_load %arg8[%swap3A_215] {strides = array<i32>} : memref<6544xi32, #tpu.memory_space<vmem>>, vector<16xi32>,
      tpu.vector_store %arg8[%swap3A_215], %gather3A {strides = array<i32>} : memref<6544xi32, #tpu.memory_space<vmem>>, vector<16xi32>,
      %add3A_217 = arith.constant 112 : i32
      %add3A_218 = arith.addi %scan3A_10#0, %add3A_217 : i32
      %swap3A_219 = arith.index_cast %add3A_218 : i32 to index
      %swap3A_220 = tpu.vector_load %arg9[%swap3A_219] {strides = array<i32>} : memref<6544xi32, #tpu.memory_space<vmem>>, vector<16xi32>,
      tpu.vector_store %arg9[%swap3A_219], %gather3A_157 {strides = array<i32>} : memref<6544xi32, #tpu.memory_space<vmem>>, vector<16xi32>,
    } else {
    }
    %add3A_24 = arith.constant 127 : i32
    %add3A_25 = arith.addi %scan3A_10#0, %add3A_24 : i32
    %jit3A_26 = arith.constant 128 : i32
    %div3A = arith.divsi %add3A_25, %jit3A_26 : i32
    %sign3A = arith.constant 0 : i32
    %sign3A_27 = arith.cmpi sgt, %add3A_25, %sign3A : i32
    %sign3A_28 = arith.extui %sign3A_27 : i1 to i32
    %sign3A_29 = arith.constant 0 : i32
    %sign3A_30 = arith.cmpi slt, %add3A_25, %sign3A_29 : i32
    %sign3A_31 = arith.extui %sign3A_30 : i1 to i32
    %sign3A_32 = arith.subi %sign3A_28, %sign3A_31 : i32
    %sign3A_33 = arith.constant 0 : i32
    %sign3A_34 = arith.cmpi sgt, %jit3A_26, %sign3A_33 : i32
    %sign3A_35 = arith.extui %sign3A_34 : i1 to i32
    %sign3A_36 = arith.constant 0 : i32
    %sign3A_37 = arith.cmpi slt, %jit3A_26, %sign3A_36 : i32
    %sign3A_38 = arith.extui %sign3A_37 : i1 to i32
    %sign3A_39 = arith.subi %sign3A_35, %sign3A_38 : i32
    %ne3A_40 = arith.cmpi ne, %sign3A_32, %sign3A_39 : i32
    %rem3A_41 = arith.remsi %add3A_25, %jit3A_26 : i32
    %ne3A_42 = arith.constant 0 : i32
    %ne3A_43 = arith.cmpi ne, %rem3A_41, %ne3A_42 : i32
    %and3A_44 = arith.andi %ne3A_40, %ne3A_43 : i1
    %sub3A = arith.constant 1 : i32
    %sub3A_45 = arith.subi %div3A, %sub3A : i32
    %select_n3A_46 = arith.select %and3A_44, %sub3A_45, %div3A : i32
    %gt3A = arith.constant 0 : i32
    %gt3A_47 = arith.cmpi sgt, %select_n3A_46, %gt3A : i32
    %convert_element_type3A_48 = arith.extui %gt3A_47 : i1 to i32
    %cond3A_49 = arith.constant 0 : i32
    %cond3A_50 = arith.cmpi ne, %convert_element_type3A_48, %cond3A_49 : i32
    scf.if %cond3A_50 {
      %dma_start3A = arith.constant 0 : i32
      %dma_start3A_155 = tpu.memref_slice %arg8[%dma_start3A] : memref<6544xi32, #tpu.memory_space<vmem>> -> memref<128xi32, #tpu.memory_space<vmem>>
      %dma_start3A_156 = arith.constant 0 : i32
      %dma_start3A_157 = arith.constant 0 : i32
      %dma_start3A_158 = tpu.memref_slice %arg3[%dma_start3A_156, %dma_start3A_157] : memref<20000x64xf32, #tpu.memory_space<hbm>> -> memref<20000x64xf32, #tpu.memory_space<hbm>>
      tpu.enqueue_indirect_dma source(%dma_start3A_158 : memref<20000x64xf32, #tpu.memory_space<hbm>>) target(%arg16 : memref<128x64xf32, #tpu.memory_space<vmem>>) offsets(%dma_start3A_155 : memref<128xi32, #tpu.memory_space<vmem>>) semaphore(%arg18 : memref<!tpu.dma_semaphore, #tpu.memory_space<semaphore_mem>>)
      %while3A = arith.constant 0 : i32
      %while3A_159 = arith.constant 0 : i32
      %while3A_160 = arith.subi %select_n3A_46, %while3A : i32
      %while3A_161 = arith.addi %while3A, %while3A_160 : i32
      %while3A_162 = arith.constant 1 : i32
      %while3A_163 = arith.divsi %while3A_160, %while3A_162 : i32
      %while3A_164 = arith.muli %while3A_163, %while3A_162 : i32
      %while3A_165 = arith.addi %while3A, %while3A_164 : i32
      %while3A_166 = arith.constant 1 : i32
      %while3A_167 = scf.for %while3A_172 = %while3A to %while3A_165 step %while3A_166 iter_args(%while3A_173 = %while3A_159) -> (i32)  : i32 {
        %jit3A_174 = arith.constant 2 : i32
        %eq3A_175 = arith.constant 0 : i32
        %eq3A_176 = arith.cmpi eq, %jit3A_174, %eq3A_175 : i32
        %jit3A_177 = arith.constant 1 : i32
        %select_n3A_178 = arith.select %eq3A_176, %jit3A_177, %jit3A_174 : i32
        %rem3A_179 = arith.remsi %while3A_172, %select_n3A_178 : i32
        %ne3A_180 = arith.constant 0 : i32
        %ne3A_181 = arith.cmpi ne, %rem3A_179, %ne3A_180 : i32
        %lt3A_182 = arith.constant 0 : i32
        %lt3A_183 = arith.cmpi slt, %rem3A_179, %lt3A_182 : i32
        %lt3A_184 = arith.constant 0 : i32
        %lt3A_185 = arith.cmpi slt, %select_n3A_178, %lt3A_184 : i32
        %ne3A_186 = arith.xori %lt3A_183, %lt3A_185 : i1
        %and3A_187 = arith.andi %ne3A_186, %ne3A_181 : i1
        %add3A_188 = arith.addi %rem3A_179, %select_n3A_178 : i32
        %select_n3A_189 = arith.select %and3A_187, %add3A_188, %rem3A_179 : i32
        %ge3A = arith.constant 1 : i32
        %ge3A_190 = arith.cmpi sge, %while3A_172, %ge3A : i32
        %convert_element_type3A_191 = arith.extui %ge3A_190 : i1 to i32
        %cond3A_192 = arith.constant 0 : i32
        %cond3A_193 = arith.cmpi ne, %convert_element_type3A_191, %cond3A_192 : i32
        scf.if %cond3A_193 {
          %dma_wait3A_216 = arith.constant 0 : i32
          %dma_wait3A_217 = arith.constant 0 : i32
          %dma_wait3A_218 = tpu.memref_slice %arg6[%dma_wait3A_216, %dma_wait3A_217] : memref<204800x64xf32, #tpu.memory_space<hbm>> -> memref<204800x64xf32, #tpu.memory_space<hbm>>
          tpu.wait_indirect_dma semaphore(%arg19 : memref<!tpu.dma_semaphore, #tpu.memory_space<semaphore_mem>>) src(%arg16 : memref<128x64xf32, #tpu.memory_space<vmem>>) dst(%dma_wait3A_218 : memref<204800x64xf32, #tpu.memory_space<hbm>>)
        } else {
        }
        %dma_wait3A_194 = arith.constant 0 : i32
        %dma_wait3A_195 = tpu.memref_slice %arg8[%dma_wait3A_194] : memref<6544xi32, #tpu.memory_space<vmem>> -> memref<128xi32, #tpu.memory_space<vmem>>
        %dma_wait3A_196 = arith.constant 0 : i32
        %dma_wait3A_197 = arith.constant 0 : i32
        %dma_wait3A_198 = tpu.memref_slice %arg3[%dma_wait3A_196, %dma_wait3A_197] : memref<20000x64xf32, #tpu.memory_space<hbm>> -> memref<20000x64xf32, #tpu.memory_space<hbm>>
        tpu.wait_indirect_dma semaphore(%arg18 : memref<!tpu.dma_semaphore, #tpu.memory_space<semaphore_mem>>) src(%dma_wait3A_198 : memref<20000x64xf32, #tpu.memory_space<hbm>>) dst(%arg16 : memref<128x64xf32, #tpu.memory_space<vmem>>)
        %eq3A_199 = arith.constant 0 : i32
        %eq3A_200 = arith.cmpi eq, %select_n3A_189, %eq3A_199 : i32
        %convert_element_type3A_201 = arith.extui %eq3A_200 : i1 to i32
        %cond3A_202 = arith.constant 0 : i32
        %cond3A_203 = arith.cmpi ne, %convert_element_type3A_201, %cond3A_202 : i32
        scf.if %cond3A_203 {
          %mul3A_216 = arith.constant 128 : i32
          %mul3A_217 = arith.muli %while3A_172, %mul3A_216 : i32
          %add3A_218 = arith.constant 0 : i32
          %add3A_219 = arith.addi %mul3A_217, %add3A_218 : i32
          %get3A = arith.index_cast %add3A_219 : i32 to index
          %get3A_220 = tpu.vector_load %arg9[%get3A] {strides = array<i32>} : memref<6544xi32, #tpu.memory_space<vmem>>, vector<16xi32>,
          %swap3A = arith.constant 0 : index
          %swap3A_221 = tpu.vector_load %arg14[%swap3A] {strides = array<i32>} : memref<128xi32, #tpu.memory_space<vmem>>, vector<16xi32>,
          tpu.vector_store %arg14[%swap3A], %get3A_220 {strides = array<i32>} : memref<128xi32, #tpu.memory_space<vmem>>, vector<16xi32>,
          %mul3A_222 = arith.constant 128 : i32
          %mul3A_223 = arith.muli %while3A_172, %mul3A_222 : i32
          %add3A_224 = arith.constant 16 : i32
          %add3A_225 = arith.addi %mul3A_223, %add3A_224 : i32
          %get3A_226 = arith.index_cast %add3A_225 : i32 to index
          %get3A_227 = tpu.vector_load %arg9[%get3A_226] {strides = array<i32>} : memref<6544xi32, #tpu.memory_space<vmem>>, vector<16xi32>,
          %swap3A_228 = arith.constant 16 : index
          %swap3A_229 = tpu.vector_load %arg14[%swap3A_228] {strides = array<i32>} : memref<128xi32, #tpu.memory_space<vmem>>, vector<16xi32>,
          tpu.vector_store %arg14[%swap3A_228], %get3A_227 {strides = array<i32>} : memref<128xi32, #tpu.memory_space<vmem>>, vector<16xi32>,
          %mul3A_230 = arith.constant 128 : i32
          %mul3A_231 = arith.muli %while3A_172, %mul3A_230 : i32
          %add3A_232 = arith.constant 32 : i32
          %add3A_233 = arith.addi %mul3A_231, %add3A_232 : i32
          %get3A_234 = arith.index_cast %add3A_233 : i32 to index
          %get3A_235 = tpu.vector_load %arg9[%get3A_234] {strides = array<i32>} : memref<6544xi32, #tpu.memory_space<vmem>>, vector<16xi32>,
          %swap3A_236 = arith.constant 32 : index
          %swap3A_237 = tpu.vector_load %arg14[%swap3A_236] {strides = array<i32>} : memref<128xi32, #tpu.memory_space<vmem>>, vector<16xi32>,
          tpu.vector_store %arg14[%swap3A_236], %get3A_235 {strides = array<i32>} : memref<128xi32, #tpu.memory_space<vmem>>, vector<16xi32>,
          %mul3A_238 = arith.constant 128 : i32
          %mul3A_239 = arith.muli %while3A_172, %mul3A_238 : i32
          %add3A_240 = arith.constant 48 : i32
          %add3A_241 = arith.addi %mul3A_239, %add3A_240 : i32
          %get3A_242 = arith.index_cast %add3A_241 : i32 to index
          %get3A_243 = tpu.vector_load %arg9[%get3A_242] {strides = array<i32>} : memref<6544xi32, #tpu.memory_space<vmem>>, vector<16xi32>,
          %swap3A_244 = arith.constant 48 : index
          %swap3A_245 = tpu.vector_load %arg14[%swap3A_244] {strides = array<i32>} : memref<128xi32, #tpu.memory_space<vmem>>, vector<16xi32>,
          tpu.vector_store %arg14[%swap3A_244], %get3A_243 {strides = array<i32>} : memref<128xi32, #tpu.memory_space<vmem>>, vector<16xi32>,
          %mul3A_246 = arith.constant 128 : i32
          %mul3A_247 = arith.muli %while3A_172, %mul3A_246 : i32
          %add3A_248 = arith.constant 64 : i32
          %add3A_249 = arith.addi %mul3A_247, %add3A_248 : i32
          %get3A_250 = arith.index_cast %add3A_249 : i32 to index
          %get3A_251 = tpu.vector_load %arg9[%get3A_250] {strides = array<i32>} : memref<6544xi32, #tpu.memory_space<vmem>>, vector<16xi32>,
          %swap3A_252 = arith.constant 64 : index
          %swap3A_253 = tpu.vector_load %arg14[%swap3A_252] {strides = array<i32>} : memref<128xi32, #tpu.memory_space<vmem>>, vector<16xi32>,
          tpu.vector_store %arg14[%swap3A_252], %get3A_251 {strides = array<i32>} : memref<128xi32, #tpu.memory_space<vmem>>, vector<16xi32>,
          %mul3A_254 = arith.constant 128 : i32
          %mul3A_255 = arith.muli %while3A_172, %mul3A_254 : i32
          %add3A_256 = arith.constant 80 : i32
          %add3A_257 = arith.addi %mul3A_255, %add3A_256 : i32
          %get3A_258 = arith.index_cast %add3A_257 : i32 to index
          %get3A_259 = tpu.vector_load %arg9[%get3A_258] {strides = array<i32>} : memref<6544xi32, #tpu.memory_space<vmem>>, vector<16xi32>,
          %swap3A_260 = arith.constant 80 : index
          %swap3A_261 = tpu.vector_load %arg14[%swap3A_260] {strides = array<i32>} : memref<128xi32, #tpu.memory_space<vmem>>, vector<16xi32>,
          tpu.vector_store %arg14[%swap3A_260], %get3A_259 {strides = array<i32>} : memref<128xi32, #tpu.memory_space<vmem>>, vector<16xi32>,
          %mul3A_262 = arith.constant 128 : i32
          %mul3A_263 = arith.muli %while3A_172, %mul3A_262 : i32
          %add3A_264 = arith.constant 96 : i32
          %add3A_265 = arith.addi %mul3A_263, %add3A_264 : i32
          %get3A_266 = arith.index_cast %add3A_265 : i32 to index
          %get3A_267 = tpu.vector_load %arg9[%get3A_266] {strides = array<i32>} : memref<6544xi32, #tpu.memory_space<vmem>>, vector<16xi32>,
          %swap3A_268 = arith.constant 96 : index
          %swap3A_269 = tpu.vector_load %arg14[%swap3A_268] {strides = array<i32>} : memref<128xi32, #tpu.memory_space<vmem>>, vector<16xi32>,
          tpu.vector_store %arg14[%swap3A_268], %get3A_267 {strides = array<i32>} : memref<128xi32, #tpu.memory_space<vmem>>, vector<16xi32>,
          %mul3A_270 = arith.constant 128 : i32
          %mul3A_271 = arith.muli %while3A_172, %mul3A_270 : i32
          %add3A_272 = arith.constant 112 : i32
          %add3A_273 = arith.addi %mul3A_271, %add3A_272 : i32
          %get3A_274 = arith.index_cast %add3A_273 : i32 to index
          %get3A_275 = tpu.vector_load %arg9[%get3A_274] {strides = array<i32>} : memref<6544xi32, #tpu.memory_space<vmem>>, vector<16xi32>,
          %swap3A_276 = arith.constant 112 : index
          %swap3A_277 = tpu.vector_load %arg14[%swap3A_276] {strides = array<i32>} : memref<128xi32, #tpu.memory_space<vmem>>, vector<16xi32>,
          tpu.vector_store %arg14[%swap3A_276], %get3A_275 {strides = array<i32>} : memref<128xi32, #tpu.memory_space<vmem>>, vector<16xi32>,
          %dma_start3A_278 = arith.constant 0 : i32
          %dma_start3A_279 = arith.constant 0 : i32
          %dma_start3A_280 = tpu.memref_slice %arg6[%dma_start3A_278, %dma_start3A_279] : memref<204800x64xf32, #tpu.memory_space<hbm>> -> memref<204800x64xf32, #tpu.memory_space<hbm>>
          tpu.enqueue_indirect_dma source(%arg16 : memref<128x64xf32, #tpu.memory_space<vmem>>) target(%dma_start3A_280 : memref<204800x64xf32, #tpu.memory_space<hbm>>) offsets(%arg14 : memref<128xi32, #tpu.memory_space<vmem>>) semaphore(%arg19 : memref<!tpu.dma_semaphore, #tpu.memory_space<semaphore_mem>>)
        } else {
        }
        %eq3A_204 = arith.constant 1 : i32
        %eq3A_205 = arith.cmpi eq, %select_n3A_189, %eq3A_204 : i32
        %convert_element_type3A_206 = arith.extui %eq3A_205 : i1 to i32
        %cond3A_207 = arith.constant 0 : i32
        %cond3A_208 = arith.cmpi ne, %convert_element_type3A_206, %cond3A_207 : i32
        scf.if %cond3A_208 {
          %mul3A_216 = arith.constant 128 : i32
          %mul3A_217 = arith.muli %while3A_172, %mul3A_216 : i32
          %add3A_218 = arith.constant 0 : i32
          %add3A_219 = arith.addi %mul3A_217, %add3A_218 : i32
          %get3A = arith.index_cast %add3A_219 : i32 to index
          %get3A_220 = tpu.vector_load %arg9[%get3A] {strides = array<i32>} : memref<6544xi32, #tpu.memory_space<vmem>>, vector<16xi32>,
          %swap3A = arith.constant 0 : index
          %swap3A_221 = tpu.vector_load %arg15[%swap3A] {strides = array<i32>} : memref<128xi32, #tpu.memory_space<vmem>>, vector<16xi32>,
          tpu.vector_store %arg15[%swap3A], %get3A_220 {strides = array<i32>} : memref<128xi32, #tpu.memory_space<vmem>>, vector<16xi32>,
          %mul3A_222 = arith.constant 128 : i32
          %mul3A_223 = arith.muli %while3A_172, %mul3A_222 : i32
          %add3A_224 = arith.constant 16 : i32
          %add3A_225 = arith.addi %mul3A_223, %add3A_224 : i32
          %get3A_226 = arith.index_cast %add3A_225 : i32 to index
          %get3A_227 = tpu.vector_load %arg9[%get3A_226] {strides = array<i32>} : memref<6544xi32, #tpu.memory_space<vmem>>, vector<16xi32>,
          %swap3A_228 = arith.constant 16 : index
          %swap3A_229 = tpu.vector_load %arg15[%swap3A_228] {strides = array<i32>} : memref<128xi32, #tpu.memory_space<vmem>>, vector<16xi32>,
          tpu.vector_store %arg15[%swap3A_228], %get3A_227 {strides = array<i32>} : memref<128xi32, #tpu.memory_space<vmem>>, vector<16xi32>,
          %mul3A_230 = arith.constant 128 : i32
          %mul3A_231 = arith.muli %while3A_172, %mul3A_230 : i32
          %add3A_232 = arith.constant 32 : i32
          %add3A_233 = arith.addi %mul3A_231, %add3A_232 : i32
          %get3A_234 = arith.index_cast %add3A_233 : i32 to index
          %get3A_235 = tpu.vector_load %arg9[%get3A_234] {strides = array<i32>} : memref<6544xi32, #tpu.memory_space<vmem>>, vector<16xi32>,
          %swap3A_236 = arith.constant 32 : index
          %swap3A_237 = tpu.vector_load %arg15[%swap3A_236] {strides = array<i32>} : memref<128xi32, #tpu.memory_space<vmem>>, vector<16xi32>,
          tpu.vector_store %arg15[%swap3A_236], %get3A_235 {strides = array<i32>} : memref<128xi32, #tpu.memory_space<vmem>>, vector<16xi32>,
          %mul3A_238 = arith.constant 128 : i32
          %mul3A_239 = arith.muli %while3A_172, %mul3A_238 : i32
          %add3A_240 = arith.constant 48 : i32
          %add3A_241 = arith.addi %mul3A_239, %add3A_240 : i32
          %get3A_242 = arith.index_cast %add3A_241 : i32 to index
          %get3A_243 = tpu.vector_load %arg9[%get3A_242] {strides = array<i32>} : memref<6544xi32, #tpu.memory_space<vmem>>, vector<16xi32>,
          %swap3A_244 = arith.constant 48 : index
          %swap3A_245 = tpu.vector_load %arg15[%swap3A_244] {strides = array<i32>} : memref<128xi32, #tpu.memory_space<vmem>>, vector<16xi32>,
          tpu.vector_store %arg15[%swap3A_244], %get3A_243 {strides = array<i32>} : memref<128xi32, #tpu.memory_space<vmem>>, vector<16xi32>,
          %mul3A_246 = arith.constant 128 : i32
          %mul3A_247 = arith.muli %while3A_172, %mul3A_246 : i32
          %add3A_248 = arith.constant 64 : i32
          %add3A_249 = arith.addi %mul3A_247, %add3A_248 : i32
          %get3A_250 = arith.index_cast %add3A_249 : i32 to index
          %get3A_251 = tpu.vector_load %arg9[%get3A_250] {strides = array<i32>} : memref<6544xi32, #tpu.memory_space<vmem>>, vector<16xi32>,
          %swap3A_252 = arith.constant 64 : index
          %swap3A_253 = tpu.vector_load %arg15[%swap3A_252] {strides = array<i32>} : memref<128xi32, #tpu.memory_space<vmem>>, vector<16xi32>,
          tpu.vector_store %arg15[%swap3A_252], %get3A_251 {strides = array<i32>} : memref<128xi32, #tpu.memory_space<vmem>>, vector<16xi32>,
          %mul3A_254 = arith.constant 128 : i32
          %mul3A_255 = arith.muli %while3A_172, %mul3A_254 : i32
          %add3A_256 = arith.constant 80 : i32
          %add3A_257 = arith.addi %mul3A_255, %add3A_256 : i32
          %get3A_258 = arith.index_cast %add3A_257 : i32 to index
          %get3A_259 = tpu.vector_load %arg9[%get3A_258] {strides = array<i32>} : memref<6544xi32, #tpu.memory_space<vmem>>, vector<16xi32>,
          %swap3A_260 = arith.constant 80 : index
          %swap3A_261 = tpu.vector_load %arg15[%swap3A_260] {strides = array<i32>} : memref<128xi32, #tpu.memory_space<vmem>>, vector<16xi32>,
          tpu.vector_store %arg15[%swap3A_260], %get3A_259 {strides = array<i32>} : memref<128xi32, #tpu.memory_space<vmem>>, vector<16xi32>,
          %mul3A_262 = arith.constant 128 : i32
          %mul3A_263 = arith.muli %while3A_172, %mul3A_262 : i32
          %add3A_264 = arith.constant 96 : i32
          %add3A_265 = arith.addi %mul3A_263, %add3A_264 : i32
          %get3A_266 = arith.index_cast %add3A_265 : i32 to index
          %get3A_267 = tpu.vector_load %arg9[%get3A_266] {strides = array<i32>} : memref<6544xi32, #tpu.memory_space<vmem>>, vector<16xi32>,
          %swap3A_268 = arith.constant 96 : index
          %swap3A_269 = tpu.vector_load %arg15[%swap3A_268] {strides = array<i32>} : memref<128xi32, #tpu.memory_space<vmem>>, vector<16xi32>,
          tpu.vector_store %arg15[%swap3A_268], %get3A_267 {strides = array<i32>} : memref<128xi32, #tpu.memory_space<vmem>>, vector<16xi32>,
          %mul3A_270 = arith.constant 128 : i32
          %mul3A_271 = arith.muli %while3A_172, %mul3A_270 : i32
          %add3A_272 = arith.constant 112 : i32
          %add3A_273 = arith.addi %mul3A_271, %add3A_272 : i32
          %get3A_274 = arith.index_cast %add3A_273 : i32 to index
          %get3A_275 = tpu.vector_load %arg9[%get3A_274] {strides = array<i32>} : memref<6544xi32, #tpu.memory_space<vmem>>, vector<16xi32>,
          %swap3A_276 = arith.constant 112 : index
          %swap3A_277 = tpu.vector_load %arg15[%swap3A_276] {strides = array<i32>} : memref<128xi32, #tpu.memory_space<vmem>>, vector<16xi32>,
          tpu.vector_store %arg15[%swap3A_276], %get3A_275 {strides = array<i32>} : memref<128xi32, #tpu.memory_space<vmem>>, vector<16xi32>,
          %dma_start3A_278 = arith.constant 0 : i32
          %dma_start3A_279 = arith.constant 0 : i32
          %dma_start3A_280 = tpu.memref_slice %arg6[%dma_start3A_278, %dma_start3A_279] : memref<204800x64xf32, #tpu.memory_space<hbm>> -> memref<204800x64xf32, #tpu.memory_space<hbm>>
          tpu.enqueue_indirect_dma source(%arg17 : memref<128x64xf32, #tpu.memory_space<vmem>>) target(%dma_start3A_280 : memref<204800x64xf32, #tpu.memory_space<hbm>>) offsets(%arg15 : memref<128xi32, #tpu.memory_space<vmem>>) semaphore(%arg19 : memref<!tpu.dma_semaphore, #tpu.memory_space<semaphore_mem>>)
        } else {
        }
        %add3A_209 = arith.constant 1 : i32
        %add3A_210 = arith.addi %while3A_172, %add3A_209 : i32
        %lt3A_211 = arith.cmpi slt, %add3A_210, %select_n3A_46 : i32
        %convert_element_type3A_212 = arith.extui %lt3A_211 : i1 to i32
        %cond3A_213 = arith.constant 0 : i32
        %cond3A_214 = arith.cmpi ne, %convert_element_type3A_212, %cond3A_213 : i32
        scf.if %cond3A_214 {
          %add3A_216 = arith.constant 1 : i32
          %add3A_217 = arith.addi %while3A_172, %add3A_216 : i32
          %add3A_218 = arith.constant 1 : i32
          %add3A_219 = arith.addi %while3A_172, %add3A_218 : i32
          %jit3A_220 = arith.constant 2 : i32
          %eq3A_221 = arith.constant 0 : i32
          %eq3A_222 = arith.cmpi eq, %jit3A_220, %eq3A_221 : i32
          %jit3A_223 = arith.constant 1 : i32
          %select_n3A_224 = arith.select %eq3A_222, %jit3A_223, %jit3A_220 : i32
          %rem3A_225 = arith.remsi %add3A_219, %select_n3A_224 : i32
          %ne3A_226 = arith.constant 0 : i32
          %ne3A_227 = arith.cmpi ne, %rem3A_225, %ne3A_226 : i32
          %lt3A_228 = arith.constant 0 : i32
          %lt3A_229 = arith.cmpi slt, %rem3A_225, %lt3A_228 : i32
          %lt3A_230 = arith.constant 0 : i32
          %lt3A_231 = arith.cmpi slt, %select_n3A_224, %lt3A_230 : i32
          %ne3A_232 = arith.xori %lt3A_229, %lt3A_231 : i1
          %and3A_233 = arith.andi %ne3A_232, %ne3A_227 : i1
          %add3A_234 = arith.addi %rem3A_225, %select_n3A_224 : i32
          %select_n3A_235 = arith.select %and3A_233, %add3A_234, %rem3A_225 : i32
          %eq3A_236 = arith.constant 0 : i32
          %eq3A_237 = arith.cmpi eq, %select_n3A_235, %eq3A_236 : i32
          %convert_element_type3A_238 = arith.extui %eq3A_237 : i1 to i32
          %cond3A_239 = arith.constant 0 : i32
          %cond3A_240 = arith.cmpi ne, %convert_element_type3A_238, %cond3A_239 : i32
          scf.if %cond3A_240 {
            %mul3A_246 = arith.constant 128 : i32
            %mul3A_247 = arith.muli %add3A_217, %mul3A_246 : i32
            %dma_start3A_248 = tpu.memref_slice %arg8[%mul3A_247] : memref<6544xi32, #tpu.memory_space<vmem>> -> memref<128xi32, #tpu.memory_space<vmem>>
            %dma_start3A_249 = arith.constant 0 : i32
            %dma_start3A_250 = arith.constant 0 : i32
            %dma_start3A_251 = tpu.memref_slice %arg3[%dma_start3A_249, %dma_start3A_250] : memref<20000x64xf32, #tpu.memory_space<hbm>> -> memref<20000x64xf32, #tpu.memory_space<hbm>>
            tpu.enqueue_indirect_dma source(%dma_start3A_251 : memref<20000x64xf32, #tpu.memory_space<hbm>>) target(%arg16 : memref<128x64xf32, #tpu.memory_space<vmem>>) offsets(%dma_start3A_248 : memref<128xi32, #tpu.memory_space<vmem>>) semaphore(%arg18 : memref<!tpu.dma_semaphore, #tpu.memory_space<semaphore_mem>>)
          } else {
          }
          %eq3A_241 = arith.constant 1 : i32
          %eq3A_242 = arith.cmpi eq, %select_n3A_235, %eq3A_241 : i32
          %convert_element_type3A_243 = arith.extui %eq3A_242 : i1 to i32
          %cond3A_244 = arith.constant 0 : i32
          %cond3A_245 = arith.cmpi ne, %convert_element_type3A_243, %cond3A_244 : i32
          scf.if %cond3A_245 {
            %mul3A_246 = arith.constant 128 : i32
            %mul3A_247 = arith.muli %add3A_217, %mul3A_246 : i32
            %dma_start3A_248 = tpu.memref_slice %arg8[%mul3A_247] : memref<6544xi32, #tpu.memory_space<vmem>> -> memref<128xi32, #tpu.memory_space<vmem>>
            %dma_start3A_249 = arith.constant 0 : i32
            %dma_start3A_250 = arith.constant 0 : i32
            %dma_start3A_251 = tpu.memref_slice %arg3[%dma_start3A_249, %dma_start3A_250] : memref<20000x64xf32, #tpu.memory_space<hbm>> -> memref<20000x64xf32, #tpu.memory_space<hbm>>
            tpu.enqueue_indirect_dma source(%dma_start3A_251 : memref<20000x64xf32, #tpu.memory_space<hbm>>) target(%arg17 : memref<128x64xf32, #tpu.memory_space<vmem>>) offsets(%dma_start3A_248 : memref<128xi32, #tpu.memory_space<vmem>>) semaphore(%arg18 : memref<!tpu.dma_semaphore, #tpu.memory_space<semaphore_mem>>)
          } else {
          }
        } else {
        }
        %while3A_215 = arith.constant 0 : i32
        scf.yield %while3A_215 : i32
      }
      %while3A_168 = arith.constant 1 : i32
      %while3A_169 = scf.for %while3A_172 = %while3A_165 to %while3A_161 step %while3A_168 iter_args(%while3A_173 = %while3A_167) -> (i32)  : i32 {
        %jit3A_174 = arith.constant 2 : i32
        %eq3A_175 = arith.constant 0 : i32
        %eq3A_176 = arith.cmpi eq, %jit3A_174, %eq3A_175 : i32
        %jit3A_177 = arith.constant 1 : i32
        %select_n3A_178 = arith.select %eq3A_176, %jit3A_177, %jit3A_174 : i32
        %rem3A_179 = arith.remsi %while3A_172, %select_n3A_178 : i32
        %ne3A_180 = arith.constant 0 : i32
        %ne3A_181 = arith.cmpi ne, %rem3A_179, %ne3A_180 : i32
        %lt3A_182 = arith.constant 0 : i32
        %lt3A_183 = arith.cmpi slt, %rem3A_179, %lt3A_182 : i32
        %lt3A_184 = arith.constant 0 : i32
        %lt3A_185 = arith.cmpi slt, %select_n3A_178, %lt3A_184 : i32
        %ne3A_186 = arith.xori %lt3A_183, %lt3A_185 : i1
        %and3A_187 = arith.andi %ne3A_186, %ne3A_181 : i1
        %add3A_188 = arith.addi %rem3A_179, %select_n3A_178 : i32
        %select_n3A_189 = arith.select %and3A_187, %add3A_188, %rem3A_179 : i32
        %ge3A = arith.constant 1 : i32
        %ge3A_190 = arith.cmpi sge, %while3A_172, %ge3A : i32
        %convert_element_type3A_191 = arith.extui %ge3A_190 : i1 to i32
        %cond3A_192 = arith.constant 0 : i32
        %cond3A_193 = arith.cmpi ne, %convert_element_type3A_191, %cond3A_192 : i32
        scf.if %cond3A_193 {
          %dma_wait3A_216 = arith.constant 0 : i32
          %dma_wait3A_217 = arith.constant 0 : i32
          %dma_wait3A_218 = tpu.memref_slice %arg6[%dma_wait3A_216, %dma_wait3A_217] : memref<204800x64xf32, #tpu.memory_space<hbm>> -> memref<204800x64xf32, #tpu.memory_space<hbm>>
          tpu.wait_indirect_dma semaphore(%arg19 : memref<!tpu.dma_semaphore, #tpu.memory_space<semaphore_mem>>) src(%arg16 : memref<128x64xf32, #tpu.memory_space<vmem>>) dst(%dma_wait3A_218 : memref<204800x64xf32, #tpu.memory_space<hbm>>)
        } else {
        }
        %dma_wait3A_194 = arith.constant 0 : i32
        %dma_wait3A_195 = tpu.memref_slice %arg8[%dma_wait3A_194] : memref<6544xi32, #tpu.memory_space<vmem>> -> memref<128xi32, #tpu.memory_space<vmem>>
        %dma_wait3A_196 = arith.constant 0 : i32
        %dma_wait3A_197 = arith.constant 0 : i32
        %dma_wait3A_198 = tpu.memref_slice %arg3[%dma_wait3A_196, %dma_wait3A_197] : memref<20000x64xf32, #tpu.memory_space<hbm>> -> memref<20000x64xf32, #tpu.memory_space<hbm>>
        tpu.wait_indirect_dma semaphore(%arg18 : memref<!tpu.dma_semaphore, #tpu.memory_space<semaphore_mem>>) src(%dma_wait3A_198 : memref<20000x64xf32, #tpu.memory_space<hbm>>) dst(%arg16 : memref<128x64xf32, #tpu.memory_space<vmem>>)
        %eq3A_199 = arith.constant 0 : i32
        %eq3A_200 = arith.cmpi eq, %select_n3A_189, %eq3A_199 : i32
        %convert_element_type3A_201 = arith.extui %eq3A_200 : i1 to i32
        %cond3A_202 = arith.constant 0 : i32
        %cond3A_203 = arith.cmpi ne, %convert_element_type3A_201, %cond3A_202 : i32
        scf.if %cond3A_203 {
          %mul3A_216 = arith.constant 128 : i32
          %mul3A_217 = arith.muli %while3A_172, %mul3A_216 : i32
          %add3A_218 = arith.constant 0 : i32
          %add3A_219 = arith.addi %mul3A_217, %add3A_218 : i32
          %get3A = arith.index_cast %add3A_219 : i32 to index
          %get3A_220 = tpu.vector_load %arg9[%get3A] {strides = array<i32>} : memref<6544xi32, #tpu.memory_space<vmem>>, vector<16xi32>,
          %swap3A = arith.constant 0 : index
          %swap3A_221 = tpu.vector_load %arg14[%swap3A] {strides = array<i32>} : memref<128xi32, #tpu.memory_space<vmem>>, vector<16xi32>,
          tpu.vector_store %arg14[%swap3A], %get3A_220 {strides = array<i32>} : memref<128xi32, #tpu.memory_space<vmem>>, vector<16xi32>,
          %mul3A_222 = arith.constant 128 : i32
          %mul3A_223 = arith.muli %while3A_172, %mul3A_222 : i32
          %add3A_224 = arith.constant 16 : i32
          %add3A_225 = arith.addi %mul3A_223, %add3A_224 : i32
          %get3A_226 = arith.index_cast %add3A_225 : i32 to index
          %get3A_227 = tpu.vector_load %arg9[%get3A_226] {strides = array<i32>} : memref<6544xi32, #tpu.memory_space<vmem>>, vector<16xi32>,
          %swap3A_228 = arith.constant 16 : index
          %swap3A_229 = tpu.vector_load %arg14[%swap3A_228] {strides = array<i32>} : memref<128xi32, #tpu.memory_space<vmem>>, vector<16xi32>,
          tpu.vector_store %arg14[%swap3A_228], %get3A_227 {strides = array<i32>} : memref<128xi32, #tpu.memory_space<vmem>>, vector<16xi32>,
          %mul3A_230 = arith.constant 128 : i32
          %mul3A_231 = arith.muli %while3A_172, %mul3A_230 : i32
          %add3A_232 = arith.constant 32 : i32
          %add3A_233 = arith.addi %mul3A_231, %add3A_232 : i32
          %get3A_234 = arith.index_cast %add3A_233 : i32 to index
          %get3A_235 = tpu.vector_load %arg9[%get3A_234] {strides = array<i32>} : memref<6544xi32, #tpu.memory_space<vmem>>, vector<16xi32>,
          %swap3A_236 = arith.constant 32 : index
          %swap3A_237 = tpu.vector_load %arg14[%swap3A_236] {strides = array<i32>} : memref<128xi32, #tpu.memory_space<vmem>>, vector<16xi32>,
          tpu.vector_store %arg14[%swap3A_236], %get3A_235 {strides = array<i32>} : memref<128xi32, #tpu.memory_space<vmem>>, vector<16xi32>,
          %mul3A_238 = arith.constant 128 : i32
          %mul3A_239 = arith.muli %while3A_172, %mul3A_238 : i32
          %add3A_240 = arith.constant 48 : i32
          %add3A_241 = arith.addi %mul3A_239, %add3A_240 : i32
          %get3A_242 = arith.index_cast %add3A_241 : i32 to index
          %get3A_243 = tpu.vector_load %arg9[%get3A_242] {strides = array<i32>} : memref<6544xi32, #tpu.memory_space<vmem>>, vector<16xi32>,
          %swap3A_244 = arith.constant 48 : index
          %swap3A_245 = tpu.vector_load %arg14[%swap3A_244] {strides = array<i32>} : memref<128xi32, #tpu.memory_space<vmem>>, vector<16xi32>,
          tpu.vector_store %arg14[%swap3A_244], %get3A_243 {strides = array<i32>} : memref<128xi32, #tpu.memory_space<vmem>>, vector<16xi32>,
          %mul3A_246 = arith.constant 128 : i32
          %mul3A_247 = arith.muli %while3A_172, %mul3A_246 : i32
          %add3A_248 = arith.constant 64 : i32
          %add3A_249 = arith.addi %mul3A_247, %add3A_248 : i32
          %get3A_250 = arith.index_cast %add3A_249 : i32 to index
          %get3A_251 = tpu.vector_load %arg9[%get3A_250] {strides = array<i32>} : memref<6544xi32, #tpu.memory_space<vmem>>, vector<16xi32>,
          %swap3A_252 = arith.constant 64 : index
          %swap3A_253 = tpu.vector_load %arg14[%swap3A_252] {strides = array<i32>} : memref<128xi32, #tpu.memory_space<vmem>>, vector<16xi32>,
          tpu.vector_store %arg14[%swap3A_252], %get3A_251 {strides = array<i32>} : memref<128xi32, #tpu.memory_space<vmem>>, vector<16xi32>,
          %mul3A_254 = arith.constant 128 : i32
          %mul3A_255 = arith.muli %while3A_172, %mul3A_254 : i32
          %add3A_256 = arith.constant 80 : i32
          %add3A_257 = arith.addi %mul3A_255, %add3A_256 : i32
          %get3A_258 = arith.index_cast %add3A_257 : i32 to index
          %get3A_259 = tpu.vector_load %arg9[%get3A_258] {strides = array<i32>} : memref<6544xi32, #tpu.memory_space<vmem>>, vector<16xi32>,
          %swap3A_260 = arith.constant 80 : index
          %swap3A_261 = tpu.vector_load %arg14[%swap3A_260] {strides = array<i32>} : memref<128xi32, #tpu.memory_space<vmem>>, vector<16xi32>,
          tpu.vector_store %arg14[%swap3A_260], %get3A_259 {strides = array<i32>} : memref<128xi32, #tpu.memory_space<vmem>>, vector<16xi32>,
          %mul3A_262 = arith.constant 128 : i32
          %mul3A_263 = arith.muli %while3A_172, %mul3A_262 : i32
          %add3A_264 = arith.constant 96 : i32
          %add3A_265 = arith.addi %mul3A_263, %add3A_264 : i32
          %get3A_266 = arith.index_cast %add3A_265 : i32 to index
          %get3A_267 = tpu.vector_load %arg9[%get3A_266] {strides = array<i32>} : memref<6544xi32, #tpu.memory_space<vmem>>, vector<16xi32>,
          %swap3A_268 = arith.constant 96 : index
          %swap3A_269 = tpu.vector_load %arg14[%swap3A_268] {strides = array<i32>} : memref<128xi32, #tpu.memory_space<vmem>>, vector<16xi32>,
          tpu.vector_store %arg14[%swap3A_268], %get3A_267 {strides = array<i32>} : memref<128xi32, #tpu.memory_space<vmem>>, vector<16xi32>,
          %mul3A_270 = arith.constant 128 : i32
          %mul3A_271 = arith.muli %while3A_172, %mul3A_270 : i32
          %add3A_272 = arith.constant 112 : i32
          %add3A_273 = arith.addi %mul3A_271, %add3A_272 : i32
          %get3A_274 = arith.index_cast %add3A_273 : i32 to index
          %get3A_275 = tpu.vector_load %arg9[%get3A_274] {strides = array<i32>} : memref<6544xi32, #tpu.memory_space<vmem>>, vector<16xi32>,
          %swap3A_276 = arith.constant 112 : index
          %swap3A_277 = tpu.vector_load %arg14[%swap3A_276] {strides = array<i32>} : memref<128xi32, #tpu.memory_space<vmem>>, vector<16xi32>,
          tpu.vector_store %arg14[%swap3A_276], %get3A_275 {strides = array<i32>} : memref<128xi32, #tpu.memory_space<vmem>>, vector<16xi32>,
          %dma_start3A_278 = arith.constant 0 : i32
          %dma_start3A_279 = arith.constant 0 : i32
          %dma_start3A_280 = tpu.memref_slice %arg6[%dma_start3A_278, %dma_start3A_279] : memref<204800x64xf32, #tpu.memory_space<hbm>> -> memref<204800x64xf32, #tpu.memory_space<hbm>>
          tpu.enqueue_indirect_dma source(%arg16 : memref<128x64xf32, #tpu.memory_space<vmem>>) target(%dma_start3A_280 : memref<204800x64xf32, #tpu.memory_space<hbm>>) offsets(%arg14 : memref<128xi32, #tpu.memory_space<vmem>>) semaphore(%arg19 : memref<!tpu.dma_semaphore, #tpu.memory_space<semaphore_mem>>)
        } else {
        }
        %eq3A_204 = arith.constant 1 : i32
        %eq3A_205 = arith.cmpi eq, %select_n3A_189, %eq3A_204 : i32
        %convert_element_type3A_206 = arith.extui %eq3A_205 : i1 to i32
        %cond3A_207 = arith.constant 0 : i32
        %cond3A_208 = arith.cmpi ne, %convert_element_type3A_206, %cond3A_207 : i32
        scf.if %cond3A_208 {
          %mul3A_216 = arith.constant 128 : i32
          %mul3A_217 = arith.muli %while3A_172, %mul3A_216 : i32
          %add3A_218 = arith.constant 0 : i32
          %add3A_219 = arith.addi %mul3A_217, %add3A_218 : i32
          %get3A = arith.index_cast %add3A_219 : i32 to index
          %get3A_220 = tpu.vector_load %arg9[%get3A] {strides = array<i32>} : memref<6544xi32, #tpu.memory_space<vmem>>, vector<16xi32>,
          %swap3A = arith.constant 0 : index
          %swap3A_221 = tpu.vector_load %arg15[%swap3A] {strides = array<i32>} : memref<128xi32, #tpu.memory_space<vmem>>, vector<16xi32>,
          tpu.vector_store %arg15[%swap3A], %get3A_220 {strides = array<i32>} : memref<128xi32, #tpu.memory_space<vmem>>, vector<16xi32>,
          %mul3A_222 = arith.constant 128 : i32
          %mul3A_223 = arith.muli %while3A_172, %mul3A_222 : i32
          %add3A_224 = arith.constant 16 : i32
          %add3A_225 = arith.addi %mul3A_223, %add3A_224 : i32
          %get3A_226 = arith.index_cast %add3A_225 : i32 to index
          %get3A_227 = tpu.vector_load %arg9[%get3A_226] {strides = array<i32>} : memref<6544xi32, #tpu.memory_space<vmem>>, vector<16xi32>,
          %swap3A_228 = arith.constant 16 : index
          %swap3A_229 = tpu.vector_load %arg15[%swap3A_228] {strides = array<i32>} : memref<128xi32, #tpu.memory_space<vmem>>, vector<16xi32>,
          tpu.vector_store %arg15[%swap3A_228], %get3A_227 {strides = array<i32>} : memref<128xi32, #tpu.memory_space<vmem>>, vector<16xi32>,
          %mul3A_230 = arith.constant 128 : i32
          %mul3A_231 = arith.muli %while3A_172, %mul3A_230 : i32
          %add3A_232 = arith.constant 32 : i32
          %add3A_233 = arith.addi %mul3A_231, %add3A_232 : i32
          %get3A_234 = arith.index_cast %add3A_233 : i32 to index
          %get3A_235 = tpu.vector_load %arg9[%get3A_234] {strides = array<i32>} : memref<6544xi32, #tpu.memory_space<vmem>>, vector<16xi32>,
          %swap3A_236 = arith.constant 32 : index
          %swap3A_237 = tpu.vector_load %arg15[%swap3A_236] {strides = array<i32>} : memref<128xi32, #tpu.memory_space<vmem>>, vector<16xi32>,
          tpu.vector_store %arg15[%swap3A_236], %get3A_235 {strides = array<i32>} : memref<128xi32, #tpu.memory_space<vmem>>, vector<16xi32>,
          %mul3A_238 = arith.constant 128 : i32
          %mul3A_239 = arith.muli %while3A_172, %mul3A_238 : i32
          %add3A_240 = arith.constant 48 : i32
          %add3A_241 = arith.addi %mul3A_239, %add3A_240 : i32
          %get3A_242 = arith.index_cast %add3A_241 : i32 to index
          %get3A_243 = tpu.vector_load %arg9[%get3A_242] {strides = array<i32>} : memref<6544xi32, #tpu.memory_space<vmem>>, vector<16xi32>,
          %swap3A_244 = arith.constant 48 : index
          %swap3A_245 = tpu.vector_load %arg15[%swap3A_244] {strides = array<i32>} : memref<128xi32, #tpu.memory_space<vmem>>, vector<16xi32>,
          tpu.vector_store %arg15[%swap3A_244], %get3A_243 {strides = array<i32>} : memref<128xi32, #tpu.memory_space<vmem>>, vector<16xi32>,
          %mul3A_246 = arith.constant 128 : i32
          %mul3A_247 = arith.muli %while3A_172, %mul3A_246 : i32
          %add3A_248 = arith.constant 64 : i32
          %add3A_249 = arith.addi %mul3A_247, %add3A_248 : i32
          %get3A_250 = arith.index_cast %add3A_249 : i32 to index
          %get3A_251 = tpu.vector_load %arg9[%get3A_250] {strides = array<i32>} : memref<6544xi32, #tpu.memory_space<vmem>>, vector<16xi32>,
          %swap3A_252 = arith.constant 64 : index
          %swap3A_253 = tpu.vector_load %arg15[%swap3A_252] {strides = array<i32>} : memref<128xi32, #tpu.memory_space<vmem>>, vector<16xi32>,
          tpu.vector_store %arg15[%swap3A_252], %get3A_251 {strides = array<i32>} : memref<128xi32, #tpu.memory_space<vmem>>, vector<16xi32>,
          %mul3A_254 = arith.constant 128 : i32
          %mul3A_255 = arith.muli %while3A_172, %mul3A_254 : i32
          %add3A_256 = arith.constant 80 : i32
          %add3A_257 = arith.addi %mul3A_255, %add3A_256 : i32
          %get3A_258 = arith.index_cast %add3A_257 : i32 to index
          %get3A_259 = tpu.vector_load %arg9[%get3A_258] {strides = array<i32>} : memref<6544xi32, #tpu.memory_space<vmem>>, vector<16xi32>,
          %swap3A_260 = arith.constant 80 : index
          %swap3A_261 = tpu.vector_load %arg15[%swap3A_260] {strides = array<i32>} : memref<128xi32, #tpu.memory_space<vmem>>, vector<16xi32>,
          tpu.vector_store %arg15[%swap3A_260], %get3A_259 {strides = array<i32>} : memref<128xi32, #tpu.memory_space<vmem>>, vector<16xi32>,
          %mul3A_262 = arith.constant 128 : i32
          %mul3A_263 = arith.muli %while3A_172, %mul3A_262 : i32
          %add3A_264 = arith.constant 96 : i32
          %add3A_265 = arith.addi %mul3A_263, %add3A_264 : i32
          %get3A_266 = arith.index_cast %add3A_265 : i32 to index
          %get3A_267 = tpu.vector_load %arg9[%get3A_266] {strides = array<i32>} : memref<6544xi32, #tpu.memory_space<vmem>>, vector<16xi32>,
          %swap3A_268 = arith.constant 96 : index
          %swap3A_269 = tpu.vector_load %arg15[%swap3A_268] {strides = array<i32>} : memref<128xi32, #tpu.memory_space<vmem>>, vector<16xi32>,
          tpu.vector_store %arg15[%swap3A_268], %get3A_267 {strides = array<i32>} : memref<128xi32, #tpu.memory_space<vmem>>, vector<16xi32>,
          %mul3A_270 = arith.constant 128 : i32
          %mul3A_271 = arith.muli %while3A_172, %mul3A_270 : i32
          %add3A_272 = arith.constant 112 : i32
          %add3A_273 = arith.addi %mul3A_271, %add3A_272 : i32
          %get3A_274 = arith.index_cast %add3A_273 : i32 to index
          %get3A_275 = tpu.vector_load %arg9[%get3A_274] {strides = array<i32>} : memref<6544xi32, #tpu.memory_space<vmem>>, vector<16xi32>,
          %swap3A_276 = arith.constant 112 : index
          %swap3A_277 = tpu.vector_load %arg15[%swap3A_276] {strides = array<i32>} : memref<128xi32, #tpu.memory_space<vmem>>, vector<16xi32>,
          tpu.vector_store %arg15[%swap3A_276], %get3A_275 {strides = array<i32>} : memref<128xi32, #tpu.memory_space<vmem>>, vector<16xi32>,
          %dma_start3A_278 = arith.constant 0 : i32
          %dma_start3A_279 = arith.constant 0 : i32
          %dma_start3A_280 = tpu.memref_slice %arg6[%dma_start3A_278, %dma_start3A_279] : memref<204800x64xf32, #tpu.memory_space<hbm>> -> memref<204800x64xf32, #tpu.memory_space<hbm>>
          tpu.enqueue_indirect_dma source(%arg17 : memref<128x64xf32, #tpu.memory_space<vmem>>) target(%dma_start3A_280 : memref<204800x64xf32, #tpu.memory_space<hbm>>) offsets(%arg15 : memref<128xi32, #tpu.memory_space<vmem>>) semaphore(%arg19 : memref<!tpu.dma_semaphore, #tpu.memory_space<semaphore_mem>>)
        } else {
        }
        %add3A_209 = arith.constant 1 : i32
        %add3A_210 = arith.addi %while3A_172, %add3A_209 : i32
        %lt3A_211 = arith.cmpi slt, %add3A_210, %select_n3A_46 : i32
        %convert_element_type3A_212 = arith.extui %lt3A_211 : i1 to i32
        %cond3A_213 = arith.constant 0 : i32
        %cond3A_214 = arith.cmpi ne, %convert_element_type3A_212, %cond3A_213 : i32
        scf.if %cond3A_214 {
          %add3A_216 = arith.constant 1 : i32
          %add3A_217 = arith.addi %while3A_172, %add3A_216 : i32
          %add3A_218 = arith.constant 1 : i32
          %add3A_219 = arith.addi %while3A_172, %add3A_218 : i32
          %jit3A_220 = arith.constant 2 : i32
          %eq3A_221 = arith.constant 0 : i32
          %eq3A_222 = arith.cmpi eq, %jit3A_220, %eq3A_221 : i32
          %jit3A_223 = arith.constant 1 : i32
          %select_n3A_224 = arith.select %eq3A_222, %jit3A_223, %jit3A_220 : i32
          %rem3A_225 = arith.remsi %add3A_219, %select_n3A_224 : i32
          %ne3A_226 = arith.constant 0 : i32
          %ne3A_227 = arith.cmpi ne, %rem3A_225, %ne3A_226 : i32
          %lt3A_228 = arith.constant 0 : i32
          %lt3A_229 = arith.cmpi slt, %rem3A_225, %lt3A_228 : i32
          %lt3A_230 = arith.constant 0 : i32
          %lt3A_231 = arith.cmpi slt, %select_n3A_224, %lt3A_230 : i32
          %ne3A_232 = arith.xori %lt3A_229, %lt3A_231 : i1
          %and3A_233 = arith.andi %ne3A_232, %ne3A_227 : i1
          %add3A_234 = arith.addi %rem3A_225, %select_n3A_224 : i32
          %select_n3A_235 = arith.select %and3A_233, %add3A_234, %rem3A_225 : i32
          %eq3A_236 = arith.constant 0 : i32
          %eq3A_237 = arith.cmpi eq, %select_n3A_235, %eq3A_236 : i32
          %convert_element_type3A_238 = arith.extui %eq3A_237 : i1 to i32
          %cond3A_239 = arith.constant 0 : i32
          %cond3A_240 = arith.cmpi ne, %convert_element_type3A_238, %cond3A_239 : i32
          scf.if %cond3A_240 {
            %mul3A_246 = arith.constant 128 : i32
            %mul3A_247 = arith.muli %add3A_217, %mul3A_246 : i32
            %dma_start3A_248 = tpu.memref_slice %arg8[%mul3A_247] : memref<6544xi32, #tpu.memory_space<vmem>> -> memref<128xi32, #tpu.memory_space<vmem>>
            %dma_start3A_249 = arith.constant 0 : i32
            %dma_start3A_250 = arith.constant 0 : i32
            %dma_start3A_251 = tpu.memref_slice %arg3[%dma_start3A_249, %dma_start3A_250] : memref<20000x64xf32, #tpu.memory_space<hbm>> -> memref<20000x64xf32, #tpu.memory_space<hbm>>
            tpu.enqueue_indirect_dma source(%dma_start3A_251 : memref<20000x64xf32, #tpu.memory_space<hbm>>) target(%arg16 : memref<128x64xf32, #tpu.memory_space<vmem>>) offsets(%dma_start3A_248 : memref<128xi32, #tpu.memory_space<vmem>>) semaphore(%arg18 : memref<!tpu.dma_semaphore, #tpu.memory_space<semaphore_mem>>)
          } else {
          }
          %eq3A_241 = arith.constant 1 : i32
          %eq3A_242 = arith.cmpi eq, %select_n3A_235, %eq3A_241 : i32
          %convert_element_type3A_243 = arith.extui %eq3A_242 : i1 to i32
          %cond3A_244 = arith.constant 0 : i32
          %cond3A_245 = arith.cmpi ne, %convert_element_type3A_243, %cond3A_244 : i32
          scf.if %cond3A_245 {
            %mul3A_246 = arith.constant 128 : i32
            %mul3A_247 = arith.muli %add3A_217, %mul3A_246 : i32
            %dma_start3A_248 = tpu.memref_slice %arg8[%mul3A_247] : memref<6544xi32, #tpu.memory_space<vmem>> -> memref<128xi32, #tpu.memory_space<vmem>>
            %dma_start3A_249 = arith.constant 0 : i32
            %dma_start3A_250 = arith.constant 0 : i32
            %dma_start3A_251 = tpu.memref_slice %arg3[%dma_start3A_249, %dma_start3A_250] : memref<20000x64xf32, #tpu.memory_space<hbm>> -> memref<20000x64xf32, #tpu.memory_space<hbm>>
            tpu.enqueue_indirect_dma source(%dma_start3A_251 : memref<20000x64xf32, #tpu.memory_space<hbm>>) target(%arg17 : memref<128x64xf32, #tpu.memory_space<vmem>>) offsets(%dma_start3A_248 : memref<128xi32, #tpu.memory_space<vmem>>) semaphore(%arg18 : memref<!tpu.dma_semaphore, #tpu.memory_space<semaphore_mem>>)
          } else {
          }
        } else {
        }
        %while3A_215 = arith.constant 0 : i32
        scf.yield %while3A_215 : i32
      }
      %dma_wait3A = arith.constant 0 : i32
      %dma_wait3A_170 = arith.constant 0 : i32
      %dma_wait3A_171 = tpu.memref_slice %arg6[%dma_wait3A, %dma_wait3A_170] : memref<204800x64xf32, #tpu.memory_space<hbm>> -> memref<204800x64xf32, #tpu.memory_space<hbm>>
      tpu.wait_indirect_dma semaphore(%arg19 : memref<!tpu.dma_semaphore, #tpu.memory_space<semaphore_mem>>) src(%arg16 : memref<128x64xf32, #tpu.memory_space<vmem>>) dst(%dma_wait3A_171 : memref<204800x64xf32, #tpu.memory_space<hbm>>)
    } else {
    }
    %jit3A_51 = arith.constant 128 : i32
    %eq3A_52 = arith.constant 0 : i32
    %eq3A_53 = arith.cmpi eq, %jit3A_51, %eq3A_52 : i32
    %jit3A_54 = arith.constant 1 : i32
    %select_n3A_55 = arith.select %eq3A_53, %jit3A_54, %jit3A_51 : i32
    %rem3A_56 = arith.remsi %scan3A_10#1, %select_n3A_55 : i32
    %ne3A_57 = arith.constant 0 : i32
    %ne3A_58 = arith.cmpi ne, %rem3A_56, %ne3A_57 : i32
    %lt3A_59 = arith.constant 0 : i32
    %lt3A_60 = arith.cmpi slt, %rem3A_56, %lt3A_59 : i32
    %lt3A_61 = arith.constant 0 : i32
    %lt3A_62 = arith.cmpi slt, %select_n3A_55, %lt3A_61 : i32
    %ne3A_63 = arith.xori %lt3A_60, %lt3A_62 : i1
    %and3A_64 = arith.andi %ne3A_63, %ne3A_58 : i1
    %add3A_65 = arith.addi %rem3A_56, %select_n3A_55 : i32
    %select_n3A_66 = arith.select %and3A_64, %add3A_65, %rem3A_56 : i32
    %ne3A_67 = arith.constant 0 : i32
    %ne3A_68 = arith.cmpi ne, %select_n3A_66, %ne3A_67 : i32
    %convert_element_type3A_69 = arith.extui %ne3A_68 : i1 to i32
    %cond3A_70 = arith.constant 0 : i32
    %cond3A_71 = arith.cmpi ne, %convert_element_type3A_69, %cond3A_70 : i32
    scf.if %cond3A_71 {
      %sub3A_155 = arith.constant 1 : i32
      %sub3A_156 = arith.subi %scan3A_10#1, %sub3A_155 : i32
      %broadcast_in_dim3A = vector.broadcast %sub3A_156 : i32 to vector<16xi32>
      %gather3A = tpu.vector_load_idx %arg10[%broadcast_in_dim3A] : memref<6544xi32, #tpu.memory_space<vmem>>[vector<16xi32>], vector<16xi32>,
      %gather3A_157 = tpu.vector_load_idx %arg11[%broadcast_in_dim3A] : memref<6544xi32, #tpu.memory_space<vmem>>[vector<16xi32>], vector<16xi32>,
      %add3A_158 = arith.constant 0 : i32
      %add3A_159 = arith.addi %scan3A_10#1, %add3A_158 : i32
      %swap3A = arith.index_cast %add3A_159 : i32 to index
      %swap3A_160 = tpu.vector_load %arg10[%swap3A] {strides = array<i32>} : memref<6544xi32, #tpu.memory_space<vmem>>, vector<16xi32>,
      tpu.vector_store %arg10[%swap3A], %gather3A {strides = array<i32>} : memref<6544xi32, #tpu.memory_space<vmem>>, vector<16xi32>,
      %add3A_161 = arith.constant 0 : i32
      %add3A_162 = arith.addi %scan3A_10#1, %add3A_161 : i32
      %swap3A_163 = arith.index_cast %add3A_162 : i32 to index
      %swap3A_164 = tpu.vector_load %arg11[%swap3A_163] {strides = array<i32>} : memref<6544xi32, #tpu.memory_space<vmem>>, vector<16xi32>,
      tpu.vector_store %arg11[%swap3A_163], %gather3A_157 {strides = array<i32>} : memref<6544xi32, #tpu.memory_space<vmem>>, vector<16xi32>,
      %add3A_165 = arith.constant 16 : i32
      %add3A_166 = arith.addi %scan3A_10#1, %add3A_165 : i32
      %swap3A_167 = arith.index_cast %add3A_166 : i32 to index
      %swap3A_168 = tpu.vector_load %arg10[%swap3A_167] {strides = array<i32>} : memref<6544xi32, #tpu.memory_space<vmem>>, vector<16xi32>,
      tpu.vector_store %arg10[%swap3A_167], %gather3A {strides = array<i32>} : memref<6544xi32, #tpu.memory_space<vmem>>, vector<16xi32>,
      %add3A_169 = arith.constant 16 : i32
      %add3A_170 = arith.addi %scan3A_10#1, %add3A_169 : i32
      %swap3A_171 = arith.index_cast %add3A_170 : i32 to index
      %swap3A_172 = tpu.vector_load %arg11[%swap3A_171] {strides = array<i32>} : memref<6544xi32, #tpu.memory_space<vmem>>, vector<16xi32>,
      tpu.vector_store %arg11[%swap3A_171], %gather3A_157 {strides = array<i32>} : memref<6544xi32, #tpu.memory_space<vmem>>, vector<16xi32>,
      %add3A_173 = arith.constant 32 : i32
      %add3A_174 = arith.addi %scan3A_10#1, %add3A_173 : i32
      %swap3A_175 = arith.index_cast %add3A_174 : i32 to index
      %swap3A_176 = tpu.vector_load %arg10[%swap3A_175] {strides = array<i32>} : memref<6544xi32, #tpu.memory_space<vmem>>, vector<16xi32>,
      tpu.vector_store %arg10[%swap3A_175], %gather3A {strides = array<i32>} : memref<6544xi32, #tpu.memory_space<vmem>>, vector<16xi32>,
      %add3A_177 = arith.constant 32 : i32
      %add3A_178 = arith.addi %scan3A_10#1, %add3A_177 : i32
      %swap3A_179 = arith.index_cast %add3A_178 : i32 to index
      %swap3A_180 = tpu.vector_load %arg11[%swap3A_179] {strides = array<i32>} : memref<6544xi32, #tpu.memory_space<vmem>>, vector<16xi32>,
      tpu.vector_store %arg11[%swap3A_179], %gather3A_157 {strides = array<i32>} : memref<6544xi32, #tpu.memory_space<vmem>>, vector<16xi32>,
      %add3A_181 = arith.constant 48 : i32
      %add3A_182 = arith.addi %scan3A_10#1, %add3A_181 : i32
      %swap3A_183 = arith.index_cast %add3A_182 : i32 to index
      %swap3A_184 = tpu.vector_load %arg10[%swap3A_183] {strides = array<i32>} : memref<6544xi32, #tpu.memory_space<vmem>>, vector<16xi32>,
      tpu.vector_store %arg10[%swap3A_183], %gather3A {strides = array<i32>} : memref<6544xi32, #tpu.memory_space<vmem>>, vector<16xi32>,
      %add3A_185 = arith.constant 48 : i32
      %add3A_186 = arith.addi %scan3A_10#1, %add3A_185 : i32
      %swap3A_187 = arith.index_cast %add3A_186 : i32 to index
      %swap3A_188 = tpu.vector_load %arg11[%swap3A_187] {strides = array<i32>} : memref<6544xi32, #tpu.memory_space<vmem>>, vector<16xi32>,
      tpu.vector_store %arg11[%swap3A_187], %gather3A_157 {strides = array<i32>} : memref<6544xi32, #tpu.memory_space<vmem>>, vector<16xi32>,
      %add3A_189 = arith.constant 64 : i32
      %add3A_190 = arith.addi %scan3A_10#1, %add3A_189 : i32
      %swap3A_191 = arith.index_cast %add3A_190 : i32 to index
      %swap3A_192 = tpu.vector_load %arg10[%swap3A_191] {strides = array<i32>} : memref<6544xi32, #tpu.memory_space<vmem>>, vector<16xi32>,
      tpu.vector_store %arg10[%swap3A_191], %gather3A {strides = array<i32>} : memref<6544xi32, #tpu.memory_space<vmem>>, vector<16xi32>,
      %add3A_193 = arith.constant 64 : i32
      %add3A_194 = arith.addi %scan3A_10#1, %add3A_193 : i32
      %swap3A_195 = arith.index_cast %add3A_194 : i32 to index
      %swap3A_196 = tpu.vector_load %arg11[%swap3A_195] {strides = array<i32>} : memref<6544xi32, #tpu.memory_space<vmem>>, vector<16xi32>,
      tpu.vector_store %arg11[%swap3A_195], %gather3A_157 {strides = array<i32>} : memref<6544xi32, #tpu.memory_space<vmem>>, vector<16xi32>,
      %add3A_197 = arith.constant 80 : i32
      %add3A_198 = arith.addi %scan3A_10#1, %add3A_197 : i32
      %swap3A_199 = arith.index_cast %add3A_198 : i32 to index
      %swap3A_200 = tpu.vector_load %arg10[%swap3A_199] {strides = array<i32>} : memref<6544xi32, #tpu.memory_space<vmem>>, vector<16xi32>,
      tpu.vector_store %arg10[%swap3A_199], %gather3A {strides = array<i32>} : memref<6544xi32, #tpu.memory_space<vmem>>, vector<16xi32>,
      %add3A_201 = arith.constant 80 : i32
      %add3A_202 = arith.addi %scan3A_10#1, %add3A_201 : i32
      %swap3A_203 = arith.index_cast %add3A_202 : i32 to index
      %swap3A_204 = tpu.vector_load %arg11[%swap3A_203] {strides = array<i32>} : memref<6544xi32, #tpu.memory_space<vmem>>, vector<16xi32>,
      tpu.vector_store %arg11[%swap3A_203], %gather3A_157 {strides = array<i32>} : memref<6544xi32, #tpu.memory_space<vmem>>, vector<16xi32>,
      %add3A_205 = arith.constant 96 : i32
      %add3A_206 = arith.addi %scan3A_10#1, %add3A_205 : i32
      %swap3A_207 = arith.index_cast %add3A_206 : i32 to index
      %swap3A_208 = tpu.vector_load %arg10[%swap3A_207] {strides = array<i32>} : memref<6544xi32, #tpu.memory_space<vmem>>, vector<16xi32>,
      tpu.vector_store %arg10[%swap3A_207], %gather3A {strides = array<i32>} : memref<6544xi32, #tpu.memory_space<vmem>>, vector<16xi32>,
      %add3A_209 = arith.constant 96 : i32
      %add3A_210 = arith.addi %scan3A_10#1, %add3A_209 : i32
      %swap3A_211 = arith.index_cast %add3A_210 : i32 to index
      %swap3A_212 = tpu.vector_load %arg11[%swap3A_211] {strides = array<i32>} : memref<6544xi32, #tpu.memory_space<vmem>>, vector<16xi32>,
      tpu.vector_store %arg11[%swap3A_211], %gather3A_157 {strides = array<i32>} : memref<6544xi32, #tpu.memory_space<vmem>>, vector<16xi32>,
      %add3A_213 = arith.constant 112 : i32
      %add3A_214 = arith.addi %scan3A_10#1, %add3A_213 : i32
      %swap3A_215 = arith.index_cast %add3A_214 : i32 to index
      %swap3A_216 = tpu.vector_load %arg10[%swap3A_215] {strides = array<i32>} : memref<6544xi32, #tpu.memory_space<vmem>>, vector<16xi32>,
      tpu.vector_store %arg10[%swap3A_215], %gather3A {strides = array<i32>} : memref<6544xi32, #tpu.memory_space<vmem>>, vector<16xi32>,
      %add3A_217 = arith.constant 112 : i32
      %add3A_218 = arith.addi %scan3A_10#1, %add3A_217 : i32
      %swap3A_219 = arith.index_cast %add3A_218 : i32 to index
      %swap3A_220 = tpu.vector_load %arg11[%swap3A_219] {strides = array<i32>} : memref<6544xi32, #tpu.memory_space<vmem>>, vector<16xi32>,
      tpu.vector_store %arg11[%swap3A_219], %gather3A_157 {strides = array<i32>} : memref<6544xi32, #tpu.memory_space<vmem>>, vector<16xi32>,
    } else {
    }
    %add3A_72 = arith.constant 127 : i32
    %add3A_73 = arith.addi %scan3A_10#1, %add3A_72 : i32
    %jit3A_74 = arith.constant 128 : i32
    %div3A_75 = arith.divsi %add3A_73, %jit3A_74 : i32
    %sign3A_76 = arith.constant 0 : i32
    %sign3A_77 = arith.cmpi sgt, %add3A_73, %sign3A_76 : i32
    %sign3A_78 = arith.extui %sign3A_77 : i1 to i32
    %sign3A_79 = arith.constant 0 : i32
    %sign3A_80 = arith.cmpi slt, %add3A_73, %sign3A_79 : i32
    %sign3A_81 = arith.extui %sign3A_80 : i1 to i32
    %sign3A_82 = arith.subi %sign3A_78, %sign3A_81 : i32
    %sign3A_83 = arith.constant 0 : i32
    %sign3A_84 = arith.cmpi sgt, %jit3A_74, %sign3A_83 : i32
    %sign3A_85 = arith.extui %sign3A_84 : i1 to i32
    %sign3A_86 = arith.constant 0 : i32
    %sign3A_87 = arith.cmpi slt, %jit3A_74, %sign3A_86 : i32
    %sign3A_88 = arith.extui %sign3A_87 : i1 to i32
    %sign3A_89 = arith.subi %sign3A_85, %sign3A_88 : i32
    %ne3A_90 = arith.cmpi ne, %sign3A_82, %sign3A_89 : i32
    %rem3A_91 = arith.remsi %add3A_73, %jit3A_74 : i32
    %ne3A_92 = arith.constant 0 : i32
    %ne3A_93 = arith.cmpi ne, %rem3A_91, %ne3A_92 : i32
    %and3A_94 = arith.andi %ne3A_90, %ne3A_93 : i1
    %sub3A_95 = arith.constant 1 : i32
    %sub3A_96 = arith.subi %div3A_75, %sub3A_95 : i32
    %select_n3A_97 = arith.select %and3A_94, %sub3A_96, %div3A_75 : i32
    %gt3A_98 = arith.constant 0 : i32
    %gt3A_99 = arith.cmpi sgt, %select_n3A_97, %gt3A_98 : i32
    %convert_element_type3A_100 = arith.extui %gt3A_99 : i1 to i32
    %cond3A_101 = arith.constant 0 : i32
    %cond3A_102 = arith.cmpi ne, %convert_element_type3A_100, %cond3A_101 : i32
    scf.if %cond3A_102 {
      %dma_start3A = arith.constant 0 : i32
      %dma_start3A_155 = tpu.memref_slice %arg10[%dma_start3A] : memref<6544xi32, #tpu.memory_space<vmem>> -> memref<128xi32, #tpu.memory_space<vmem>>
      %dma_start3A_156 = arith.constant 0 : i32
      %dma_start3A_157 = arith.constant 0 : i32
      %dma_start3A_158 = tpu.memref_slice %arg4[%dma_start3A_156, %dma_start3A_157] : memref<180000x64xf32, #tpu.memory_space<hbm>> -> memref<180000x64xf32, #tpu.memory_space<hbm>>
      tpu.enqueue_indirect_dma source(%dma_start3A_158 : memref<180000x64xf32, #tpu.memory_space<hbm>>) target(%arg16 : memref<128x64xf32, #tpu.memory_space<vmem>>) offsets(%dma_start3A_155 : memref<128xi32, #tpu.memory_space<vmem>>) semaphore(%arg18 : memref<!tpu.dma_semaphore, #tpu.memory_space<semaphore_mem>>)
      %while3A = arith.constant 0 : i32
      %while3A_159 = arith.constant 0 : i32
      %while3A_160 = arith.subi %select_n3A_97, %while3A : i32
      %while3A_161 = arith.addi %while3A, %while3A_160 : i32
      %while3A_162 = arith.constant 1 : i32
      %while3A_163 = arith.divsi %while3A_160, %while3A_162 : i32
      %while3A_164 = arith.muli %while3A_163, %while3A_162 : i32
      %while3A_165 = arith.addi %while3A, %while3A_164 : i32
      %while3A_166 = arith.constant 1 : i32
      %while3A_167 = scf.for %while3A_172 = %while3A to %while3A_165 step %while3A_166 iter_args(%while3A_173 = %while3A_159) -> (i32)  : i32 {
        %jit3A_174 = arith.constant 2 : i32
        %eq3A_175 = arith.constant 0 : i32
        %eq3A_176 = arith.cmpi eq, %jit3A_174, %eq3A_175 : i32
        %jit3A_177 = arith.constant 1 : i32
        %select_n3A_178 = arith.select %eq3A_176, %jit3A_177, %jit3A_174 : i32
        %rem3A_179 = arith.remsi %while3A_172, %select_n3A_178 : i32
        %ne3A_180 = arith.constant 0 : i32
        %ne3A_181 = arith.cmpi ne, %rem3A_179, %ne3A_180 : i32
        %lt3A_182 = arith.constant 0 : i32
        %lt3A_183 = arith.cmpi slt, %rem3A_179, %lt3A_182 : i32
        %lt3A_184 = arith.constant 0 : i32
        %lt3A_185 = arith.cmpi slt, %select_n3A_178, %lt3A_184 : i32
        %ne3A_186 = arith.xori %lt3A_183, %lt3A_185 : i1
        %and3A_187 = arith.andi %ne3A_186, %ne3A_181 : i1
        %add3A_188 = arith.addi %rem3A_179, %select_n3A_178 : i32
        %select_n3A_189 = arith.select %and3A_187, %add3A_188, %rem3A_179 : i32
        %ge3A = arith.constant 1 : i32
        %ge3A_190 = arith.cmpi sge, %while3A_172, %ge3A : i32
        %convert_element_type3A_191 = arith.extui %ge3A_190 : i1 to i32
        %cond3A_192 = arith.constant 0 : i32
        %cond3A_193 = arith.cmpi ne, %convert_element_type3A_191, %cond3A_192 : i32
        scf.if %cond3A_193 {
          %dma_wait3A_216 = arith.constant 0 : i32
          %dma_wait3A_217 = arith.constant 0 : i32
          %dma_wait3A_218 = tpu.memref_slice %arg6[%dma_wait3A_216, %dma_wait3A_217] : memref<204800x64xf32, #tpu.memory_space<hbm>> -> memref<204800x64xf32, #tpu.memory_space<hbm>>
          tpu.wait_indirect_dma semaphore(%arg19 : memref<!tpu.dma_semaphore, #tpu.memory_space<semaphore_mem>>) src(%arg16 : memref<128x64xf32, #tpu.memory_space<vmem>>) dst(%dma_wait3A_218 : memref<204800x64xf32, #tpu.memory_space<hbm>>)
        } else {
        }
        %dma_wait3A_194 = arith.constant 0 : i32
        %dma_wait3A_195 = tpu.memref_slice %arg8[%dma_wait3A_194] : memref<6544xi32, #tpu.memory_space<vmem>> -> memref<128xi32, #tpu.memory_space<vmem>>
        %dma_wait3A_196 = arith.constant 0 : i32
        %dma_wait3A_197 = arith.constant 0 : i32
        %dma_wait3A_198 = tpu.memref_slice %arg4[%dma_wait3A_196, %dma_wait3A_197] : memref<180000x64xf32, #tpu.memory_space<hbm>> -> memref<180000x64xf32, #tpu.memory_space<hbm>>
        tpu.wait_indirect_dma semaphore(%arg18 : memref<!tpu.dma_semaphore, #tpu.memory_space<semaphore_mem>>) src(%dma_wait3A_198 : memref<180000x64xf32, #tpu.memory_space<hbm>>) dst(%arg16 : memref<128x64xf32, #tpu.memory_space<vmem>>)
        %eq3A_199 = arith.constant 0 : i32
        %eq3A_200 = arith.cmpi eq, %select_n3A_189, %eq3A_199 : i32
        %convert_element_type3A_201 = arith.extui %eq3A_200 : i1 to i32
        %cond3A_202 = arith.constant 0 : i32
        %cond3A_203 = arith.cmpi ne, %convert_element_type3A_201, %cond3A_202 : i32
        scf.if %cond3A_203 {
          %mul3A_216 = arith.constant 128 : i32
          %mul3A_217 = arith.muli %while3A_172, %mul3A_216 : i32
          %add3A_218 = arith.constant 0 : i32
          %add3A_219 = arith.addi %mul3A_217, %add3A_218 : i32
          %get3A = arith.index_cast %add3A_219 : i32 to index
          %get3A_220 = tpu.vector_load %arg11[%get3A] {strides = array<i32>} : memref<6544xi32, #tpu.memory_space<vmem>>, vector<16xi32>,
          %swap3A = arith.constant 0 : index
          %swap3A_221 = tpu.vector_load %arg14[%swap3A] {strides = array<i32>} : memref<128xi32, #tpu.memory_space<vmem>>, vector<16xi32>,
          tpu.vector_store %arg14[%swap3A], %get3A_220 {strides = array<i32>} : memref<128xi32, #tpu.memory_space<vmem>>, vector<16xi32>,
          %mul3A_222 = arith.constant 128 : i32
          %mul3A_223 = arith.muli %while3A_172, %mul3A_222 : i32
          %add3A_224 = arith.constant 16 : i32
          %add3A_225 = arith.addi %mul3A_223, %add3A_224 : i32
          %get3A_226 = arith.index_cast %add3A_225 : i32 to index
          %get3A_227 = tpu.vector_load %arg11[%get3A_226] {strides = array<i32>} : memref<6544xi32, #tpu.memory_space<vmem>>, vector<16xi32>,
          %swap3A_228 = arith.constant 16 : index
          %swap3A_229 = tpu.vector_load %arg14[%swap3A_228] {strides = array<i32>} : memref<128xi32, #tpu.memory_space<vmem>>, vector<16xi32>,
          tpu.vector_store %arg14[%swap3A_228], %get3A_227 {strides = array<i32>} : memref<128xi32, #tpu.memory_space<vmem>>, vector<16xi32>,
          %mul3A_230 = arith.constant 128 : i32
          %mul3A_231 = arith.muli %while3A_172, %mul3A_230 : i32
          %add3A_232 = arith.constant 32 : i32
          %add3A_233 = arith.addi %mul3A_231, %add3A_232 : i32
          %get3A_234 = arith.index_cast %add3A_233 : i32 to index
          %get3A_235 = tpu.vector_load %arg11[%get3A_234] {strides = array<i32>} : memref<6544xi32, #tpu.memory_space<vmem>>, vector<16xi32>,
          %swap3A_236 = arith.constant 32 : index
          %swap3A_237 = tpu.vector_load %arg14[%swap3A_236] {strides = array<i32>} : memref<128xi32, #tpu.memory_space<vmem>>, vector<16xi32>,
          tpu.vector_store %arg14[%swap3A_236], %get3A_235 {strides = array<i32>} : memref<128xi32, #tpu.memory_space<vmem>>, vector<16xi32>,
          %mul3A_238 = arith.constant 128 : i32
          %mul3A_239 = arith.muli %while3A_172, %mul3A_238 : i32
          %add3A_240 = arith.constant 48 : i32
          %add3A_241 = arith.addi %mul3A_239, %add3A_240 : i32
          %get3A_242 = arith.index_cast %add3A_241 : i32 to index
          %get3A_243 = tpu.vector_load %arg11[%get3A_242] {strides = array<i32>} : memref<6544xi32, #tpu.memory_space<vmem>>, vector<16xi32>,
          %swap3A_244 = arith.constant 48 : index
          %swap3A_245 = tpu.vector_load %arg14[%swap3A_244] {strides = array<i32>} : memref<128xi32, #tpu.memory_space<vmem>>, vector<16xi32>,
          tpu.vector_store %arg14[%swap3A_244], %get3A_243 {strides = array<i32>} : memref<128xi32, #tpu.memory_space<vmem>>, vector<16xi32>,
          %mul3A_246 = arith.constant 128 : i32
          %mul3A_247 = arith.muli %while3A_172, %mul3A_246 : i32
          %add3A_248 = arith.constant 64 : i32
          %add3A_249 = arith.addi %mul3A_247, %add3A_248 : i32
          %get3A_250 = arith.index_cast %add3A_249 : i32 to index
          %get3A_251 = tpu.vector_load %arg11[%get3A_250] {strides = array<i32>} : memref<6544xi32, #tpu.memory_space<vmem>>, vector<16xi32>,
          %swap3A_252 = arith.constant 64 : index
          %swap3A_253 = tpu.vector_load %arg14[%swap3A_252] {strides = array<i32>} : memref<128xi32, #tpu.memory_space<vmem>>, vector<16xi32>,
          tpu.vector_store %arg14[%swap3A_252], %get3A_251 {strides = array<i32>} : memref<128xi32, #tpu.memory_space<vmem>>, vector<16xi32>,
          %mul3A_254 = arith.constant 128 : i32
          %mul3A_255 = arith.muli %while3A_172, %mul3A_254 : i32
          %add3A_256 = arith.constant 80 : i32
          %add3A_257 = arith.addi %mul3A_255, %add3A_256 : i32
          %get3A_258 = arith.index_cast %add3A_257 : i32 to index
          %get3A_259 = tpu.vector_load %arg11[%get3A_258] {strides = array<i32>} : memref<6544xi32, #tpu.memory_space<vmem>>, vector<16xi32>,
          %swap3A_260 = arith.constant 80 : index
          %swap3A_261 = tpu.vector_load %arg14[%swap3A_260] {strides = array<i32>} : memref<128xi32, #tpu.memory_space<vmem>>, vector<16xi32>,
          tpu.vector_store %arg14[%swap3A_260], %get3A_259 {strides = array<i32>} : memref<128xi32, #tpu.memory_space<vmem>>, vector<16xi32>,
          %mul3A_262 = arith.constant 128 : i32
          %mul3A_263 = arith.muli %while3A_172, %mul3A_262 : i32
          %add3A_264 = arith.constant 96 : i32
          %add3A_265 = arith.addi %mul3A_263, %add3A_264 : i32
          %get3A_266 = arith.index_cast %add3A_265 : i32 to index
          %get3A_267 = tpu.vector_load %arg11[%get3A_266] {strides = array<i32>} : memref<6544xi32, #tpu.memory_space<vmem>>, vector<16xi32>,
          %swap3A_268 = arith.constant 96 : index
          %swap3A_269 = tpu.vector_load %arg14[%swap3A_268] {strides = array<i32>} : memref<128xi32, #tpu.memory_space<vmem>>, vector<16xi32>,
          tpu.vector_store %arg14[%swap3A_268], %get3A_267 {strides = array<i32>} : memref<128xi32, #tpu.memory_space<vmem>>, vector<16xi32>,
          %mul3A_270 = arith.constant 128 : i32
          %mul3A_271 = arith.muli %while3A_172, %mul3A_270 : i32
          %add3A_272 = arith.constant 112 : i32
          %add3A_273 = arith.addi %mul3A_271, %add3A_272 : i32
          %get3A_274 = arith.index_cast %add3A_273 : i32 to index
          %get3A_275 = tpu.vector_load %arg11[%get3A_274] {strides = array<i32>} : memref<6544xi32, #tpu.memory_space<vmem>>, vector<16xi32>,
          %swap3A_276 = arith.constant 112 : index
          %swap3A_277 = tpu.vector_load %arg14[%swap3A_276] {strides = array<i32>} : memref<128xi32, #tpu.memory_space<vmem>>, vector<16xi32>,
          tpu.vector_store %arg14[%swap3A_276], %get3A_275 {strides = array<i32>} : memref<128xi32, #tpu.memory_space<vmem>>, vector<16xi32>,
          %dma_start3A_278 = arith.constant 0 : i32
          %dma_start3A_279 = arith.constant 0 : i32
          %dma_start3A_280 = tpu.memref_slice %arg6[%dma_start3A_278, %dma_start3A_279] : memref<204800x64xf32, #tpu.memory_space<hbm>> -> memref<204800x64xf32, #tpu.memory_space<hbm>>
          tpu.enqueue_indirect_dma source(%arg16 : memref<128x64xf32, #tpu.memory_space<vmem>>) target(%dma_start3A_280 : memref<204800x64xf32, #tpu.memory_space<hbm>>) offsets(%arg14 : memref<128xi32, #tpu.memory_space<vmem>>) semaphore(%arg19 : memref<!tpu.dma_semaphore, #tpu.memory_space<semaphore_mem>>)
        } else {
        }
        %eq3A_204 = arith.constant 1 : i32
        %eq3A_205 = arith.cmpi eq, %select_n3A_189, %eq3A_204 : i32
        %convert_element_type3A_206 = arith.extui %eq3A_205 : i1 to i32
        %cond3A_207 = arith.constant 0 : i32
        %cond3A_208 = arith.cmpi ne, %convert_element_type3A_206, %cond3A_207 : i32
        scf.if %cond3A_208 {
          %mul3A_216 = arith.constant 128 : i32
          %mul3A_217 = arith.muli %while3A_172, %mul3A_216 : i32
          %add3A_218 = arith.constant 0 : i32
          %add3A_219 = arith.addi %mul3A_217, %add3A_218 : i32
          %get3A = arith.index_cast %add3A_219 : i32 to index
          %get3A_220 = tpu.vector_load %arg11[%get3A] {strides = array<i32>} : memref<6544xi32, #tpu.memory_space<vmem>>, vector<16xi32>,
          %swap3A = arith.constant 0 : index
          %swap3A_221 = tpu.vector_load %arg15[%swap3A] {strides = array<i32>} : memref<128xi32, #tpu.memory_space<vmem>>, vector<16xi32>,
          tpu.vector_store %arg15[%swap3A], %get3A_220 {strides = array<i32>} : memref<128xi32, #tpu.memory_space<vmem>>, vector<16xi32>,
          %mul3A_222 = arith.constant 128 : i32
          %mul3A_223 = arith.muli %while3A_172, %mul3A_222 : i32
          %add3A_224 = arith.constant 16 : i32
          %add3A_225 = arith.addi %mul3A_223, %add3A_224 : i32
          %get3A_226 = arith.index_cast %add3A_225 : i32 to index
          %get3A_227 = tpu.vector_load %arg11[%get3A_226] {strides = array<i32>} : memref<6544xi32, #tpu.memory_space<vmem>>, vector<16xi32>,
          %swap3A_228 = arith.constant 16 : index
          %swap3A_229 = tpu.vector_load %arg15[%swap3A_228] {strides = array<i32>} : memref<128xi32, #tpu.memory_space<vmem>>, vector<16xi32>,
          tpu.vector_store %arg15[%swap3A_228], %get3A_227 {strides = array<i32>} : memref<128xi32, #tpu.memory_space<vmem>>, vector<16xi32>,
          %mul3A_230 = arith.constant 128 : i32
          %mul3A_231 = arith.muli %while3A_172, %mul3A_230 : i32
          %add3A_232 = arith.constant 32 : i32
          %add3A_233 = arith.addi %mul3A_231, %add3A_232 : i32
          %get3A_234 = arith.index_cast %add3A_233 : i32 to index
          %get3A_235 = tpu.vector_load %arg11[%get3A_234] {strides = array<i32>} : memref<6544xi32, #tpu.memory_space<vmem>>, vector<16xi32>,
          %swap3A_236 = arith.constant 32 : index
          %swap3A_237 = tpu.vector_load %arg15[%swap3A_236] {strides = array<i32>} : memref<128xi32, #tpu.memory_space<vmem>>, vector<16xi32>,
          tpu.vector_store %arg15[%swap3A_236], %get3A_235 {strides = array<i32>} : memref<128xi32, #tpu.memory_space<vmem>>, vector<16xi32>,
          %mul3A_238 = arith.constant 128 : i32
          %mul3A_239 = arith.muli %while3A_172, %mul3A_238 : i32
          %add3A_240 = arith.constant 48 : i32
          %add3A_241 = arith.addi %mul3A_239, %add3A_240 : i32
          %get3A_242 = arith.index_cast %add3A_241 : i32 to index
          %get3A_243 = tpu.vector_load %arg11[%get3A_242] {strides = array<i32>} : memref<6544xi32, #tpu.memory_space<vmem>>, vector<16xi32>,
          %swap3A_244 = arith.constant 48 : index
          %swap3A_245 = tpu.vector_load %arg15[%swap3A_244] {strides = array<i32>} : memref<128xi32, #tpu.memory_space<vmem>>, vector<16xi32>,
          tpu.vector_store %arg15[%swap3A_244], %get3A_243 {strides = array<i32>} : memref<128xi32, #tpu.memory_space<vmem>>, vector<16xi32>,
          %mul3A_246 = arith.constant 128 : i32
          %mul3A_247 = arith.muli %while3A_172, %mul3A_246 : i32
          %add3A_248 = arith.constant 64 : i32
          %add3A_249 = arith.addi %mul3A_247, %add3A_248 : i32
          %get3A_250 = arith.index_cast %add3A_249 : i32 to index
          %get3A_251 = tpu.vector_load %arg11[%get3A_250] {strides = array<i32>} : memref<6544xi32, #tpu.memory_space<vmem>>, vector<16xi32>,
          %swap3A_252 = arith.constant 64 : index
          %swap3A_253 = tpu.vector_load %arg15[%swap3A_252] {strides = array<i32>} : memref<128xi32, #tpu.memory_space<vmem>>, vector<16xi32>,
          tpu.vector_store %arg15[%swap3A_252], %get3A_251 {strides = array<i32>} : memref<128xi32, #tpu.memory_space<vmem>>, vector<16xi32>,
          %mul3A_254 = arith.constant 128 : i32
          %mul3A_255 = arith.muli %while3A_172, %mul3A_254 : i32
          %add3A_256 = arith.constant 80 : i32
          %add3A_257 = arith.addi %mul3A_255, %add3A_256 : i32
          %get3A_258 = arith.index_cast %add3A_257 : i32 to index
          %get3A_259 = tpu.vector_load %arg11[%get3A_258] {strides = array<i32>} : memref<6544xi32, #tpu.memory_space<vmem>>, vector<16xi32>,
          %swap3A_260 = arith.constant 80 : index
          %swap3A_261 = tpu.vector_load %arg15[%swap3A_260] {strides = array<i32>} : memref<128xi32, #tpu.memory_space<vmem>>, vector<16xi32>,
          tpu.vector_store %arg15[%swap3A_260], %get3A_259 {strides = array<i32>} : memref<128xi32, #tpu.memory_space<vmem>>, vector<16xi32>,
          %mul3A_262 = arith.constant 128 : i32
          %mul3A_263 = arith.muli %while3A_172, %mul3A_262 : i32
          %add3A_264 = arith.constant 96 : i32
          %add3A_265 = arith.addi %mul3A_263, %add3A_264 : i32
          %get3A_266 = arith.index_cast %add3A_265 : i32 to index
          %get3A_267 = tpu.vector_load %arg11[%get3A_266] {strides = array<i32>} : memref<6544xi32, #tpu.memory_space<vmem>>, vector<16xi32>,
          %swap3A_268 = arith.constant 96 : index
          %swap3A_269 = tpu.vector_load %arg15[%swap3A_268] {strides = array<i32>} : memref<128xi32, #tpu.memory_space<vmem>>, vector<16xi32>,
          tpu.vector_store %arg15[%swap3A_268], %get3A_267 {strides = array<i32>} : memref<128xi32, #tpu.memory_space<vmem>>, vector<16xi32>,
          %mul3A_270 = arith.constant 128 : i32
          %mul3A_271 = arith.muli %while3A_172, %mul3A_270 : i32
          %add3A_272 = arith.constant 112 : i32
          %add3A_273 = arith.addi %mul3A_271, %add3A_272 : i32
          %get3A_274 = arith.index_cast %add3A_273 : i32 to index
          %get3A_275 = tpu.vector_load %arg11[%get3A_274] {strides = array<i32>} : memref<6544xi32, #tpu.memory_space<vmem>>, vector<16xi32>,
          %swap3A_276 = arith.constant 112 : index
          %swap3A_277 = tpu.vector_load %arg15[%swap3A_276] {strides = array<i32>} : memref<128xi32, #tpu.memory_space<vmem>>, vector<16xi32>,
          tpu.vector_store %arg15[%swap3A_276], %get3A_275 {strides = array<i32>} : memref<128xi32, #tpu.memory_space<vmem>>, vector<16xi32>,
          %dma_start3A_278 = arith.constant 0 : i32
          %dma_start3A_279 = arith.constant 0 : i32
          %dma_start3A_280 = tpu.memref_slice %arg6[%dma_start3A_278, %dma_start3A_279] : memref<204800x64xf32, #tpu.memory_space<hbm>> -> memref<204800x64xf32, #tpu.memory_space<hbm>>
          tpu.enqueue_indirect_dma source(%arg17 : memref<128x64xf32, #tpu.memory_space<vmem>>) target(%dma_start3A_280 : memref<204800x64xf32, #tpu.memory_space<hbm>>) offsets(%arg15 : memref<128xi32, #tpu.memory_space<vmem>>) semaphore(%arg19 : memref<!tpu.dma_semaphore, #tpu.memory_space<semaphore_mem>>)
        } else {
        }
        %add3A_209 = arith.constant 1 : i32
        %add3A_210 = arith.addi %while3A_172, %add3A_209 : i32
        %lt3A_211 = arith.cmpi slt, %add3A_210, %select_n3A_97 : i32
        %convert_element_type3A_212 = arith.extui %lt3A_211 : i1 to i32
        %cond3A_213 = arith.constant 0 : i32
        %cond3A_214 = arith.cmpi ne, %convert_element_type3A_212, %cond3A_213 : i32
        scf.if %cond3A_214 {
          %add3A_216 = arith.constant 1 : i32
          %add3A_217 = arith.addi %while3A_172, %add3A_216 : i32
          %add3A_218 = arith.constant 1 : i32
          %add3A_219 = arith.addi %while3A_172, %add3A_218 : i32
          %jit3A_220 = arith.constant 2 : i32
          %eq3A_221 = arith.constant 0 : i32
          %eq3A_222 = arith.cmpi eq, %jit3A_220, %eq3A_221 : i32
          %jit3A_223 = arith.constant 1 : i32
          %select_n3A_224 = arith.select %eq3A_222, %jit3A_223, %jit3A_220 : i32
          %rem3A_225 = arith.remsi %add3A_219, %select_n3A_224 : i32
          %ne3A_226 = arith.constant 0 : i32
          %ne3A_227 = arith.cmpi ne, %rem3A_225, %ne3A_226 : i32
          %lt3A_228 = arith.constant 0 : i32
          %lt3A_229 = arith.cmpi slt, %rem3A_225, %lt3A_228 : i32
          %lt3A_230 = arith.constant 0 : i32
          %lt3A_231 = arith.cmpi slt, %select_n3A_224, %lt3A_230 : i32
          %ne3A_232 = arith.xori %lt3A_229, %lt3A_231 : i1
          %and3A_233 = arith.andi %ne3A_232, %ne3A_227 : i1
          %add3A_234 = arith.addi %rem3A_225, %select_n3A_224 : i32
          %select_n3A_235 = arith.select %and3A_233, %add3A_234, %rem3A_225 : i32
          %eq3A_236 = arith.constant 0 : i32
          %eq3A_237 = arith.cmpi eq, %select_n3A_235, %eq3A_236 : i32
          %convert_element_type3A_238 = arith.extui %eq3A_237 : i1 to i32
          %cond3A_239 = arith.constant 0 : i32
          %cond3A_240 = arith.cmpi ne, %convert_element_type3A_238, %cond3A_239 : i32
          scf.if %cond3A_240 {
            %mul3A_246 = arith.constant 128 : i32
            %mul3A_247 = arith.muli %add3A_217, %mul3A_246 : i32
            %dma_start3A_248 = tpu.memref_slice %arg10[%mul3A_247] : memref<6544xi32, #tpu.memory_space<vmem>> -> memref<128xi32, #tpu.memory_space<vmem>>
            %dma_start3A_249 = arith.constant 0 : i32
            %dma_start3A_250 = arith.constant 0 : i32
            %dma_start3A_251 = tpu.memref_slice %arg4[%dma_start3A_249, %dma_start3A_250] : memref<180000x64xf32, #tpu.memory_space<hbm>> -> memref<180000x64xf32, #tpu.memory_space<hbm>>
            tpu.enqueue_indirect_dma source(%dma_start3A_251 : memref<180000x64xf32, #tpu.memory_space<hbm>>) target(%arg16 : memref<128x64xf32, #tpu.memory_space<vmem>>) offsets(%dma_start3A_248 : memref<128xi32, #tpu.memory_space<vmem>>) semaphore(%arg18 : memref<!tpu.dma_semaphore, #tpu.memory_space<semaphore_mem>>)
          } else {
          }
          %eq3A_241 = arith.constant 1 : i32
          %eq3A_242 = arith.cmpi eq, %select_n3A_235, %eq3A_241 : i32
          %convert_element_type3A_243 = arith.extui %eq3A_242 : i1 to i32
          %cond3A_244 = arith.constant 0 : i32
          %cond3A_245 = arith.cmpi ne, %convert_element_type3A_243, %cond3A_244 : i32
          scf.if %cond3A_245 {
            %mul3A_246 = arith.constant 128 : i32
            %mul3A_247 = arith.muli %add3A_217, %mul3A_246 : i32
            %dma_start3A_248 = tpu.memref_slice %arg10[%mul3A_247] : memref<6544xi32, #tpu.memory_space<vmem>> -> memref<128xi32, #tpu.memory_space<vmem>>
            %dma_start3A_249 = arith.constant 0 : i32
            %dma_start3A_250 = arith.constant 0 : i32
            %dma_start3A_251 = tpu.memref_slice %arg4[%dma_start3A_249, %dma_start3A_250] : memref<180000x64xf32, #tpu.memory_space<hbm>> -> memref<180000x64xf32, #tpu.memory_space<hbm>>
            tpu.enqueue_indirect_dma source(%dma_start3A_251 : memref<180000x64xf32, #tpu.memory_space<hbm>>) target(%arg17 : memref<128x64xf32, #tpu.memory_space<vmem>>) offsets(%dma_start3A_248 : memref<128xi32, #tpu.memory_space<vmem>>) semaphore(%arg18 : memref<!tpu.dma_semaphore, #tpu.memory_space<semaphore_mem>>)
          } else {
          }
        } else {
        }
        %while3A_215 = arith.constant 0 : i32
        scf.yield %while3A_215 : i32
      }
      %while3A_168 = arith.constant 1 : i32
      %while3A_169 = scf.for %while3A_172 = %while3A_165 to %while3A_161 step %while3A_168 iter_args(%while3A_173 = %while3A_167) -> (i32)  : i32 {
        %jit3A_174 = arith.constant 2 : i32
        %eq3A_175 = arith.constant 0 : i32
        %eq3A_176 = arith.cmpi eq, %jit3A_174, %eq3A_175 : i32
        %jit3A_177 = arith.constant 1 : i32
        %select_n3A_178 = arith.select %eq3A_176, %jit3A_177, %jit3A_174 : i32
        %rem3A_179 = arith.remsi %while3A_172, %select_n3A_178 : i32
        %ne3A_180 = arith.constant 0 : i32
        %ne3A_181 = arith.cmpi ne, %rem3A_179, %ne3A_180 : i32
        %lt3A_182 = arith.constant 0 : i32
        %lt3A_183 = arith.cmpi slt, %rem3A_179, %lt3A_182 : i32
        %lt3A_184 = arith.constant 0 : i32
        %lt3A_185 = arith.cmpi slt, %select_n3A_178, %lt3A_184 : i32
        %ne3A_186 = arith.xori %lt3A_183, %lt3A_185 : i1
        %and3A_187 = arith.andi %ne3A_186, %ne3A_181 : i1
        %add3A_188 = arith.addi %rem3A_179, %select_n3A_178 : i32
        %select_n3A_189 = arith.select %and3A_187, %add3A_188, %rem3A_179 : i32
        %ge3A = arith.constant 1 : i32
        %ge3A_190 = arith.cmpi sge, %while3A_172, %ge3A : i32
        %convert_element_type3A_191 = arith.extui %ge3A_190 : i1 to i32
        %cond3A_192 = arith.constant 0 : i32
        %cond3A_193 = arith.cmpi ne, %convert_element_type3A_191, %cond3A_192 : i32
        scf.if %cond3A_193 {
          %dma_wait3A_216 = arith.constant 0 : i32
          %dma_wait3A_217 = arith.constant 0 : i32
          %dma_wait3A_218 = tpu.memref_slice %arg6[%dma_wait3A_216, %dma_wait3A_217] : memref<204800x64xf32, #tpu.memory_space<hbm>> -> memref<204800x64xf32, #tpu.memory_space<hbm>>
          tpu.wait_indirect_dma semaphore(%arg19 : memref<!tpu.dma_semaphore, #tpu.memory_space<semaphore_mem>>) src(%arg16 : memref<128x64xf32, #tpu.memory_space<vmem>>) dst(%dma_wait3A_218 : memref<204800x64xf32, #tpu.memory_space<hbm>>)
        } else {
        }
        %dma_wait3A_194 = arith.constant 0 : i32
        %dma_wait3A_195 = tpu.memref_slice %arg8[%dma_wait3A_194] : memref<6544xi32, #tpu.memory_space<vmem>> -> memref<128xi32, #tpu.memory_space<vmem>>
        %dma_wait3A_196 = arith.constant 0 : i32
        %dma_wait3A_197 = arith.constant 0 : i32
        %dma_wait3A_198 = tpu.memref_slice %arg4[%dma_wait3A_196, %dma_wait3A_197] : memref<180000x64xf32, #tpu.memory_space<hbm>> -> memref<180000x64xf32, #tpu.memory_space<hbm>>
        tpu.wait_indirect_dma semaphore(%arg18 : memref<!tpu.dma_semaphore, #tpu.memory_space<semaphore_mem>>) src(%dma_wait3A_198 : memref<180000x64xf32, #tpu.memory_space<hbm>>) dst(%arg16 : memref<128x64xf32, #tpu.memory_space<vmem>>)
        %eq3A_199 = arith.constant 0 : i32
        %eq3A_200 = arith.cmpi eq, %select_n3A_189, %eq3A_199 : i32
        %convert_element_type3A_201 = arith.extui %eq3A_200 : i1 to i32
        %cond3A_202 = arith.constant 0 : i32
        %cond3A_203 = arith.cmpi ne, %convert_element_type3A_201, %cond3A_202 : i32
        scf.if %cond3A_203 {
          %mul3A_216 = arith.constant 128 : i32
          %mul3A_217 = arith.muli %while3A_172, %mul3A_216 : i32
          %add3A_218 = arith.constant 0 : i32
          %add3A_219 = arith.addi %mul3A_217, %add3A_218 : i32
          %get3A = arith.index_cast %add3A_219 : i32 to index
          %get3A_220 = tpu.vector_load %arg11[%get3A] {strides = array<i32>} : memref<6544xi32, #tpu.memory_space<vmem>>, vector<16xi32>,
          %swap3A = arith.constant 0 : index
          %swap3A_221 = tpu.vector_load %arg14[%swap3A] {strides = array<i32>} : memref<128xi32, #tpu.memory_space<vmem>>, vector<16xi32>,
          tpu.vector_store %arg14[%swap3A], %get3A_220 {strides = array<i32>} : memref<128xi32, #tpu.memory_space<vmem>>, vector<16xi32>,
          %mul3A_222 = arith.constant 128 : i32
          %mul3A_223 = arith.muli %while3A_172, %mul3A_222 : i32
          %add3A_224 = arith.constant 16 : i32
          %add3A_225 = arith.addi %mul3A_223, %add3A_224 : i32
          %get3A_226 = arith.index_cast %add3A_225 : i32 to index
          %get3A_227 = tpu.vector_load %arg11[%get3A_226] {strides = array<i32>} : memref<6544xi32, #tpu.memory_space<vmem>>, vector<16xi32>,
          %swap3A_228 = arith.constant 16 : index
          %swap3A_229 = tpu.vector_load %arg14[%swap3A_228] {strides = array<i32>} : memref<128xi32, #tpu.memory_space<vmem>>, vector<16xi32>,
          tpu.vector_store %arg14[%swap3A_228], %get3A_227 {strides = array<i32>} : memref<128xi32, #tpu.memory_space<vmem>>, vector<16xi32>,
          %mul3A_230 = arith.constant 128 : i32
          %mul3A_231 = arith.muli %while3A_172, %mul3A_230 : i32
          %add3A_232 = arith.constant 32 : i32
          %add3A_233 = arith.addi %mul3A_231, %add3A_232 : i32
          %get3A_234 = arith.index_cast %add3A_233 : i32 to index
          %get3A_235 = tpu.vector_load %arg11[%get3A_234] {strides = array<i32>} : memref<6544xi32, #tpu.memory_space<vmem>>, vector<16xi32>,
          %swap3A_236 = arith.constant 32 : index
          %swap3A_237 = tpu.vector_load %arg14[%swap3A_236] {strides = array<i32>} : memref<128xi32, #tpu.memory_space<vmem>>, vector<16xi32>,
          tpu.vector_store %arg14[%swap3A_236], %get3A_235 {strides = array<i32>} : memref<128xi32, #tpu.memory_space<vmem>>, vector<16xi32>,
          %mul3A_238 = arith.constant 128 : i32
          %mul3A_239 = arith.muli %while3A_172, %mul3A_238 : i32
          %add3A_240 = arith.constant 48 : i32
          %add3A_241 = arith.addi %mul3A_239, %add3A_240 : i32
          %get3A_242 = arith.index_cast %add3A_241 : i32 to index
          %get3A_243 = tpu.vector_load %arg11[%get3A_242] {strides = array<i32>} : memref<6544xi32, #tpu.memory_space<vmem>>, vector<16xi32>,
          %swap3A_244 = arith.constant 48 : index
          %swap3A_245 = tpu.vector_load %arg14[%swap3A_244] {strides = array<i32>} : memref<128xi32, #tpu.memory_space<vmem>>, vector<16xi32>,
          tpu.vector_store %arg14[%swap3A_244], %get3A_243 {strides = array<i32>} : memref<128xi32, #tpu.memory_space<vmem>>, vector<16xi32>,
          %mul3A_246 = arith.constant 128 : i32
          %mul3A_247 = arith.muli %while3A_172, %mul3A_246 : i32
          %add3A_248 = arith.constant 64 : i32
          %add3A_249 = arith.addi %mul3A_247, %add3A_248 : i32
          %get3A_250 = arith.index_cast %add3A_249 : i32 to index
          %get3A_251 = tpu.vector_load %arg11[%get3A_250] {strides = array<i32>} : memref<6544xi32, #tpu.memory_space<vmem>>, vector<16xi32>,
          %swap3A_252 = arith.constant 64 : index
          %swap3A_253 = tpu.vector_load %arg14[%swap3A_252] {strides = array<i32>} : memref<128xi32, #tpu.memory_space<vmem>>, vector<16xi32>,
          tpu.vector_store %arg14[%swap3A_252], %get3A_251 {strides = array<i32>} : memref<128xi32, #tpu.memory_space<vmem>>, vector<16xi32>,
          %mul3A_254 = arith.constant 128 : i32
          %mul3A_255 = arith.muli %while3A_172, %mul3A_254 : i32
          %add3A_256 = arith.constant 80 : i32
          %add3A_257 = arith.addi %mul3A_255, %add3A_256 : i32
          %get3A_258 = arith.index_cast %add3A_257 : i32 to index
          %get3A_259 = tpu.vector_load %arg11[%get3A_258] {strides = array<i32>} : memref<6544xi32, #tpu.memory_space<vmem>>, vector<16xi32>,
          %swap3A_260 = arith.constant 80 : index
          %swap3A_261 = tpu.vector_load %arg14[%swap3A_260] {strides = array<i32>} : memref<128xi32, #tpu.memory_space<vmem>>, vector<16xi32>,
          tpu.vector_store %arg14[%swap3A_260], %get3A_259 {strides = array<i32>} : memref<128xi32, #tpu.memory_space<vmem>>, vector<16xi32>,
          %mul3A_262 = arith.constant 128 : i32
          %mul3A_263 = arith.muli %while3A_172, %mul3A_262 : i32
          %add3A_264 = arith.constant 96 : i32
          %add3A_265 = arith.addi %mul3A_263, %add3A_264 : i32
          %get3A_266 = arith.index_cast %add3A_265 : i32 to index
          %get3A_267 = tpu.vector_load %arg11[%get3A_266] {strides = array<i32>} : memref<6544xi32, #tpu.memory_space<vmem>>, vector<16xi32>,
          %swap3A_268 = arith.constant 96 : index
          %swap3A_269 = tpu.vector_load %arg14[%swap3A_268] {strides = array<i32>} : memref<128xi32, #tpu.memory_space<vmem>>, vector<16xi32>,
          tpu.vector_store %arg14[%swap3A_268], %get3A_267 {strides = array<i32>} : memref<128xi32, #tpu.memory_space<vmem>>, vector<16xi32>,
          %mul3A_270 = arith.constant 128 : i32
          %mul3A_271 = arith.muli %while3A_172, %mul3A_270 : i32
          %add3A_272 = arith.constant 112 : i32
          %add3A_273 = arith.addi %mul3A_271, %add3A_272 : i32
          %get3A_274 = arith.index_cast %add3A_273 : i32 to index
          %get3A_275 = tpu.vector_load %arg11[%get3A_274] {strides = array<i32>} : memref<6544xi32, #tpu.memory_space<vmem>>, vector<16xi32>,
          %swap3A_276 = arith.constant 112 : index
          %swap3A_277 = tpu.vector_load %arg14[%swap3A_276] {strides = array<i32>} : memref<128xi32, #tpu.memory_space<vmem>>, vector<16xi32>,
          tpu.vector_store %arg14[%swap3A_276], %get3A_275 {strides = array<i32>} : memref<128xi32, #tpu.memory_space<vmem>>, vector<16xi32>,
          %dma_start3A_278 = arith.constant 0 : i32
          %dma_start3A_279 = arith.constant 0 : i32
          %dma_start3A_280 = tpu.memref_slice %arg6[%dma_start3A_278, %dma_start3A_279] : memref<204800x64xf32, #tpu.memory_space<hbm>> -> memref<204800x64xf32, #tpu.memory_space<hbm>>
          tpu.enqueue_indirect_dma source(%arg16 : memref<128x64xf32, #tpu.memory_space<vmem>>) target(%dma_start3A_280 : memref<204800x64xf32, #tpu.memory_space<hbm>>) offsets(%arg14 : memref<128xi32, #tpu.memory_space<vmem>>) semaphore(%arg19 : memref<!tpu.dma_semaphore, #tpu.memory_space<semaphore_mem>>)
        } else {
        }
        %eq3A_204 = arith.constant 1 : i32
        %eq3A_205 = arith.cmpi eq, %select_n3A_189, %eq3A_204 : i32
        %convert_element_type3A_206 = arith.extui %eq3A_205 : i1 to i32
        %cond3A_207 = arith.constant 0 : i32
        %cond3A_208 = arith.cmpi ne, %convert_element_type3A_206, %cond3A_207 : i32
        scf.if %cond3A_208 {
          %mul3A_216 = arith.constant 128 : i32
          %mul3A_217 = arith.muli %while3A_172, %mul3A_216 : i32
          %add3A_218 = arith.constant 0 : i32
          %add3A_219 = arith.addi %mul3A_217, %add3A_218 : i32
          %get3A = arith.index_cast %add3A_219 : i32 to index
          %get3A_220 = tpu.vector_load %arg11[%get3A] {strides = array<i32>} : memref<6544xi32, #tpu.memory_space<vmem>>, vector<16xi32>,
          %swap3A = arith.constant 0 : index
          %swap3A_221 = tpu.vector_load %arg15[%swap3A] {strides = array<i32>} : memref<128xi32, #tpu.memory_space<vmem>>, vector<16xi32>,
          tpu.vector_store %arg15[%swap3A], %get3A_220 {strides = array<i32>} : memref<128xi32, #tpu.memory_space<vmem>>, vector<16xi32>,
          %mul3A_222 = arith.constant 128 : i32
          %mul3A_223 = arith.muli %while3A_172, %mul3A_222 : i32
          %add3A_224 = arith.constant 16 : i32
          %add3A_225 = arith.addi %mul3A_223, %add3A_224 : i32
          %get3A_226 = arith.index_cast %add3A_225 : i32 to index
          %get3A_227 = tpu.vector_load %arg11[%get3A_226] {strides = array<i32>} : memref<6544xi32, #tpu.memory_space<vmem>>, vector<16xi32>,
          %swap3A_228 = arith.constant 16 : index
          %swap3A_229 = tpu.vector_load %arg15[%swap3A_228] {strides = array<i32>} : memref<128xi32, #tpu.memory_space<vmem>>, vector<16xi32>,
          tpu.vector_store %arg15[%swap3A_228], %get3A_227 {strides = array<i32>} : memref<128xi32, #tpu.memory_space<vmem>>, vector<16xi32>,
          %mul3A_230 = arith.constant 128 : i32
          %mul3A_231 = arith.muli %while3A_172, %mul3A_230 : i32
          %add3A_232 = arith.constant 32 : i32
          %add3A_233 = arith.addi %mul3A_231, %add3A_232 : i32
          %get3A_234 = arith.index_cast %add3A_233 : i32 to index
          %get3A_235 = tpu.vector_load %arg11[%get3A_234] {strides = array<i32>} : memref<6544xi32, #tpu.memory_space<vmem>>, vector<16xi32>,
          %swap3A_236 = arith.constant 32 : index
          %swap3A_237 = tpu.vector_load %arg15[%swap3A_236] {strides = array<i32>} : memref<128xi32, #tpu.memory_space<vmem>>, vector<16xi32>,
          tpu.vector_store %arg15[%swap3A_236], %get3A_235 {strides = array<i32>} : memref<128xi32, #tpu.memory_space<vmem>>, vector<16xi32>,
          %mul3A_238 = arith.constant 128 : i32
          %mul3A_239 = arith.muli %while3A_172, %mul3A_238 : i32
          %add3A_240 = arith.constant 48 : i32
          %add3A_241 = arith.addi %mul3A_239, %add3A_240 : i32
          %get3A_242 = arith.index_cast %add3A_241 : i32 to index
          %get3A_243 = tpu.vector_load %arg11[%get3A_242] {strides = array<i32>} : memref<6544xi32, #tpu.memory_space<vmem>>, vector<16xi32>,
          %swap3A_244 = arith.constant 48 : index
          %swap3A_245 = tpu.vector_load %arg15[%swap3A_244] {strides = array<i32>} : memref<128xi32, #tpu.memory_space<vmem>>, vector<16xi32>,
          tpu.vector_store %arg15[%swap3A_244], %get3A_243 {strides = array<i32>} : memref<128xi32, #tpu.memory_space<vmem>>, vector<16xi32>,
          %mul3A_246 = arith.constant 128 : i32
          %mul3A_247 = arith.muli %while3A_172, %mul3A_246 : i32
          %add3A_248 = arith.constant 64 : i32
          %add3A_249 = arith.addi %mul3A_247, %add3A_248 : i32
          %get3A_250 = arith.index_cast %add3A_249 : i32 to index
          %get3A_251 = tpu.vector_load %arg11[%get3A_250] {strides = array<i32>} : memref<6544xi32, #tpu.memory_space<vmem>>, vector<16xi32>,
          %swap3A_252 = arith.constant 64 : index
          %swap3A_253 = tpu.vector_load %arg15[%swap3A_252] {strides = array<i32>} : memref<128xi32, #tpu.memory_space<vmem>>, vector<16xi32>,
          tpu.vector_store %arg15[%swap3A_252], %get3A_251 {strides = array<i32>} : memref<128xi32, #tpu.memory_space<vmem>>, vector<16xi32>,
          %mul3A_254 = arith.constant 128 : i32
          %mul3A_255 = arith.muli %while3A_172, %mul3A_254 : i32
          %add3A_256 = arith.constant 80 : i32
          %add3A_257 = arith.addi %mul3A_255, %add3A_256 : i32
          %get3A_258 = arith.index_cast %add3A_257 : i32 to index
          %get3A_259 = tpu.vector_load %arg11[%get3A_258] {strides = array<i32>} : memref<6544xi32, #tpu.memory_space<vmem>>, vector<16xi32>,
          %swap3A_260 = arith.constant 80 : index
          %swap3A_261 = tpu.vector_load %arg15[%swap3A_260] {strides = array<i32>} : memref<128xi32, #tpu.memory_space<vmem>>, vector<16xi32>,
          tpu.vector_store %arg15[%swap3A_260], %get3A_259 {strides = array<i32>} : memref<128xi32, #tpu.memory_space<vmem>>, vector<16xi32>,
          %mul3A_262 = arith.constant 128 : i32
          %mul3A_263 = arith.muli %while3A_172, %mul3A_262 : i32
          %add3A_264 = arith.constant 96 : i32
          %add3A_265 = arith.addi %mul3A_263, %add3A_264 : i32
          %get3A_266 = arith.index_cast %add3A_265 : i32 to index
          %get3A_267 = tpu.vector_load %arg11[%get3A_266] {strides = array<i32>} : memref<6544xi32, #tpu.memory_space<vmem>>, vector<16xi32>,
          %swap3A_268 = arith.constant 96 : index
          %swap3A_269 = tpu.vector_load %arg15[%swap3A_268] {strides = array<i32>} : memref<128xi32, #tpu.memory_space<vmem>>, vector<16xi32>,
          tpu.vector_store %arg15[%swap3A_268], %get3A_267 {strides = array<i32>} : memref<128xi32, #tpu.memory_space<vmem>>, vector<16xi32>,
          %mul3A_270 = arith.constant 128 : i32
          %mul3A_271 = arith.muli %while3A_172, %mul3A_270 : i32
          %add3A_272 = arith.constant 112 : i32
          %add3A_273 = arith.addi %mul3A_271, %add3A_272 : i32
          %get3A_274 = arith.index_cast %add3A_273 : i32 to index
          %get3A_275 = tpu.vector_load %arg11[%get3A_274] {strides = array<i32>} : memref<6544xi32, #tpu.memory_space<vmem>>, vector<16xi32>,
          %swap3A_276 = arith.constant 112 : index
          %swap3A_277 = tpu.vector_load %arg15[%swap3A_276] {strides = array<i32>} : memref<128xi32, #tpu.memory_space<vmem>>, vector<16xi32>,
          tpu.vector_store %arg15[%swap3A_276], %get3A_275 {strides = array<i32>} : memref<128xi32, #tpu.memory_space<vmem>>, vector<16xi32>,
          %dma_start3A_278 = arith.constant 0 : i32
          %dma_start3A_279 = arith.constant 0 : i32
          %dma_start3A_280 = tpu.memref_slice %arg6[%dma_start3A_278, %dma_start3A_279] : memref<204800x64xf32, #tpu.memory_space<hbm>> -> memref<204800x64xf32, #tpu.memory_space<hbm>>
          tpu.enqueue_indirect_dma source(%arg17 : memref<128x64xf32, #tpu.memory_space<vmem>>) target(%dma_start3A_280 : memref<204800x64xf32, #tpu.memory_space<hbm>>) offsets(%arg15 : memref<128xi32, #tpu.memory_space<vmem>>) semaphore(%arg19 : memref<!tpu.dma_semaphore, #tpu.memory_space<semaphore_mem>>)
        } else {
        }
        %add3A_209 = arith.constant 1 : i32
        %add3A_210 = arith.addi %while3A_172, %add3A_209 : i32
        %lt3A_211 = arith.cmpi slt, %add3A_210, %select_n3A_97 : i32
        %convert_element_type3A_212 = arith.extui %lt3A_211 : i1 to i32
        %cond3A_213 = arith.constant 0 : i32
        %cond3A_214 = arith.cmpi ne, %convert_element_type3A_212, %cond3A_213 : i32
        scf.if %cond3A_214 {
          %add3A_216 = arith.constant 1 : i32
          %add3A_217 = arith.addi %while3A_172, %add3A_216 : i32
          %add3A_218 = arith.constant 1 : i32
          %add3A_219 = arith.addi %while3A_172, %add3A_218 : i32
          %jit3A_220 = arith.constant 2 : i32
          %eq3A_221 = arith.constant 0 : i32
          %eq3A_222 = arith.cmpi eq, %jit3A_220, %eq3A_221 : i32
          %jit3A_223 = arith.constant 1 : i32
          %select_n3A_224 = arith.select %eq3A_222, %jit3A_223, %jit3A_220 : i32
          %rem3A_225 = arith.remsi %add3A_219, %select_n3A_224 : i32
          %ne3A_226 = arith.constant 0 : i32
          %ne3A_227 = arith.cmpi ne, %rem3A_225, %ne3A_226 : i32
          %lt3A_228 = arith.constant 0 : i32
          %lt3A_229 = arith.cmpi slt, %rem3A_225, %lt3A_228 : i32
          %lt3A_230 = arith.constant 0 : i32
          %lt3A_231 = arith.cmpi slt, %select_n3A_224, %lt3A_230 : i32
          %ne3A_232 = arith.xori %lt3A_229, %lt3A_231 : i1
          %and3A_233 = arith.andi %ne3A_232, %ne3A_227 : i1
          %add3A_234 = arith.addi %rem3A_225, %select_n3A_224 : i32
          %select_n3A_235 = arith.select %and3A_233, %add3A_234, %rem3A_225 : i32
          %eq3A_236 = arith.constant 0 : i32
          %eq3A_237 = arith.cmpi eq, %select_n3A_235, %eq3A_236 : i32
          %convert_element_type3A_238 = arith.extui %eq3A_237 : i1 to i32
          %cond3A_239 = arith.constant 0 : i32
          %cond3A_240 = arith.cmpi ne, %convert_element_type3A_238, %cond3A_239 : i32
          scf.if %cond3A_240 {
            %mul3A_246 = arith.constant 128 : i32
            %mul3A_247 = arith.muli %add3A_217, %mul3A_246 : i32
            %dma_start3A_248 = tpu.memref_slice %arg10[%mul3A_247] : memref<6544xi32, #tpu.memory_space<vmem>> -> memref<128xi32, #tpu.memory_space<vmem>>
            %dma_start3A_249 = arith.constant 0 : i32
            %dma_start3A_250 = arith.constant 0 : i32
            %dma_start3A_251 = tpu.memref_slice %arg4[%dma_start3A_249, %dma_start3A_250] : memref<180000x64xf32, #tpu.memory_space<hbm>> -> memref<180000x64xf32, #tpu.memory_space<hbm>>
            tpu.enqueue_indirect_dma source(%dma_start3A_251 : memref<180000x64xf32, #tpu.memory_space<hbm>>) target(%arg16 : memref<128x64xf32, #tpu.memory_space<vmem>>) offsets(%dma_start3A_248 : memref<128xi32, #tpu.memory_space<vmem>>) semaphore(%arg18 : memref<!tpu.dma_semaphore, #tpu.memory_space<semaphore_mem>>)
          } else {
          }
          %eq3A_241 = arith.constant 1 : i32
          %eq3A_242 = arith.cmpi eq, %select_n3A_235, %eq3A_241 : i32
          %convert_element_type3A_243 = arith.extui %eq3A_242 : i1 to i32
          %cond3A_244 = arith.constant 0 : i32
          %cond3A_245 = arith.cmpi ne, %convert_element_type3A_243, %cond3A_244 : i32
          scf.if %cond3A_245 {
            %mul3A_246 = arith.constant 128 : i32
            %mul3A_247 = arith.muli %add3A_217, %mul3A_246 : i32
            %dma_start3A_248 = tpu.memref_slice %arg10[%mul3A_247] : memref<6544xi32, #tpu.memory_space<vmem>> -> memref<128xi32, #tpu.memory_space<vmem>>
            %dma_start3A_249 = arith.constant 0 : i32
            %dma_start3A_250 = arith.constant 0 : i32
            %dma_start3A_251 = tpu.memref_slice %arg4[%dma_start3A_249, %dma_start3A_250] : memref<180000x64xf32, #tpu.memory_space<hbm>> -> memref<180000x64xf32, #tpu.memory_space<hbm>>
            tpu.enqueue_indirect_dma source(%dma_start3A_251 : memref<180000x64xf32, #tpu.memory_space<hbm>>) target(%arg17 : memref<128x64xf32, #tpu.memory_space<vmem>>) offsets(%dma_start3A_248 : memref<128xi32, #tpu.memory_space<vmem>>) semaphore(%arg18 : memref<!tpu.dma_semaphore, #tpu.memory_space<semaphore_mem>>)
          } else {
          }
        } else {
        }
        %while3A_215 = arith.constant 0 : i32
        scf.yield %while3A_215 : i32
      }
      %dma_wait3A = arith.constant 0 : i32
      %dma_wait3A_170 = arith.constant 0 : i32
      %dma_wait3A_171 = tpu.memref_slice %arg6[%dma_wait3A, %dma_wait3A_170] : memref<204800x64xf32, #tpu.memory_space<hbm>> -> memref<204800x64xf32, #tpu.memory_space<hbm>>
      tpu.wait_indirect_dma semaphore(%arg19 : memref<!tpu.dma_semaphore, #tpu.memory_space<semaphore_mem>>) src(%arg16 : memref<128x64xf32, #tpu.memory_space<vmem>>) dst(%dma_wait3A_171 : memref<204800x64xf32, #tpu.memory_space<hbm>>)
    } else {
    }
    %jit3A_103 = arith.constant 128 : i32
    %eq3A_104 = arith.constant 0 : i32
    %eq3A_105 = arith.cmpi eq, %jit3A_103, %eq3A_104 : i32
    %jit3A_106 = arith.constant 1 : i32
    %select_n3A_107 = arith.select %eq3A_105, %jit3A_106, %jit3A_103 : i32
    %rem3A_108 = arith.remsi %scan3A_10#2, %select_n3A_107 : i32
    %ne3A_109 = arith.constant 0 : i32
    %ne3A_110 = arith.cmpi ne, %rem3A_108, %ne3A_109 : i32
    %lt3A_111 = arith.constant 0 : i32
    %lt3A_112 = arith.cmpi slt, %rem3A_108, %lt3A_111 : i32
    %lt3A_113 = arith.constant 0 : i32
    %lt3A_114 = arith.cmpi slt, %select_n3A_107, %lt3A_113 : i32
    %ne3A_115 = arith.xori %lt3A_112, %lt3A_114 : i1
    %and3A_116 = arith.andi %ne3A_115, %ne3A_110 : i1
    %add3A_117 = arith.addi %rem3A_108, %select_n3A_107 : i32
    %select_n3A_118 = arith.select %and3A_116, %add3A_117, %rem3A_108 : i32
    %ne3A_119 = arith.constant 0 : i32
    %ne3A_120 = arith.cmpi ne, %select_n3A_118, %ne3A_119 : i32
    %convert_element_type3A_121 = arith.extui %ne3A_120 : i1 to i32
    %cond3A_122 = arith.constant 0 : i32
    %cond3A_123 = arith.cmpi ne, %convert_element_type3A_121, %cond3A_122 : i32
    scf.if %cond3A_123 {
      %sub3A_155 = arith.constant 1 : i32
      %sub3A_156 = arith.subi %scan3A_10#2, %sub3A_155 : i32
      %broadcast_in_dim3A = vector.broadcast %sub3A_156 : i32 to vector<16xi32>
      %gather3A = tpu.vector_load_idx %arg12[%broadcast_in_dim3A] : memref<6544xi32, #tpu.memory_space<vmem>>[vector<16xi32>], vector<16xi32>,
      %gather3A_157 = tpu.vector_load_idx %arg13[%broadcast_in_dim3A] : memref<6544xi32, #tpu.memory_space<vmem>>[vector<16xi32>], vector<16xi32>,
      %add3A_158 = arith.constant 0 : i32
      %add3A_159 = arith.addi %scan3A_10#2, %add3A_158 : i32
      %swap3A = arith.index_cast %add3A_159 : i32 to index
      %swap3A_160 = tpu.vector_load %arg12[%swap3A] {strides = array<i32>} : memref<6544xi32, #tpu.memory_space<vmem>>, vector<16xi32>,
      tpu.vector_store %arg12[%swap3A], %gather3A {strides = array<i32>} : memref<6544xi32, #tpu.memory_space<vmem>>, vector<16xi32>,
      %add3A_161 = arith.constant 0 : i32
      %add3A_162 = arith.addi %scan3A_10#2, %add3A_161 : i32
      %swap3A_163 = arith.index_cast %add3A_162 : i32 to index
      %swap3A_164 = tpu.vector_load %arg13[%swap3A_163] {strides = array<i32>} : memref<6544xi32, #tpu.memory_space<vmem>>, vector<16xi32>,
      tpu.vector_store %arg13[%swap3A_163], %gather3A_157 {strides = array<i32>} : memref<6544xi32, #tpu.memory_space<vmem>>, vector<16xi32>,
      %add3A_165 = arith.constant 16 : i32
      %add3A_166 = arith.addi %scan3A_10#2, %add3A_165 : i32
      %swap3A_167 = arith.index_cast %add3A_166 : i32 to index
      %swap3A_168 = tpu.vector_load %arg12[%swap3A_167] {strides = array<i32>} : memref<6544xi32, #tpu.memory_space<vmem>>, vector<16xi32>,
      tpu.vector_store %arg12[%swap3A_167], %gather3A {strides = array<i32>} : memref<6544xi32, #tpu.memory_space<vmem>>, vector<16xi32>,
      %add3A_169 = arith.constant 16 : i32
      %add3A_170 = arith.addi %scan3A_10#2, %add3A_169 : i32
      %swap3A_171 = arith.index_cast %add3A_170 : i32 to index
      %swap3A_172 = tpu.vector_load %arg13[%swap3A_171] {strides = array<i32>} : memref<6544xi32, #tpu.memory_space<vmem>>, vector<16xi32>,
      tpu.vector_store %arg13[%swap3A_171], %gather3A_157 {strides = array<i32>} : memref<6544xi32, #tpu.memory_space<vmem>>, vector<16xi32>,
      %add3A_173 = arith.constant 32 : i32
      %add3A_174 = arith.addi %scan3A_10#2, %add3A_173 : i32
      %swap3A_175 = arith.index_cast %add3A_174 : i32 to index
      %swap3A_176 = tpu.vector_load %arg12[%swap3A_175] {strides = array<i32>} : memref<6544xi32, #tpu.memory_space<vmem>>, vector<16xi32>,
      tpu.vector_store %arg12[%swap3A_175], %gather3A {strides = array<i32>} : memref<6544xi32, #tpu.memory_space<vmem>>, vector<16xi32>,
      %add3A_177 = arith.constant 32 : i32
      %add3A_178 = arith.addi %scan3A_10#2, %add3A_177 : i32
      %swap3A_179 = arith.index_cast %add3A_178 : i32 to index
      %swap3A_180 = tpu.vector_load %arg13[%swap3A_179] {strides = array<i32>} : memref<6544xi32, #tpu.memory_space<vmem>>, vector<16xi32>,
      tpu.vector_store %arg13[%swap3A_179], %gather3A_157 {strides = array<i32>} : memref<6544xi32, #tpu.memory_space<vmem>>, vector<16xi32>,
      %add3A_181 = arith.constant 48 : i32
      %add3A_182 = arith.addi %scan3A_10#2, %add3A_181 : i32
      %swap3A_183 = arith.index_cast %add3A_182 : i32 to index
      %swap3A_184 = tpu.vector_load %arg12[%swap3A_183] {strides = array<i32>} : memref<6544xi32, #tpu.memory_space<vmem>>, vector<16xi32>,
      tpu.vector_store %arg12[%swap3A_183], %gather3A {strides = array<i32>} : memref<6544xi32, #tpu.memory_space<vmem>>, vector<16xi32>,
      %add3A_185 = arith.constant 48 : i32
      %add3A_186 = arith.addi %scan3A_10#2, %add3A_185 : i32
      %swap3A_187 = arith.index_cast %add3A_186 : i32 to index
      %swap3A_188 = tpu.vector_load %arg13[%swap3A_187] {strides = array<i32>} : memref<6544xi32, #tpu.memory_space<vmem>>, vector<16xi32>,
      tpu.vector_store %arg13[%swap3A_187], %gather3A_157 {strides = array<i32>} : memref<6544xi32, #tpu.memory_space<vmem>>, vector<16xi32>,
      %add3A_189 = arith.constant 64 : i32
      %add3A_190 = arith.addi %scan3A_10#2, %add3A_189 : i32
      %swap3A_191 = arith.index_cast %add3A_190 : i32 to index
      %swap3A_192 = tpu.vector_load %arg12[%swap3A_191] {strides = array<i32>} : memref<6544xi32, #tpu.memory_space<vmem>>, vector<16xi32>,
      tpu.vector_store %arg12[%swap3A_191], %gather3A {strides = array<i32>} : memref<6544xi32, #tpu.memory_space<vmem>>, vector<16xi32>,
      %add3A_193 = arith.constant 64 : i32
      %add3A_194 = arith.addi %scan3A_10#2, %add3A_193 : i32
      %swap3A_195 = arith.index_cast %add3A_194 : i32 to index
      %swap3A_196 = tpu.vector_load %arg13[%swap3A_195] {strides = array<i32>} : memref<6544xi32, #tpu.memory_space<vmem>>, vector<16xi32>,
      tpu.vector_store %arg13[%swap3A_195], %gather3A_157 {strides = array<i32>} : memref<6544xi32, #tpu.memory_space<vmem>>, vector<16xi32>,
      %add3A_197 = arith.constant 80 : i32
      %add3A_198 = arith.addi %scan3A_10#2, %add3A_197 : i32
      %swap3A_199 = arith.index_cast %add3A_198 : i32 to index
      %swap3A_200 = tpu.vector_load %arg12[%swap3A_199] {strides = array<i32>} : memref<6544xi32, #tpu.memory_space<vmem>>, vector<16xi32>,
      tpu.vector_store %arg12[%swap3A_199], %gather3A {strides = array<i32>} : memref<6544xi32, #tpu.memory_space<vmem>>, vector<16xi32>,
      %add3A_201 = arith.constant 80 : i32
      %add3A_202 = arith.addi %scan3A_10#2, %add3A_201 : i32
      %swap3A_203 = arith.index_cast %add3A_202 : i32 to index
      %swap3A_204 = tpu.vector_load %arg13[%swap3A_203] {strides = array<i32>} : memref<6544xi32, #tpu.memory_space<vmem>>, vector<16xi32>,
      tpu.vector_store %arg13[%swap3A_203], %gather3A_157 {strides = array<i32>} : memref<6544xi32, #tpu.memory_space<vmem>>, vector<16xi32>,
      %add3A_205 = arith.constant 96 : i32
      %add3A_206 = arith.addi %scan3A_10#2, %add3A_205 : i32
      %swap3A_207 = arith.index_cast %add3A_206 : i32 to index
      %swap3A_208 = tpu.vector_load %arg12[%swap3A_207] {strides = array<i32>} : memref<6544xi32, #tpu.memory_space<vmem>>, vector<16xi32>,
      tpu.vector_store %arg12[%swap3A_207], %gather3A {strides = array<i32>} : memref<6544xi32, #tpu.memory_space<vmem>>, vector<16xi32>,
      %add3A_209 = arith.constant 96 : i32
      %add3A_210 = arith.addi %scan3A_10#2, %add3A_209 : i32
      %swap3A_211 = arith.index_cast %add3A_210 : i32 to index
      %swap3A_212 = tpu.vector_load %arg13[%swap3A_211] {strides = array<i32>} : memref<6544xi32, #tpu.memory_space<vmem>>, vector<16xi32>,
      tpu.vector_store %arg13[%swap3A_211], %gather3A_157 {strides = array<i32>} : memref<6544xi32, #tpu.memory_space<vmem>>, vector<16xi32>,
      %add3A_213 = arith.constant 112 : i32
      %add3A_214 = arith.addi %scan3A_10#2, %add3A_213 : i32
      %swap3A_215 = arith.index_cast %add3A_214 : i32 to index
      %swap3A_216 = tpu.vector_load %arg12[%swap3A_215] {strides = array<i32>} : memref<6544xi32, #tpu.memory_space<vmem>>, vector<16xi32>,
      tpu.vector_store %arg12[%swap3A_215], %gather3A {strides = array<i32>} : memref<6544xi32, #tpu.memory_space<vmem>>, vector<16xi32>,
      %add3A_217 = arith.constant 112 : i32
      %add3A_218 = arith.addi %scan3A_10#2, %add3A_217 : i32
      %swap3A_219 = arith.index_cast %add3A_218 : i32 to index
      %swap3A_220 = tpu.vector_load %arg13[%swap3A_219] {strides = array<i32>} : memref<6544xi32, #tpu.memory_space<vmem>>, vector<16xi32>,
      tpu.vector_store %arg13[%swap3A_219], %gather3A_157 {strides = array<i32>} : memref<6544xi32, #tpu.memory_space<vmem>>, vector<16xi32>,
    } else {
    }
    %add3A_124 = arith.constant 127 : i32
    %add3A_125 = arith.addi %scan3A_10#2, %add3A_124 : i32
    %jit3A_126 = arith.constant 128 : i32
    %div3A_127 = arith.divsi %add3A_125, %jit3A_126 : i32
    %sign3A_128 = arith.constant 0 : i32
    %sign3A_129 = arith.cmpi sgt, %add3A_125, %sign3A_128 : i32
    %sign3A_130 = arith.extui %sign3A_129 : i1 to i32
    %sign3A_131 = arith.constant 0 : i32
    %sign3A_132 = arith.cmpi slt, %add3A_125, %sign3A_131 : i32
    %sign3A_133 = arith.extui %sign3A_132 : i1 to i32
    %sign3A_134 = arith.subi %sign3A_130, %sign3A_133 : i32
    %sign3A_135 = arith.constant 0 : i32
    %sign3A_136 = arith.cmpi sgt, %jit3A_126, %sign3A_135 : i32
    %sign3A_137 = arith.extui %sign3A_136 : i1 to i32
    %sign3A_138 = arith.constant 0 : i32
    %sign3A_139 = arith.cmpi slt, %jit3A_126, %sign3A_138 : i32
    %sign3A_140 = arith.extui %sign3A_139 : i1 to i32
    %sign3A_141 = arith.subi %sign3A_137, %sign3A_140 : i32
    %ne3A_142 = arith.cmpi ne, %sign3A_134, %sign3A_141 : i32
    %rem3A_143 = arith.remsi %add3A_125, %jit3A_126 : i32
    %ne3A_144 = arith.constant 0 : i32
    %ne3A_145 = arith.cmpi ne, %rem3A_143, %ne3A_144 : i32
    %and3A_146 = arith.andi %ne3A_142, %ne3A_145 : i1
    %sub3A_147 = arith.constant 1 : i32
    %sub3A_148 = arith.subi %div3A_127, %sub3A_147 : i32
    %select_n3A_149 = arith.select %and3A_146, %sub3A_148, %div3A_127 : i32
    %gt3A_150 = arith.constant 0 : i32
    %gt3A_151 = arith.cmpi sgt, %select_n3A_149, %gt3A_150 : i32
    %convert_element_type3A_152 = arith.extui %gt3A_151 : i1 to i32
    %cond3A_153 = arith.constant 0 : i32
    %cond3A_154 = arith.cmpi ne, %convert_element_type3A_152, %cond3A_153 : i32
    scf.if %cond3A_154 {
      %dma_start3A = arith.constant 0 : i32
      %dma_start3A_155 = tpu.memref_slice %arg12[%dma_start3A] : memref<6544xi32, #tpu.memory_space<vmem>> -> memref<128xi32, #tpu.memory_space<vmem>>
      %dma_start3A_156 = arith.constant 0 : i32
      %dma_start3A_157 = arith.constant 0 : i32
      %dma_start3A_158 = tpu.memref_slice %arg5[%dma_start3A_156, %dma_start3A_157] : memref<800000x64xf32, #tpu.memory_space<hbm>> -> memref<800000x64xf32, #tpu.memory_space<hbm>>
      tpu.enqueue_indirect_dma source(%dma_start3A_158 : memref<800000x64xf32, #tpu.memory_space<hbm>>) target(%arg16 : memref<128x64xf32, #tpu.memory_space<vmem>>) offsets(%dma_start3A_155 : memref<128xi32, #tpu.memory_space<vmem>>) semaphore(%arg18 : memref<!tpu.dma_semaphore, #tpu.memory_space<semaphore_mem>>)
      %while3A = arith.constant 0 : i32
      %while3A_159 = arith.constant 0 : i32
      %while3A_160 = arith.subi %select_n3A_149, %while3A : i32
      %while3A_161 = arith.addi %while3A, %while3A_160 : i32
      %while3A_162 = arith.constant 1 : i32
      %while3A_163 = arith.divsi %while3A_160, %while3A_162 : i32
      %while3A_164 = arith.muli %while3A_163, %while3A_162 : i32
      %while3A_165 = arith.addi %while3A, %while3A_164 : i32
      %while3A_166 = arith.constant 1 : i32
      %while3A_167 = scf.for %while3A_172 = %while3A to %while3A_165 step %while3A_166 iter_args(%while3A_173 = %while3A_159) -> (i32)  : i32 {
        %jit3A_174 = arith.constant 2 : i32
        %eq3A_175 = arith.constant 0 : i32
        %eq3A_176 = arith.cmpi eq, %jit3A_174, %eq3A_175 : i32
        %jit3A_177 = arith.constant 1 : i32
        %select_n3A_178 = arith.select %eq3A_176, %jit3A_177, %jit3A_174 : i32
        %rem3A_179 = arith.remsi %while3A_172, %select_n3A_178 : i32
        %ne3A_180 = arith.constant 0 : i32
        %ne3A_181 = arith.cmpi ne, %rem3A_179, %ne3A_180 : i32
        %lt3A_182 = arith.constant 0 : i32
        %lt3A_183 = arith.cmpi slt, %rem3A_179, %lt3A_182 : i32
        %lt3A_184 = arith.constant 0 : i32
        %lt3A_185 = arith.cmpi slt, %select_n3A_178, %lt3A_184 : i32
        %ne3A_186 = arith.xori %lt3A_183, %lt3A_185 : i1
        %and3A_187 = arith.andi %ne3A_186, %ne3A_181 : i1
        %add3A_188 = arith.addi %rem3A_179, %select_n3A_178 : i32
        %select_n3A_189 = arith.select %and3A_187, %add3A_188, %rem3A_179 : i32
        %ge3A = arith.constant 1 : i32
        %ge3A_190 = arith.cmpi sge, %while3A_172, %ge3A : i32
        %convert_element_type3A_191 = arith.extui %ge3A_190 : i1 to i32
        %cond3A_192 = arith.constant 0 : i32
        %cond3A_193 = arith.cmpi ne, %convert_element_type3A_191, %cond3A_192 : i32
        scf.if %cond3A_193 {
          %dma_wait3A_216 = arith.constant 0 : i32
          %dma_wait3A_217 = arith.constant 0 : i32
          %dma_wait3A_218 = tpu.memref_slice %arg6[%dma_wait3A_216, %dma_wait3A_217] : memref<204800x64xf32, #tpu.memory_space<hbm>> -> memref<204800x64xf32, #tpu.memory_space<hbm>>
          tpu.wait_indirect_dma semaphore(%arg19 : memref<!tpu.dma_semaphore, #tpu.memory_space<semaphore_mem>>) src(%arg16 : memref<128x64xf32, #tpu.memory_space<vmem>>) dst(%dma_wait3A_218 : memref<204800x64xf32, #tpu.memory_space<hbm>>)
        } else {
        }
        %dma_wait3A_194 = arith.constant 0 : i32
        %dma_wait3A_195 = tpu.memref_slice %arg8[%dma_wait3A_194] : memref<6544xi32, #tpu.memory_space<vmem>> -> memref<128xi32, #tpu.memory_space<vmem>>
        %dma_wait3A_196 = arith.constant 0 : i32
        %dma_wait3A_197 = arith.constant 0 : i32
        %dma_wait3A_198 = tpu.memref_slice %arg5[%dma_wait3A_196, %dma_wait3A_197] : memref<800000x64xf32, #tpu.memory_space<hbm>> -> memref<800000x64xf32, #tpu.memory_space<hbm>>
        tpu.wait_indirect_dma semaphore(%arg18 : memref<!tpu.dma_semaphore, #tpu.memory_space<semaphore_mem>>) src(%dma_wait3A_198 : memref<800000x64xf32, #tpu.memory_space<hbm>>) dst(%arg16 : memref<128x64xf32, #tpu.memory_space<vmem>>)
        %eq3A_199 = arith.constant 0 : i32
        %eq3A_200 = arith.cmpi eq, %select_n3A_189, %eq3A_199 : i32
        %convert_element_type3A_201 = arith.extui %eq3A_200 : i1 to i32
        %cond3A_202 = arith.constant 0 : i32
        %cond3A_203 = arith.cmpi ne, %convert_element_type3A_201, %cond3A_202 : i32
        scf.if %cond3A_203 {
          %mul3A_216 = arith.constant 128 : i32
          %mul3A_217 = arith.muli %while3A_172, %mul3A_216 : i32
          %add3A_218 = arith.constant 0 : i32
          %add3A_219 = arith.addi %mul3A_217, %add3A_218 : i32
          %get3A = arith.index_cast %add3A_219 : i32 to index
          %get3A_220 = tpu.vector_load %arg13[%get3A] {strides = array<i32>} : memref<6544xi32, #tpu.memory_space<vmem>>, vector<16xi32>,
          %swap3A = arith.constant 0 : index
          %swap3A_221 = tpu.vector_load %arg14[%swap3A] {strides = array<i32>} : memref<128xi32, #tpu.memory_space<vmem>>, vector<16xi32>,
          tpu.vector_store %arg14[%swap3A], %get3A_220 {strides = array<i32>} : memref<128xi32, #tpu.memory_space<vmem>>, vector<16xi32>,
          %mul3A_222 = arith.constant 128 : i32
          %mul3A_223 = arith.muli %while3A_172, %mul3A_222 : i32
          %add3A_224 = arith.constant 16 : i32
          %add3A_225 = arith.addi %mul3A_223, %add3A_224 : i32
          %get3A_226 = arith.index_cast %add3A_225 : i32 to index
          %get3A_227 = tpu.vector_load %arg13[%get3A_226] {strides = array<i32>} : memref<6544xi32, #tpu.memory_space<vmem>>, vector<16xi32>,
          %swap3A_228 = arith.constant 16 : index
          %swap3A_229 = tpu.vector_load %arg14[%swap3A_228] {strides = array<i32>} : memref<128xi32, #tpu.memory_space<vmem>>, vector<16xi32>,
          tpu.vector_store %arg14[%swap3A_228], %get3A_227 {strides = array<i32>} : memref<128xi32, #tpu.memory_space<vmem>>, vector<16xi32>,
          %mul3A_230 = arith.constant 128 : i32
          %mul3A_231 = arith.muli %while3A_172, %mul3A_230 : i32
          %add3A_232 = arith.constant 32 : i32
          %add3A_233 = arith.addi %mul3A_231, %add3A_232 : i32
          %get3A_234 = arith.index_cast %add3A_233 : i32 to index
          %get3A_235 = tpu.vector_load %arg13[%get3A_234] {strides = array<i32>} : memref<6544xi32, #tpu.memory_space<vmem>>, vector<16xi32>,
          %swap3A_236 = arith.constant 32 : index
          %swap3A_237 = tpu.vector_load %arg14[%swap3A_236] {strides = array<i32>} : memref<128xi32, #tpu.memory_space<vmem>>, vector<16xi32>,
          tpu.vector_store %arg14[%swap3A_236], %get3A_235 {strides = array<i32>} : memref<128xi32, #tpu.memory_space<vmem>>, vector<16xi32>,
          %mul3A_238 = arith.constant 128 : i32
          %mul3A_239 = arith.muli %while3A_172, %mul3A_238 : i32
          %add3A_240 = arith.constant 48 : i32
          %add3A_241 = arith.addi %mul3A_239, %add3A_240 : i32
          %get3A_242 = arith.index_cast %add3A_241 : i32 to index
          %get3A_243 = tpu.vector_load %arg13[%get3A_242] {strides = array<i32>} : memref<6544xi32, #tpu.memory_space<vmem>>, vector<16xi32>,
          %swap3A_244 = arith.constant 48 : index
          %swap3A_245 = tpu.vector_load %arg14[%swap3A_244] {strides = array<i32>} : memref<128xi32, #tpu.memory_space<vmem>>, vector<16xi32>,
          tpu.vector_store %arg14[%swap3A_244], %get3A_243 {strides = array<i32>} : memref<128xi32, #tpu.memory_space<vmem>>, vector<16xi32>,
          %mul3A_246 = arith.constant 128 : i32
          %mul3A_247 = arith.muli %while3A_172, %mul3A_246 : i32
          %add3A_248 = arith.constant 64 : i32
          %add3A_249 = arith.addi %mul3A_247, %add3A_248 : i32
          %get3A_250 = arith.index_cast %add3A_249 : i32 to index
          %get3A_251 = tpu.vector_load %arg13[%get3A_250] {strides = array<i32>} : memref<6544xi32, #tpu.memory_space<vmem>>, vector<16xi32>,
          %swap3A_252 = arith.constant 64 : index
          %swap3A_253 = tpu.vector_load %arg14[%swap3A_252] {strides = array<i32>} : memref<128xi32, #tpu.memory_space<vmem>>, vector<16xi32>,
          tpu.vector_store %arg14[%swap3A_252], %get3A_251 {strides = array<i32>} : memref<128xi32, #tpu.memory_space<vmem>>, vector<16xi32>,
          %mul3A_254 = arith.constant 128 : i32
          %mul3A_255 = arith.muli %while3A_172, %mul3A_254 : i32
          %add3A_256 = arith.constant 80 : i32
          %add3A_257 = arith.addi %mul3A_255, %add3A_256 : i32
          %get3A_258 = arith.index_cast %add3A_257 : i32 to index
          %get3A_259 = tpu.vector_load %arg13[%get3A_258] {strides = array<i32>} : memref<6544xi32, #tpu.memory_space<vmem>>, vector<16xi32>,
          %swap3A_260 = arith.constant 80 : index
          %swap3A_261 = tpu.vector_load %arg14[%swap3A_260] {strides = array<i32>} : memref<128xi32, #tpu.memory_space<vmem>>, vector<16xi32>,
          tpu.vector_store %arg14[%swap3A_260], %get3A_259 {strides = array<i32>} : memref<128xi32, #tpu.memory_space<vmem>>, vector<16xi32>,
          %mul3A_262 = arith.constant 128 : i32
          %mul3A_263 = arith.muli %while3A_172, %mul3A_262 : i32
          %add3A_264 = arith.constant 96 : i32
          %add3A_265 = arith.addi %mul3A_263, %add3A_264 : i32
          %get3A_266 = arith.index_cast %add3A_265 : i32 to index
          %get3A_267 = tpu.vector_load %arg13[%get3A_266] {strides = array<i32>} : memref<6544xi32, #tpu.memory_space<vmem>>, vector<16xi32>,
          %swap3A_268 = arith.constant 96 : index
          %swap3A_269 = tpu.vector_load %arg14[%swap3A_268] {strides = array<i32>} : memref<128xi32, #tpu.memory_space<vmem>>, vector<16xi32>,
          tpu.vector_store %arg14[%swap3A_268], %get3A_267 {strides = array<i32>} : memref<128xi32, #tpu.memory_space<vmem>>, vector<16xi32>,
          %mul3A_270 = arith.constant 128 : i32
          %mul3A_271 = arith.muli %while3A_172, %mul3A_270 : i32
          %add3A_272 = arith.constant 112 : i32
          %add3A_273 = arith.addi %mul3A_271, %add3A_272 : i32
          %get3A_274 = arith.index_cast %add3A_273 : i32 to index
          %get3A_275 = tpu.vector_load %arg13[%get3A_274] {strides = array<i32>} : memref<6544xi32, #tpu.memory_space<vmem>>, vector<16xi32>,
          %swap3A_276 = arith.constant 112 : index
          %swap3A_277 = tpu.vector_load %arg14[%swap3A_276] {strides = array<i32>} : memref<128xi32, #tpu.memory_space<vmem>>, vector<16xi32>,
          tpu.vector_store %arg14[%swap3A_276], %get3A_275 {strides = array<i32>} : memref<128xi32, #tpu.memory_space<vmem>>, vector<16xi32>,
          %dma_start3A_278 = arith.constant 0 : i32
          %dma_start3A_279 = arith.constant 0 : i32
          %dma_start3A_280 = tpu.memref_slice %arg6[%dma_start3A_278, %dma_start3A_279] : memref<204800x64xf32, #tpu.memory_space<hbm>> -> memref<204800x64xf32, #tpu.memory_space<hbm>>
          tpu.enqueue_indirect_dma source(%arg16 : memref<128x64xf32, #tpu.memory_space<vmem>>) target(%dma_start3A_280 : memref<204800x64xf32, #tpu.memory_space<hbm>>) offsets(%arg14 : memref<128xi32, #tpu.memory_space<vmem>>) semaphore(%arg19 : memref<!tpu.dma_semaphore, #tpu.memory_space<semaphore_mem>>)
        } else {
        }
        %eq3A_204 = arith.constant 1 : i32
        %eq3A_205 = arith.cmpi eq, %select_n3A_189, %eq3A_204 : i32
        %convert_element_type3A_206 = arith.extui %eq3A_205 : i1 to i32
        %cond3A_207 = arith.constant 0 : i32
        %cond3A_208 = arith.cmpi ne, %convert_element_type3A_206, %cond3A_207 : i32
        scf.if %cond3A_208 {
          %mul3A_216 = arith.constant 128 : i32
          %mul3A_217 = arith.muli %while3A_172, %mul3A_216 : i32
          %add3A_218 = arith.constant 0 : i32
          %add3A_219 = arith.addi %mul3A_217, %add3A_218 : i32
          %get3A = arith.index_cast %add3A_219 : i32 to index
          %get3A_220 = tpu.vector_load %arg13[%get3A] {strides = array<i32>} : memref<6544xi32, #tpu.memory_space<vmem>>, vector<16xi32>,
          %swap3A = arith.constant 0 : index
          %swap3A_221 = tpu.vector_load %arg15[%swap3A] {strides = array<i32>} : memref<128xi32, #tpu.memory_space<vmem>>, vector<16xi32>,
          tpu.vector_store %arg15[%swap3A], %get3A_220 {strides = array<i32>} : memref<128xi32, #tpu.memory_space<vmem>>, vector<16xi32>,
          %mul3A_222 = arith.constant 128 : i32
          %mul3A_223 = arith.muli %while3A_172, %mul3A_222 : i32
          %add3A_224 = arith.constant 16 : i32
          %add3A_225 = arith.addi %mul3A_223, %add3A_224 : i32
          %get3A_226 = arith.index_cast %add3A_225 : i32 to index
          %get3A_227 = tpu.vector_load %arg13[%get3A_226] {strides = array<i32>} : memref<6544xi32, #tpu.memory_space<vmem>>, vector<16xi32>,
          %swap3A_228 = arith.constant 16 : index
          %swap3A_229 = tpu.vector_load %arg15[%swap3A_228] {strides = array<i32>} : memref<128xi32, #tpu.memory_space<vmem>>, vector<16xi32>,
          tpu.vector_store %arg15[%swap3A_228], %get3A_227 {strides = array<i32>} : memref<128xi32, #tpu.memory_space<vmem>>, vector<16xi32>,
          %mul3A_230 = arith.constant 128 : i32
          %mul3A_231 = arith.muli %while3A_172, %mul3A_230 : i32
          %add3A_232 = arith.constant 32 : i32
          %add3A_233 = arith.addi %mul3A_231, %add3A_232 : i32
          %get3A_234 = arith.index_cast %add3A_233 : i32 to index
          %get3A_235 = tpu.vector_load %arg13[%get3A_234] {strides = array<i32>} : memref<6544xi32, #tpu.memory_space<vmem>>, vector<16xi32>,
          %swap3A_236 = arith.constant 32 : index
          %swap3A_237 = tpu.vector_load %arg15[%swap3A_236] {strides = array<i32>} : memref<128xi32, #tpu.memory_space<vmem>>, vector<16xi32>,
          tpu.vector_store %arg15[%swap3A_236], %get3A_235 {strides = array<i32>} : memref<128xi32, #tpu.memory_space<vmem>>, vector<16xi32>,
          %mul3A_238 = arith.constant 128 : i32
          %mul3A_239 = arith.muli %while3A_172, %mul3A_238 : i32
          %add3A_240 = arith.constant 48 : i32
          %add3A_241 = arith.addi %mul3A_239, %add3A_240 : i32
          %get3A_242 = arith.index_cast %add3A_241 : i32 to index
          %get3A_243 = tpu.vector_load %arg13[%get3A_242] {strides = array<i32>} : memref<6544xi32, #tpu.memory_space<vmem>>, vector<16xi32>,
          %swap3A_244 = arith.constant 48 : index
          %swap3A_245 = tpu.vector_load %arg15[%swap3A_244] {strides = array<i32>} : memref<128xi32, #tpu.memory_space<vmem>>, vector<16xi32>,
          tpu.vector_store %arg15[%swap3A_244], %get3A_243 {strides = array<i32>} : memref<128xi32, #tpu.memory_space<vmem>>, vector<16xi32>,
          %mul3A_246 = arith.constant 128 : i32
          %mul3A_247 = arith.muli %while3A_172, %mul3A_246 : i32
          %add3A_248 = arith.constant 64 : i32
          %add3A_249 = arith.addi %mul3A_247, %add3A_248 : i32
          %get3A_250 = arith.index_cast %add3A_249 : i32 to index
          %get3A_251 = tpu.vector_load %arg13[%get3A_250] {strides = array<i32>} : memref<6544xi32, #tpu.memory_space<vmem>>, vector<16xi32>,
          %swap3A_252 = arith.constant 64 : index
          %swap3A_253 = tpu.vector_load %arg15[%swap3A_252] {strides = array<i32>} : memref<128xi32, #tpu.memory_space<vmem>>, vector<16xi32>,
          tpu.vector_store %arg15[%swap3A_252], %get3A_251 {strides = array<i32>} : memref<128xi32, #tpu.memory_space<vmem>>, vector<16xi32>,
          %mul3A_254 = arith.constant 128 : i32
          %mul3A_255 = arith.muli %while3A_172, %mul3A_254 : i32
          %add3A_256 = arith.constant 80 : i32
          %add3A_257 = arith.addi %mul3A_255, %add3A_256 : i32
          %get3A_258 = arith.index_cast %add3A_257 : i32 to index
          %get3A_259 = tpu.vector_load %arg13[%get3A_258] {strides = array<i32>} : memref<6544xi32, #tpu.memory_space<vmem>>, vector<16xi32>,
          %swap3A_260 = arith.constant 80 : index
          %swap3A_261 = tpu.vector_load %arg15[%swap3A_260] {strides = array<i32>} : memref<128xi32, #tpu.memory_space<vmem>>, vector<16xi32>,
          tpu.vector_store %arg15[%swap3A_260], %get3A_259 {strides = array<i32>} : memref<128xi32, #tpu.memory_space<vmem>>, vector<16xi32>,
          %mul3A_262 = arith.constant 128 : i32
          %mul3A_263 = arith.muli %while3A_172, %mul3A_262 : i32
          %add3A_264 = arith.constant 96 : i32
          %add3A_265 = arith.addi %mul3A_263, %add3A_264 : i32
          %get3A_266 = arith.index_cast %add3A_265 : i32 to index
          %get3A_267 = tpu.vector_load %arg13[%get3A_266] {strides = array<i32>} : memref<6544xi32, #tpu.memory_space<vmem>>, vector<16xi32>,
          %swap3A_268 = arith.constant 96 : index
          %swap3A_269 = tpu.vector_load %arg15[%swap3A_268] {strides = array<i32>} : memref<128xi32, #tpu.memory_space<vmem>>, vector<16xi32>,
          tpu.vector_store %arg15[%swap3A_268], %get3A_267 {strides = array<i32>} : memref<128xi32, #tpu.memory_space<vmem>>, vector<16xi32>,
          %mul3A_270 = arith.constant 128 : i32
          %mul3A_271 = arith.muli %while3A_172, %mul3A_270 : i32
          %add3A_272 = arith.constant 112 : i32
          %add3A_273 = arith.addi %mul3A_271, %add3A_272 : i32
          %get3A_274 = arith.index_cast %add3A_273 : i32 to index
          %get3A_275 = tpu.vector_load %arg13[%get3A_274] {strides = array<i32>} : memref<6544xi32, #tpu.memory_space<vmem>>, vector<16xi32>,
          %swap3A_276 = arith.constant 112 : index
          %swap3A_277 = tpu.vector_load %arg15[%swap3A_276] {strides = array<i32>} : memref<128xi32, #tpu.memory_space<vmem>>, vector<16xi32>,
          tpu.vector_store %arg15[%swap3A_276], %get3A_275 {strides = array<i32>} : memref<128xi32, #tpu.memory_space<vmem>>, vector<16xi32>,
          %dma_start3A_278 = arith.constant 0 : i32
          %dma_start3A_279 = arith.constant 0 : i32
          %dma_start3A_280 = tpu.memref_slice %arg6[%dma_start3A_278, %dma_start3A_279] : memref<204800x64xf32, #tpu.memory_space<hbm>> -> memref<204800x64xf32, #tpu.memory_space<hbm>>
          tpu.enqueue_indirect_dma source(%arg17 : memref<128x64xf32, #tpu.memory_space<vmem>>) target(%dma_start3A_280 : memref<204800x64xf32, #tpu.memory_space<hbm>>) offsets(%arg15 : memref<128xi32, #tpu.memory_space<vmem>>) semaphore(%arg19 : memref<!tpu.dma_semaphore, #tpu.memory_space<semaphore_mem>>)
        } else {
        }
        %add3A_209 = arith.constant 1 : i32
        %add3A_210 = arith.addi %while3A_172, %add3A_209 : i32
        %lt3A_211 = arith.cmpi slt, %add3A_210, %select_n3A_149 : i32
        %convert_element_type3A_212 = arith.extui %lt3A_211 : i1 to i32
        %cond3A_213 = arith.constant 0 : i32
        %cond3A_214 = arith.cmpi ne, %convert_element_type3A_212, %cond3A_213 : i32
        scf.if %cond3A_214 {
          %add3A_216 = arith.constant 1 : i32
          %add3A_217 = arith.addi %while3A_172, %add3A_216 : i32
          %add3A_218 = arith.constant 1 : i32
          %add3A_219 = arith.addi %while3A_172, %add3A_218 : i32
          %jit3A_220 = arith.constant 2 : i32
          %eq3A_221 = arith.constant 0 : i32
          %eq3A_222 = arith.cmpi eq, %jit3A_220, %eq3A_221 : i32
          %jit3A_223 = arith.constant 1 : i32
          %select_n3A_224 = arith.select %eq3A_222, %jit3A_223, %jit3A_220 : i32
          %rem3A_225 = arith.remsi %add3A_219, %select_n3A_224 : i32
          %ne3A_226 = arith.constant 0 : i32
          %ne3A_227 = arith.cmpi ne, %rem3A_225, %ne3A_226 : i32
          %lt3A_228 = arith.constant 0 : i32
          %lt3A_229 = arith.cmpi slt, %rem3A_225, %lt3A_228 : i32
          %lt3A_230 = arith.constant 0 : i32
          %lt3A_231 = arith.cmpi slt, %select_n3A_224, %lt3A_230 : i32
          %ne3A_232 = arith.xori %lt3A_229, %lt3A_231 : i1
          %and3A_233 = arith.andi %ne3A_232, %ne3A_227 : i1
          %add3A_234 = arith.addi %rem3A_225, %select_n3A_224 : i32
          %select_n3A_235 = arith.select %and3A_233, %add3A_234, %rem3A_225 : i32
          %eq3A_236 = arith.constant 0 : i32
          %eq3A_237 = arith.cmpi eq, %select_n3A_235, %eq3A_236 : i32
          %convert_element_type3A_238 = arith.extui %eq3A_237 : i1 to i32
          %cond3A_239 = arith.constant 0 : i32
          %cond3A_240 = arith.cmpi ne, %convert_element_type3A_238, %cond3A_239 : i32
          scf.if %cond3A_240 {
            %mul3A_246 = arith.constant 128 : i32
            %mul3A_247 = arith.muli %add3A_217, %mul3A_246 : i32
            %dma_start3A_248 = tpu.memref_slice %arg12[%mul3A_247] : memref<6544xi32, #tpu.memory_space<vmem>> -> memref<128xi32, #tpu.memory_space<vmem>>
            %dma_start3A_249 = arith.constant 0 : i32
            %dma_start3A_250 = arith.constant 0 : i32
            %dma_start3A_251 = tpu.memref_slice %arg5[%dma_start3A_249, %dma_start3A_250] : memref<800000x64xf32, #tpu.memory_space<hbm>> -> memref<800000x64xf32, #tpu.memory_space<hbm>>
            tpu.enqueue_indirect_dma source(%dma_start3A_251 : memref<800000x64xf32, #tpu.memory_space<hbm>>) target(%arg16 : memref<128x64xf32, #tpu.memory_space<vmem>>) offsets(%dma_start3A_248 : memref<128xi32, #tpu.memory_space<vmem>>) semaphore(%arg18 : memref<!tpu.dma_semaphore, #tpu.memory_space<semaphore_mem>>)
          } else {
          }
          %eq3A_241 = arith.constant 1 : i32
          %eq3A_242 = arith.cmpi eq, %select_n3A_235, %eq3A_241 : i32
          %convert_element_type3A_243 = arith.extui %eq3A_242 : i1 to i32
          %cond3A_244 = arith.constant 0 : i32
          %cond3A_245 = arith.cmpi ne, %convert_element_type3A_243, %cond3A_244 : i32
          scf.if %cond3A_245 {
            %mul3A_246 = arith.constant 128 : i32
            %mul3A_247 = arith.muli %add3A_217, %mul3A_246 : i32
            %dma_start3A_248 = tpu.memref_slice %arg12[%mul3A_247] : memref<6544xi32, #tpu.memory_space<vmem>> -> memref<128xi32, #tpu.memory_space<vmem>>
            %dma_start3A_249 = arith.constant 0 : i32
            %dma_start3A_250 = arith.constant 0 : i32
            %dma_start3A_251 = tpu.memref_slice %arg5[%dma_start3A_249, %dma_start3A_250] : memref<800000x64xf32, #tpu.memory_space<hbm>> -> memref<800000x64xf32, #tpu.memory_space<hbm>>
            tpu.enqueue_indirect_dma source(%dma_start3A_251 : memref<800000x64xf32, #tpu.memory_space<hbm>>) target(%arg17 : memref<128x64xf32, #tpu.memory_space<vmem>>) offsets(%dma_start3A_248 : memref<128xi32, #tpu.memory_space<vmem>>) semaphore(%arg18 : memref<!tpu.dma_semaphore, #tpu.memory_space<semaphore_mem>>)
          } else {
          }
        } else {
        }
        %while3A_215 = arith.constant 0 : i32
        scf.yield %while3A_215 : i32
      }
      %while3A_168 = arith.constant 1 : i32
      %while3A_169 = scf.for %while3A_172 = %while3A_165 to %while3A_161 step %while3A_168 iter_args(%while3A_173 = %while3A_167) -> (i32)  : i32 {
        %jit3A_174 = arith.constant 2 : i32
        %eq3A_175 = arith.constant 0 : i32
        %eq3A_176 = arith.cmpi eq, %jit3A_174, %eq3A_175 : i32
        %jit3A_177 = arith.constant 1 : i32
        %select_n3A_178 = arith.select %eq3A_176, %jit3A_177, %jit3A_174 : i32
        %rem3A_179 = arith.remsi %while3A_172, %select_n3A_178 : i32
        %ne3A_180 = arith.constant 0 : i32
        %ne3A_181 = arith.cmpi ne, %rem3A_179, %ne3A_180 : i32
        %lt3A_182 = arith.constant 0 : i32
        %lt3A_183 = arith.cmpi slt, %rem3A_179, %lt3A_182 : i32
        %lt3A_184 = arith.constant 0 : i32
        %lt3A_185 = arith.cmpi slt, %select_n3A_178, %lt3A_184 : i32
        %ne3A_186 = arith.xori %lt3A_183, %lt3A_185 : i1
        %and3A_187 = arith.andi %ne3A_186, %ne3A_181 : i1
        %add3A_188 = arith.addi %rem3A_179, %select_n3A_178 : i32
        %select_n3A_189 = arith.select %and3A_187, %add3A_188, %rem3A_179 : i32
        %ge3A = arith.constant 1 : i32
        %ge3A_190 = arith.cmpi sge, %while3A_172, %ge3A : i32
        %convert_element_type3A_191 = arith.extui %ge3A_190 : i1 to i32
        %cond3A_192 = arith.constant 0 : i32
        %cond3A_193 = arith.cmpi ne, %convert_element_type3A_191, %cond3A_192 : i32
        scf.if %cond3A_193 {
          %dma_wait3A_216 = arith.constant 0 : i32
          %dma_wait3A_217 = arith.constant 0 : i32
          %dma_wait3A_218 = tpu.memref_slice %arg6[%dma_wait3A_216, %dma_wait3A_217] : memref<204800x64xf32, #tpu.memory_space<hbm>> -> memref<204800x64xf32, #tpu.memory_space<hbm>>
          tpu.wait_indirect_dma semaphore(%arg19 : memref<!tpu.dma_semaphore, #tpu.memory_space<semaphore_mem>>) src(%arg16 : memref<128x64xf32, #tpu.memory_space<vmem>>) dst(%dma_wait3A_218 : memref<204800x64xf32, #tpu.memory_space<hbm>>)
        } else {
        }
        %dma_wait3A_194 = arith.constant 0 : i32
        %dma_wait3A_195 = tpu.memref_slice %arg8[%dma_wait3A_194] : memref<6544xi32, #tpu.memory_space<vmem>> -> memref<128xi32, #tpu.memory_space<vmem>>
        %dma_wait3A_196 = arith.constant 0 : i32
        %dma_wait3A_197 = arith.constant 0 : i32
        %dma_wait3A_198 = tpu.memref_slice %arg5[%dma_wait3A_196, %dma_wait3A_197] : memref<800000x64xf32, #tpu.memory_space<hbm>> -> memref<800000x64xf32, #tpu.memory_space<hbm>>
        tpu.wait_indirect_dma semaphore(%arg18 : memref<!tpu.dma_semaphore, #tpu.memory_space<semaphore_mem>>) src(%dma_wait3A_198 : memref<800000x64xf32, #tpu.memory_space<hbm>>) dst(%arg16 : memref<128x64xf32, #tpu.memory_space<vmem>>)
        %eq3A_199 = arith.constant 0 : i32
        %eq3A_200 = arith.cmpi eq, %select_n3A_189, %eq3A_199 : i32
        %convert_element_type3A_201 = arith.extui %eq3A_200 : i1 to i32
        %cond3A_202 = arith.constant 0 : i32
        %cond3A_203 = arith.cmpi ne, %convert_element_type3A_201, %cond3A_202 : i32
        scf.if %cond3A_203 {
          %mul3A_216 = arith.constant 128 : i32
          %mul3A_217 = arith.muli %while3A_172, %mul3A_216 : i32
          %add3A_218 = arith.constant 0 : i32
          %add3A_219 = arith.addi %mul3A_217, %add3A_218 : i32
          %get3A = arith.index_cast %add3A_219 : i32 to index
          %get3A_220 = tpu.vector_load %arg13[%get3A] {strides = array<i32>} : memref<6544xi32, #tpu.memory_space<vmem>>, vector<16xi32>,
          %swap3A = arith.constant 0 : index
          %swap3A_221 = tpu.vector_load %arg14[%swap3A] {strides = array<i32>} : memref<128xi32, #tpu.memory_space<vmem>>, vector<16xi32>,
          tpu.vector_store %arg14[%swap3A], %get3A_220 {strides = array<i32>} : memref<128xi32, #tpu.memory_space<vmem>>, vector<16xi32>,
          %mul3A_222 = arith.constant 128 : i32
          %mul3A_223 = arith.muli %while3A_172, %mul3A_222 : i32
          %add3A_224 = arith.constant 16 : i32
          %add3A_225 = arith.addi %mul3A_223, %add3A_224 : i32
          %get3A_226 = arith.index_cast %add3A_225 : i32 to index
          %get3A_227 = tpu.vector_load %arg13[%get3A_226] {strides = array<i32>} : memref<6544xi32, #tpu.memory_space<vmem>>, vector<16xi32>,
          %swap3A_228 = arith.constant 16 : index
          %swap3A_229 = tpu.vector_load %arg14[%swap3A_228] {strides = array<i32>} : memref<128xi32, #tpu.memory_space<vmem>>, vector<16xi32>,
          tpu.vector_store %arg14[%swap3A_228], %get3A_227 {strides = array<i32>} : memref<128xi32, #tpu.memory_space<vmem>>, vector<16xi32>,
          %mul3A_230 = arith.constant 128 : i32
          %mul3A_231 = arith.muli %while3A_172, %mul3A_230 : i32
          %add3A_232 = arith.constant 32 : i32
          %add3A_233 = arith.addi %mul3A_231, %add3A_232 : i32
          %get3A_234 = arith.index_cast %add3A_233 : i32 to index
          %get3A_235 = tpu.vector_load %arg13[%get3A_234] {strides = array<i32>} : memref<6544xi32, #tpu.memory_space<vmem>>, vector<16xi32>,
          %swap3A_236 = arith.constant 32 : index
          %swap3A_237 = tpu.vector_load %arg14[%swap3A_236] {strides = array<i32>} : memref<128xi32, #tpu.memory_space<vmem>>, vector<16xi32>,
          tpu.vector_store %arg14[%swap3A_236], %get3A_235 {strides = array<i32>} : memref<128xi32, #tpu.memory_space<vmem>>, vector<16xi32>,
          %mul3A_238 = arith.constant 128 : i32
          %mul3A_239 = arith.muli %while3A_172, %mul3A_238 : i32
          %add3A_240 = arith.constant 48 : i32
          %add3A_241 = arith.addi %mul3A_239, %add3A_240 : i32
          %get3A_242 = arith.index_cast %add3A_241 : i32 to index
          %get3A_243 = tpu.vector_load %arg13[%get3A_242] {strides = array<i32>} : memref<6544xi32, #tpu.memory_space<vmem>>, vector<16xi32>,
          %swap3A_244 = arith.constant 48 : index
          %swap3A_245 = tpu.vector_load %arg14[%swap3A_244] {strides = array<i32>} : memref<128xi32, #tpu.memory_space<vmem>>, vector<16xi32>,
          tpu.vector_store %arg14[%swap3A_244], %get3A_243 {strides = array<i32>} : memref<128xi32, #tpu.memory_space<vmem>>, vector<16xi32>,
          %mul3A_246 = arith.constant 128 : i32
          %mul3A_247 = arith.muli %while3A_172, %mul3A_246 : i32
          %add3A_248 = arith.constant 64 : i32
          %add3A_249 = arith.addi %mul3A_247, %add3A_248 : i32
          %get3A_250 = arith.index_cast %add3A_249 : i32 to index
          %get3A_251 = tpu.vector_load %arg13[%get3A_250] {strides = array<i32>} : memref<6544xi32, #tpu.memory_space<vmem>>, vector<16xi32>,
          %swap3A_252 = arith.constant 64 : index
          %swap3A_253 = tpu.vector_load %arg14[%swap3A_252] {strides = array<i32>} : memref<128xi32, #tpu.memory_space<vmem>>, vector<16xi32>,
          tpu.vector_store %arg14[%swap3A_252], %get3A_251 {strides = array<i32>} : memref<128xi32, #tpu.memory_space<vmem>>, vector<16xi32>,
          %mul3A_254 = arith.constant 128 : i32
          %mul3A_255 = arith.muli %while3A_172, %mul3A_254 : i32
          %add3A_256 = arith.constant 80 : i32
          %add3A_257 = arith.addi %mul3A_255, %add3A_256 : i32
          %get3A_258 = arith.index_cast %add3A_257 : i32 to index
          %get3A_259 = tpu.vector_load %arg13[%get3A_258] {strides = array<i32>} : memref<6544xi32, #tpu.memory_space<vmem>>, vector<16xi32>,
          %swap3A_260 = arith.constant 80 : index
          %swap3A_261 = tpu.vector_load %arg14[%swap3A_260] {strides = array<i32>} : memref<128xi32, #tpu.memory_space<vmem>>, vector<16xi32>,
          tpu.vector_store %arg14[%swap3A_260], %get3A_259 {strides = array<i32>} : memref<128xi32, #tpu.memory_space<vmem>>, vector<16xi32>,
          %mul3A_262 = arith.constant 128 : i32
          %mul3A_263 = arith.muli %while3A_172, %mul3A_262 : i32
          %add3A_264 = arith.constant 96 : i32
          %add3A_265 = arith.addi %mul3A_263, %add3A_264 : i32
          %get3A_266 = arith.index_cast %add3A_265 : i32 to index
          %get3A_267 = tpu.vector_load %arg13[%get3A_266] {strides = array<i32>} : memref<6544xi32, #tpu.memory_space<vmem>>, vector<16xi32>,
          %swap3A_268 = arith.constant 96 : index
          %swap3A_269 = tpu.vector_load %arg14[%swap3A_268] {strides = array<i32>} : memref<128xi32, #tpu.memory_space<vmem>>, vector<16xi32>,
          tpu.vector_store %arg14[%swap3A_268], %get3A_267 {strides = array<i32>} : memref<128xi32, #tpu.memory_space<vmem>>, vector<16xi32>,
          %mul3A_270 = arith.constant 128 : i32
          %mul3A_271 = arith.muli %while3A_172, %mul3A_270 : i32
          %add3A_272 = arith.constant 112 : i32
          %add3A_273 = arith.addi %mul3A_271, %add3A_272 : i32
          %get3A_274 = arith.index_cast %add3A_273 : i32 to index
          %get3A_275 = tpu.vector_load %arg13[%get3A_274] {strides = array<i32>} : memref<6544xi32, #tpu.memory_space<vmem>>, vector<16xi32>,
          %swap3A_276 = arith.constant 112 : index
          %swap3A_277 = tpu.vector_load %arg14[%swap3A_276] {strides = array<i32>} : memref<128xi32, #tpu.memory_space<vmem>>, vector<16xi32>,
          tpu.vector_store %arg14[%swap3A_276], %get3A_275 {strides = array<i32>} : memref<128xi32, #tpu.memory_space<vmem>>, vector<16xi32>,
          %dma_start3A_278 = arith.constant 0 : i32
          %dma_start3A_279 = arith.constant 0 : i32
          %dma_start3A_280 = tpu.memref_slice %arg6[%dma_start3A_278, %dma_start3A_279] : memref<204800x64xf32, #tpu.memory_space<hbm>> -> memref<204800x64xf32, #tpu.memory_space<hbm>>
          tpu.enqueue_indirect_dma source(%arg16 : memref<128x64xf32, #tpu.memory_space<vmem>>) target(%dma_start3A_280 : memref<204800x64xf32, #tpu.memory_space<hbm>>) offsets(%arg14 : memref<128xi32, #tpu.memory_space<vmem>>) semaphore(%arg19 : memref<!tpu.dma_semaphore, #tpu.memory_space<semaphore_mem>>)
        } else {
        }
        %eq3A_204 = arith.constant 1 : i32
        %eq3A_205 = arith.cmpi eq, %select_n3A_189, %eq3A_204 : i32
        %convert_element_type3A_206 = arith.extui %eq3A_205 : i1 to i32
        %cond3A_207 = arith.constant 0 : i32
        %cond3A_208 = arith.cmpi ne, %convert_element_type3A_206, %cond3A_207 : i32
        scf.if %cond3A_208 {
          %mul3A_216 = arith.constant 128 : i32
          %mul3A_217 = arith.muli %while3A_172, %mul3A_216 : i32
          %add3A_218 = arith.constant 0 : i32
          %add3A_219 = arith.addi %mul3A_217, %add3A_218 : i32
          %get3A = arith.index_cast %add3A_219 : i32 to index
          %get3A_220 = tpu.vector_load %arg13[%get3A] {strides = array<i32>} : memref<6544xi32, #tpu.memory_space<vmem>>, vector<16xi32>,
          %swap3A = arith.constant 0 : index
          %swap3A_221 = tpu.vector_load %arg15[%swap3A] {strides = array<i32>} : memref<128xi32, #tpu.memory_space<vmem>>, vector<16xi32>,
          tpu.vector_store %arg15[%swap3A], %get3A_220 {strides = array<i32>} : memref<128xi32, #tpu.memory_space<vmem>>, vector<16xi32>,
          %mul3A_222 = arith.constant 128 : i32
          %mul3A_223 = arith.muli %while3A_172, %mul3A_222 : i32
          %add3A_224 = arith.constant 16 : i32
          %add3A_225 = arith.addi %mul3A_223, %add3A_224 : i32
          %get3A_226 = arith.index_cast %add3A_225 : i32 to index
          %get3A_227 = tpu.vector_load %arg13[%get3A_226] {strides = array<i32>} : memref<6544xi32, #tpu.memory_space<vmem>>, vector<16xi32>,
          %swap3A_228 = arith.constant 16 : index
          %swap3A_229 = tpu.vector_load %arg15[%swap3A_228] {strides = array<i32>} : memref<128xi32, #tpu.memory_space<vmem>>, vector<16xi32>,
          tpu.vector_store %arg15[%swap3A_228], %get3A_227 {strides = array<i32>} : memref<128xi32, #tpu.memory_space<vmem>>, vector<16xi32>,
          %mul3A_230 = arith.constant 128 : i32
          %mul3A_231 = arith.muli %while3A_172, %mul3A_230 : i32
          %add3A_232 = arith.constant 32 : i32
          %add3A_233 = arith.addi %mul3A_231, %add3A_232 : i32
          %get3A_234 = arith.index_cast %add3A_233 : i32 to index
          %get3A_235 = tpu.vector_load %arg13[%get3A_234] {strides = array<i32>} : memref<6544xi32, #tpu.memory_space<vmem>>, vector<16xi32>,
          %swap3A_236 = arith.constant 32 : index
          %swap3A_237 = tpu.vector_load %arg15[%swap3A_236] {strides = array<i32>} : memref<128xi32, #tpu.memory_space<vmem>>, vector<16xi32>,
          tpu.vector_store %arg15[%swap3A_236], %get3A_235 {strides = array<i32>} : memref<128xi32, #tpu.memory_space<vmem>>, vector<16xi32>,
          %mul3A_238 = arith.constant 128 : i32
          %mul3A_239 = arith.muli %while3A_172, %mul3A_238 : i32
          %add3A_240 = arith.constant 48 : i32
          %add3A_241 = arith.addi %mul3A_239, %add3A_240 : i32
          %get3A_242 = arith.index_cast %add3A_241 : i32 to index
          %get3A_243 = tpu.vector_load %arg13[%get3A_242] {strides = array<i32>} : memref<6544xi32, #tpu.memory_space<vmem>>, vector<16xi32>,
          %swap3A_244 = arith.constant 48 : index
          %swap3A_245 = tpu.vector_load %arg15[%swap3A_244] {strides = array<i32>} : memref<128xi32, #tpu.memory_space<vmem>>, vector<16xi32>,
          tpu.vector_store %arg15[%swap3A_244], %get3A_243 {strides = array<i32>} : memref<128xi32, #tpu.memory_space<vmem>>, vector<16xi32>,
          %mul3A_246 = arith.constant 128 : i32
          %mul3A_247 = arith.muli %while3A_172, %mul3A_246 : i32
          %add3A_248 = arith.constant 64 : i32
          %add3A_249 = arith.addi %mul3A_247, %add3A_248 : i32
          %get3A_250 = arith.index_cast %add3A_249 : i32 to index
          %get3A_251 = tpu.vector_load %arg13[%get3A_250] {strides = array<i32>} : memref<6544xi32, #tpu.memory_space<vmem>>, vector<16xi32>,
          %swap3A_252 = arith.constant 64 : index
          %swap3A_253 = tpu.vector_load %arg15[%swap3A_252] {strides = array<i32>} : memref<128xi32, #tpu.memory_space<vmem>>, vector<16xi32>,
          tpu.vector_store %arg15[%swap3A_252], %get3A_251 {strides = array<i32>} : memref<128xi32, #tpu.memory_space<vmem>>, vector<16xi32>,
          %mul3A_254 = arith.constant 128 : i32
          %mul3A_255 = arith.muli %while3A_172, %mul3A_254 : i32
          %add3A_256 = arith.constant 80 : i32
          %add3A_257 = arith.addi %mul3A_255, %add3A_256 : i32
          %get3A_258 = arith.index_cast %add3A_257 : i32 to index
          %get3A_259 = tpu.vector_load %arg13[%get3A_258] {strides = array<i32>} : memref<6544xi32, #tpu.memory_space<vmem>>, vector<16xi32>,
          %swap3A_260 = arith.constant 80 : index
          %swap3A_261 = tpu.vector_load %arg15[%swap3A_260] {strides = array<i32>} : memref<128xi32, #tpu.memory_space<vmem>>, vector<16xi32>,
          tpu.vector_store %arg15[%swap3A_260], %get3A_259 {strides = array<i32>} : memref<128xi32, #tpu.memory_space<vmem>>, vector<16xi32>,
          %mul3A_262 = arith.constant 128 : i32
          %mul3A_263 = arith.muli %while3A_172, %mul3A_262 : i32
          %add3A_264 = arith.constant 96 : i32
          %add3A_265 = arith.addi %mul3A_263, %add3A_264 : i32
          %get3A_266 = arith.index_cast %add3A_265 : i32 to index
          %get3A_267 = tpu.vector_load %arg13[%get3A_266] {strides = array<i32>} : memref<6544xi32, #tpu.memory_space<vmem>>, vector<16xi32>,
          %swap3A_268 = arith.constant 96 : index
          %swap3A_269 = tpu.vector_load %arg15[%swap3A_268] {strides = array<i32>} : memref<128xi32, #tpu.memory_space<vmem>>, vector<16xi32>,
          tpu.vector_store %arg15[%swap3A_268], %get3A_267 {strides = array<i32>} : memref<128xi32, #tpu.memory_space<vmem>>, vector<16xi32>,
          %mul3A_270 = arith.constant 128 : i32
          %mul3A_271 = arith.muli %while3A_172, %mul3A_270 : i32
          %add3A_272 = arith.constant 112 : i32
          %add3A_273 = arith.addi %mul3A_271, %add3A_272 : i32
          %get3A_274 = arith.index_cast %add3A_273 : i32 to index
          %get3A_275 = tpu.vector_load %arg13[%get3A_274] {strides = array<i32>} : memref<6544xi32, #tpu.memory_space<vmem>>, vector<16xi32>,
          %swap3A_276 = arith.constant 112 : index
          %swap3A_277 = tpu.vector_load %arg15[%swap3A_276] {strides = array<i32>} : memref<128xi32, #tpu.memory_space<vmem>>, vector<16xi32>,
          tpu.vector_store %arg15[%swap3A_276], %get3A_275 {strides = array<i32>} : memref<128xi32, #tpu.memory_space<vmem>>, vector<16xi32>,
          %dma_start3A_278 = arith.constant 0 : i32
          %dma_start3A_279 = arith.constant 0 : i32
          %dma_start3A_280 = tpu.memref_slice %arg6[%dma_start3A_278, %dma_start3A_279] : memref<204800x64xf32, #tpu.memory_space<hbm>> -> memref<204800x64xf32, #tpu.memory_space<hbm>>
          tpu.enqueue_indirect_dma source(%arg17 : memref<128x64xf32, #tpu.memory_space<vmem>>) target(%dma_start3A_280 : memref<204800x64xf32, #tpu.memory_space<hbm>>) offsets(%arg15 : memref<128xi32, #tpu.memory_space<vmem>>) semaphore(%arg19 : memref<!tpu.dma_semaphore, #tpu.memory_space<semaphore_mem>>)
        } else {
        }
        %add3A_209 = arith.constant 1 : i32
        %add3A_210 = arith.addi %while3A_172, %add3A_209 : i32
        %lt3A_211 = arith.cmpi slt, %add3A_210, %select_n3A_149 : i32
        %convert_element_type3A_212 = arith.extui %lt3A_211 : i1 to i32
        %cond3A_213 = arith.constant 0 : i32
        %cond3A_214 = arith.cmpi ne, %convert_element_type3A_212, %cond3A_213 : i32
        scf.if %cond3A_214 {
          %add3A_216 = arith.constant 1 : i32
          %add3A_217 = arith.addi %while3A_172, %add3A_216 : i32
          %add3A_218 = arith.constant 1 : i32
          %add3A_219 = arith.addi %while3A_172, %add3A_218 : i32
          %jit3A_220 = arith.constant 2 : i32
          %eq3A_221 = arith.constant 0 : i32
          %eq3A_222 = arith.cmpi eq, %jit3A_220, %eq3A_221 : i32
          %jit3A_223 = arith.constant 1 : i32
          %select_n3A_224 = arith.select %eq3A_222, %jit3A_223, %jit3A_220 : i32
          %rem3A_225 = arith.remsi %add3A_219, %select_n3A_224 : i32
          %ne3A_226 = arith.constant 0 : i32
          %ne3A_227 = arith.cmpi ne, %rem3A_225, %ne3A_226 : i32
          %lt3A_228 = arith.constant 0 : i32
          %lt3A_229 = arith.cmpi slt, %rem3A_225, %lt3A_228 : i32
          %lt3A_230 = arith.constant 0 : i32
          %lt3A_231 = arith.cmpi slt, %select_n3A_224, %lt3A_230 : i32
          %ne3A_232 = arith.xori %lt3A_229, %lt3A_231 : i1
          %and3A_233 = arith.andi %ne3A_232, %ne3A_227 : i1
          %add3A_234 = arith.addi %rem3A_225, %select_n3A_224 : i32
          %select_n3A_235 = arith.select %and3A_233, %add3A_234, %rem3A_225 : i32
          %eq3A_236 = arith.constant 0 : i32
          %eq3A_237 = arith.cmpi eq, %select_n3A_235, %eq3A_236 : i32
          %convert_element_type3A_238 = arith.extui %eq3A_237 : i1 to i32
          %cond3A_239 = arith.constant 0 : i32
          %cond3A_240 = arith.cmpi ne, %convert_element_type3A_238, %cond3A_239 : i32
          scf.if %cond3A_240 {
            %mul3A_246 = arith.constant 128 : i32
            %mul3A_247 = arith.muli %add3A_217, %mul3A_246 : i32
            %dma_start3A_248 = tpu.memref_slice %arg12[%mul3A_247] : memref<6544xi32, #tpu.memory_space<vmem>> -> memref<128xi32, #tpu.memory_space<vmem>>
            %dma_start3A_249 = arith.constant 0 : i32
            %dma_start3A_250 = arith.constant 0 : i32
            %dma_start3A_251 = tpu.memref_slice %arg5[%dma_start3A_249, %dma_start3A_250] : memref<800000x64xf32, #tpu.memory_space<hbm>> -> memref<800000x64xf32, #tpu.memory_space<hbm>>
            tpu.enqueue_indirect_dma source(%dma_start3A_251 : memref<800000x64xf32, #tpu.memory_space<hbm>>) target(%arg16 : memref<128x64xf32, #tpu.memory_space<vmem>>) offsets(%dma_start3A_248 : memref<128xi32, #tpu.memory_space<vmem>>) semaphore(%arg18 : memref<!tpu.dma_semaphore, #tpu.memory_space<semaphore_mem>>)
          } else {
          }
          %eq3A_241 = arith.constant 1 : i32
          %eq3A_242 = arith.cmpi eq, %select_n3A_235, %eq3A_241 : i32
          %convert_element_type3A_243 = arith.extui %eq3A_242 : i1 to i32
          %cond3A_244 = arith.constant 0 : i32
          %cond3A_245 = arith.cmpi ne, %convert_element_type3A_243, %cond3A_244 : i32
          scf.if %cond3A_245 {
            %mul3A_246 = arith.constant 128 : i32
            %mul3A_247 = arith.muli %add3A_217, %mul3A_246 : i32
            %dma_start3A_248 = tpu.memref_slice %arg12[%mul3A_247] : memref<6544xi32, #tpu.memory_space<vmem>> -> memref<128xi32, #tpu.memory_space<vmem>>
            %dma_start3A_249 = arith.constant 0 : i32
            %dma_start3A_250 = arith.constant 0 : i32
            %dma_start3A_251 = tpu.memref_slice %arg5[%dma_start3A_249, %dma_start3A_250] : memref<800000x64xf32, #tpu.memory_space<hbm>> -> memref<800000x64xf32, #tpu.memory_space<hbm>>
            tpu.enqueue_indirect_dma source(%dma_start3A_251 : memref<800000x64xf32, #tpu.memory_space<hbm>>) target(%arg17 : memref<128x64xf32, #tpu.memory_space<vmem>>) offsets(%dma_start3A_248 : memref<128xi32, #tpu.memory_space<vmem>>) semaphore(%arg18 : memref<!tpu.dma_semaphore, #tpu.memory_space<semaphore_mem>>)
          } else {
          }
        } else {
        }
        %while3A_215 = arith.constant 0 : i32
        scf.yield %while3A_215 : i32
      }
      %dma_wait3A = arith.constant 0 : i32
      %dma_wait3A_170 = arith.constant 0 : i32
      %dma_wait3A_171 = tpu.memref_slice %arg6[%dma_wait3A, %dma_wait3A_170] : memref<204800x64xf32, #tpu.memory_space<hbm>> -> memref<204800x64xf32, #tpu.memory_space<hbm>>
      tpu.wait_indirect_dma semaphore(%arg19 : memref<!tpu.dma_semaphore, #tpu.memory_space<semaphore_mem>>) src(%arg16 : memref<128x64xf32, #tpu.memory_space<vmem>>) dst(%dma_wait3A_171 : memref<204800x64xf32, #tpu.memory_space<hbm>>)
    } else {
    }
    return
  }
}

</mosaic_0001>

<sc_bundles>
// kernel: kernel.3.cloned.1.call-start
scs
__scs_entry_jumppad:
0x0: {  	(pc) =	sbr.rel $0x88, $3  }
0x1: {  	(tag) =	ssettag $0x0;
	lr =	simm.s32 $0x1  }
0x2: {  	[smem:$0x3F9D] =	sst lr;
	_ =	strace $0xD0000000  }
0x3: {  	_ = 	snop  }
0x4: {  	_ = 	snop  }
0x5: {  	_ = 	snop  }
0x6: {  	_ = 	snop  }
0x7: {  	_ = 	snop  }
__scs_overlays_trampoline_lowered:
0x8: {  	[smem:$0x3FAC] =	sst s0  }
0x9: {  	[smem:$0x3FAD] =	sst s1  }
0xa: {  	[smem:$0x3FAE] =	sst s2  }
0xb: {  	[smem:$0x3FAF] =	sst s3  }
0xc: {  	[smem:$0x3FB0] =	sst s4  }
0xd: {  	[smem:$0x3FB1] =	sst s5  }
0xe: {  	[smem:$0x3FB2] =	sst s6  }
0xf: {  	[smem:$0x3FB3] =	sst s7  }
0x10: {  	[smem:$0x3FB4] =	sst s8  }
0x11: {  	[smem:$0x3FB5] =	sst s9;
	s0 =	simm.s32 @!p0 $0x0  }
0x12: {  	s1 =	sld [smem:$0x3F9B];
	s0 =	simm.s32 @p0 $0x1  }
0x13: {  	[smem:$0x3FB6] =	sst s0;
	s0 =	simm.s32 @!p1 $0x0  }
0x14: {  	s2 =	sld [smem:$0x3F9A];
	s0 =	simm.s32 @p1 $0x1  }
0x15: {  	[smem:$0x3FB7] =	sst s0;
	s0 =	simm.s32 @!p2 $0x0  }
0x16: {  	s3 =	sld [smem:$0x3FDB];
	s0 =	simm.s32 @p2 $0x1  }
0x17: {  	s4 =	simm.s32 $0x1BF5;
	[smem:$0x3FB9] =	sst s0  }
0x18: {  	s0 =	sld [smem:$0x3F9C];
	_ =	swait.ge [sflag:s4], $0x0  }
0x19: {  	s7 =	sld [smem:$0x3F9D]  }
0x1a: {  	s8 =	sadd.s32 $0xFFFFE003, lr  }
0x1b: {  	s9 =	sadd.s32 $0xFFFFFEF7, lr;
	s5 =	simm.s32 $0xFFFFFFFF;
	p2 =	slt.u32 s8, $0xFFFFF086  }
0x1c: {  	p1 =	slt.u32 s9, $0xF7A;
	s5 =	simm.s32 @!p2 $0x0  }
0x1d: {  	s5 =	simm.s32 @p1 $0x1;
	p0 =	seq.s32 s7, s2  }
0x1e: {  	s7 =	smul.u32 @!p0 $0xF7A, s2;
	p2 =	seq.s32 @!p0 s5, $0x0  }
0x1f: {  	s9 =	smul.u32 $0xF7A, s1;
	s8 =	simm.s32 @!p0 $0x1BF5;
	p2 =	por !p2, p0  }
0x20: {  	[sflag:s8] =	ssyncset.s32 @!p0 $0xFFFFF086;
	s6 =	sadd.s32 @!p0 s3, s7;
	s7 =	simm.s32 @!p0 $0x108  }
0x21: {  	s3 =	sadd.s32 s3, s9;
	s6 =	sadd.s32 @!p0 $0x88, s6;
	s7 =	simm.s32 @p2 $0x1082  }
0x22: {  	[simem:s7], [sflag:s8] =	dma.local @!p0 [hbm:s6], $0xF7A  }
0x23: {  	s9 =	sor.u32 $0xD0000000, s2;
	s6 =	simm.s32 $0x108;
	_ =	swait.ge @!p0 [sflag:s8], $0x0  }
0x24: {  	s3 =	sadd.s32 $0x88, s3;
	s6 =	simm.s32 @!p1 $0x1082;
	[sflag:s4] =	ssyncset.s32 $0xFFFFF086  }
0x25: {  	[simem:s6], [sflag:s4] =	dma.local [hbm:s3], $0xF7A  }
0x26: {  	[smem:$0x3F9D] =	sst s1;
	(tag) =	ssettag s2;
	_ =	strace s9  }
0x27: {  	s1 =	sld [smem:$0x3FAD]  }
0x28: {  	s2 =	sld [smem:$0x3FAE]  }
0x29: {  	s4 =	sld [smem:$0x3FB0]  }
0x2a: {  	p0 =	seq.s32 s5, $0x0;
	s5 =	sld [smem:$0x3FB1]  }
0x2b: {  	s6 =	sld [smem:$0x3FB2]  }
0x2c: {  	s7 =	sld [smem:$0x3FB3]  }
0x2d: {  	s3 =	simm.s32 $0x108;
	s8 =	sld [smem:$0x3FB4]  }
0x2e: {  	s3 =	simm.s32 @!p0 $0x1082;
	s9 =	sld [smem:$0x3FB5]  }
0x2f: {  	lr =	sadd.s32 s0, s3;
	s0 =	sld [smem:$0x3FAC]  }
0x30: {  	s3 =	sld [smem:$0x3FAF]  }
0x31: {  	[smem:$0x3FB8] =	sst s10  }
0x32: {  	s10 =	sld [smem:$0x3FB6];
	_ =	sdelay $0x3  }
0x33: {  	p0 =	seq.s32 s10, $0x1;
	s10 =	sld [smem:$0x3FB8];
	_ =	sdelay $0x3  }
0x34: {  	[smem:$0x3FB8] =	sst s10  }
0x35: {  	s10 =	sld [smem:$0x3FB7];
	_ =	sdelay $0x3  }
0x36: {  	p1 =	seq.s32 s10, $0x1;
	s10 =	sld [smem:$0x3FB8];
	_ =	sdelay $0x3  }
0x37: {  	[smem:$0x3FB8] =	sst s10  }
0x38: {  	s10 =	sld [smem:$0x3FB9]  }
0x39: {  	_ = 	snop;
	(pc) =	sbr.ind lr, $3  }
0x3a: {  	_ = 	snop  }
0x3b: {  	_ = 	snop  }
0x3c: {  	p2 =	seq.s32 s10, $0x1;
	s10 =	sld [smem:$0x3FB8]  }
0x3d: {  	_ =	shalt  }
0x3e: {  	_ =	shalt  }
0x3f: {  	_ =	shalt  }
0x40: {  	_ =	shalt  }
0x41: {  	_ =	shalt  }
0x42: {  	_ =	shalt  }
0x43: {  	_ =	shalt  }
0x44: {  	_ =	shalt  }
0x45: {  	_ =	shalt  }
0x46: {  	_ =	shalt  }
0x47: {  	_ =	shalt  }
0x48: {  	_ =	shalt  }
0x49: {  	_ =	shalt  }
0x4a: {  	_ =	shalt  }
0x4b: {  	_ =	shalt  }
0x4c: {  	_ =	shalt  }
0x4d: {  	_ =	shalt  }
0x4e: {  	_ =	shalt  }
0x4f: {  	_ =	shalt  }
0x50: {  	_ =	shalt  }
0x51: {  	_ =	shalt  }
0x52: {  	_ =	shalt  }
0x53: {  	_ =	shalt  }
0x54: {  	_ =	shalt  }
0x55: {  	_ =	shalt  }
0x56: {  	_ =	shalt  }
0x57: {  	_ =	shalt  }
0x58: {  	_ =	shalt  }
0x59: {  	_ =	shalt  }
0x5a: {  	_ =	shalt  }
0x5b: {  	_ =	shalt  }
0x5c: {  	_ =	shalt  }
0x5d: {  	_ =	shalt  }
0x5e: {  	_ =	shalt  }
0x5f: {  	_ =	shalt  }
0x60: {  	_ =	shalt  }
0x61: {  	_ =	shalt  }
0x62: {  	_ =	shalt  }
0x63: {  	_ =	shalt  }
0x64: {  	_ =	shalt  }
0x65: {  	_ =	shalt  }
0x66: {  	_ =	shalt  }
0x67: {  	_ =	shalt  }
0x68: {  	_ =	shalt  }
0x69: {  	_ =	shalt  }
0x6a: {  	_ =	shalt  }
0x6b: {  	_ =	shalt  }
0x6c: {  	_ =	shalt  }
0x6d: {  	_ =	shalt  }
0x6e: {  	_ =	shalt  }
0x6f: {  	_ =	shalt  }
0x70: {  	_ =	shalt  }
0x71: {  	_ =	shalt  }
0x72: {  	_ =	shalt  }
0x73: {  	_ =	shalt  }
0x74: {  	_ =	shalt  }
0x75: {  	_ =	shalt  }
0x76: {  	_ =	shalt  }
0x77: {  	_ =	shalt  }
0x78: {  	_ =	shalt  }
0x79: {  	_ =	shalt  }
0x7a: {  	_ =	shalt  }
0x7b: {  	_ =	shalt  }
0x7c: {  	_ =	shalt  }
0x7d: {  	_ =	shalt  }
0x7e: {  	_ =	shalt  }
0x7f: {  	_ =	shalt  }
0x80: {  	_ =	shalt  }
0x81: {  	_ =	shalt  }
0x82: {  	_ =	shalt  }
0x83: {  	_ =	shalt  }
0x84: {  	_ =	shalt  }
0x85: {  	_ =	shalt  }
0x86: {  	_ =	shalt  }
0x87: {  	_ =	shalt  }
.Lfunc_end0:
.L_simem_size_0:
called_computation.1_lowered:
.L_overlay_start_0:
0x88: {  	s2 =	sld [smem:$0x3FD9]  }
0x89: {  	s3 =	sld [smem:$0x3FFE];
	_ =	sdelay $0x1  }
0x8a: {  	s1 =	srdreg.scid  }
0x8b: {  	s0 =	sand.u32 $0x1, s1  }
0x8c: {  	s17 =	sshll.u32 s0, $0xA;
	s2 =	sadd.s32 s3, s2  }
0x8d: {  	s2 =	sadd.s32 s2, s17  }
0x8e: {  	[smem:$0x3FC4] =	sst s2  }
0x8f: {  	_ = 	snop  }
0x90: {  	s2 =	sld [smem:$0x3FD0];
	(tm) =	ssettm $0x1  }
0x91: {  	s18 =	sld [smem:$0x3FFB];
	_ =	sdelay $0x3  }
0x92: {  	_ =	strace s18  }
0x93: {  	s3 =	sld [smem:$0x3FFC];
	_ =	sdelay $0x3  }
0x94: {  	_ =	strace s3  }
0x95: {  	s3 =	sld [smem:$0x3FFD];
	_ =	sdelay $0x3  }
0x96: {  	_ =	strace s3  }
0x97: {  	_ =	strace $0x8FFFFFFF  }
0x98: {  	s19 =	sld [smem:$0x3FDB];
	_ =	sdelay $0x1  }
0x99: {  	s4 =	simm.s32 $_scs_section_size  }
0x9a: {  	s5 =	simm.s32 $_size__tile_overlayer_lowered;
	s6 =	simm.s32 $_tile_overlayer_lowered  }
0x9b: {  	s22 =	simm.s32 $0x1BFF;
	s21 =	sshll.u32 s6, $0x1;
	s3 =	sadd.s32 s4, s19  }
0x9c: {  	s7 =	simm.s32 $0x0;
	s20 =	sshll.u32 s5, $0x1;
	s5 =	sadd.s32 s21, s3  }
0x9d: {  	[timem:s7], [sflag:s22] =	dma.local [hbm:s5], s20  }
0x9e: {  	_ =	swait.ge [sflag:s22], s20  }
0x9f: {  	s4 =	ssub.s32 $0x0, s20;
	[sflag:s22] =	ssyncset.done $0x0  }
0xa0: {  	[sflag:s22] =	ssyncadd.s32 s4;
	_ =	sdelay $0x1  }
0xa1: {  	s23 =	simm.s32 $0x1B8B  }
0xa2: {  	_ =	swait.ge [sflag:s23], $0x1  }
0xa3: {  	[sflag:s23] =	ssyncset.done $0x0  }
0xa4: {  	s25 =	simm.s32 $0x1B8E;
	s24 =	sld [smem:$0x3FFE];
	[sflag:s23] =	ssyncadd.s32 $0xFFFFFFFF  }
0xa5: {  	s26 =	simm.s32 $execute0_lowered;
	[smem:$0x3FD2] =	sst s25  }
0xa6: {  	s5 =	sshll.u32 s26, $0x1;
	_ =	strace $0x80000046;
	[dreg:$0x1] =	wrdreg $0xFFFFFFFF  }
0xa7: {  	s28 =	simm.s32 $_size_execute0_lowered;
	s3 =	sadd.s32 s3, s5;
	[dreg:$0x0] =	wrdreg $0x0  }
0xa8: {  	s5 =	sshll.u32 s28, $0x1;
	[dreg:$0x2] =	wrdreg s3  }
0xa9: {  	[dreg:$0x3] =	wrdreg s5  }
0xaa: {  	[dreg:$0x4] =	wrdreg $0xC0  }
0xab: {  	_ =	task [dreg:s7], $0x5FFFF  }
0xac: {  	[dreg:$0x1] =	wrdreg $0xFFFFFFFF  }
0xad: {  	[dreg:$0x0] =	wrdreg $0x60  }
0xae: {  	[dreg:$0x2] =	wrdreg s24  }
0xaf: {  	[dreg:$0x3] =	wrdreg s2  }
0xb0: {  	[dreg:$0x4] =	wrdreg $0x9  }
0xb1: {  	_ =	task.clear_ibuf [dreg:s7], $0x5FFFF;
	_ =	strace $0x90000046  }
0xb2: {  	s29 =	simm.s32 $0x9;
	_ =	strace $0x80000048  }
0xb3: {  	_ =	swait.ge [sflag:s29], $0x1  }
0xb4: {  	[sflag:s29] =	ssyncadd.s32 $0xFFFFFFFF  }
0xb5: {  	_ =	strace $0x90000048  }
0xb6: {  	_ =	sfence  }
0xb7: {  	s30 =	sld [smem:$0x0];
	_ =	sdelay $0x2  }
0xb8: {  	s31 =	sshll.u32 s1, $0xD;
	s1 =	sshrl.u32 s1, $0x2  }
0xb9: {  	s3 =	sand.u32 $0x4000, s31;
	s1 =	sadd.s32 s1, s30  }
0xba: {  	s0 =	sor.u32 s3, s0;
	s1 =	sshll.u32 s1, $0x11  }
0xbb: {  	s0 =	sor.u32 s1, s0  }
0xbc: {  	s0 =	sadd.s32 $0x8F2B, s0  }
0xbd: {  	[sflag:s0] =	ssyncadd.remote.s32 $0x1  }
0xbe: {  	_ =	sfence.sel $0xFFFF  }
0xbf: {  	[dreg:$0x0] =	wrdreg $0xFFFFFFFF;
	(pc) =	sbr.abs _section_cstart, $3  }
0xc0: {  	[dreg:$0x1] =	wrdreg $0xFFFFFFFF  }
0xc1: {  	_ =	task.clear_ibuf [dreg:s7], $0x2FFFF;
	_ =	strace $0x9FFFFFFF  }
0xc2: {  	(tm) =	ssettm $0x7FFFFFFF  }
0xc3: {  	_ =	shalt  }
tec
execute0_lowered:
.L_overlay_start_1:
0x0: {  	(tag) =	ssettag $0x1  }
0x1: {  	s0 =	srdreg.scid  }
0x2: {  	s5 =	stileid.u32;
	s1 =	rddreg [dreg:$0x0]  }
0x3: {  	s2 =	rddreg [dreg:$0x1];
	s30 =	simm.s32 $0x0;
	s11 =	simm.s32 $0x1900  }
0x4: {  	s12 =	simm.s32 $0x3290;
	s13 =	simm.s32 $0x4C20;
	s14 =	simm.s32 $0x65B0  }
0x5: {  	s15 =	simm.s32 $0x7F40;
	s16 =	simm.s32 $0x98D0;
	s17 =	simm.s32 $0x1  }
0x6: {  	s18 =	simm.s32 $0x80;
	s19 =	simm.s32 $0xB360;
	s21 =	simm.s32 $0x2  }
0x7: {  	s0 =	sand.u32 $0x1, s0;
	s3 =	sshll.u32 s5, $0x1;
	s9 =	smul.u32 $0x3200, s5  }
0x8: {  	s4 =	sor.u32 s0, s3;
	s8 =	ssub.s32 $0x2, s0;
	s0 =	smul.u32 $0x1900, s0  }
0x9: {  	s26 =	simm.s32 $0x0;
	s5 =	sadd.s32 $0x2BFE00, s1;
	s4 =	smul.u32 $0x1900, s4  }
.Ltmp0:
0xa: {  	[smem:$0x7FF] =	sst s30;
	s6 =	sadd.s32 $0xC35C00, s1;
	(pc) =	sbr.rel .LBB2_1-.Ltmp0, $4  }
0xb: {  	_ =	strace $0x80000047;
	s3 =	simm.s32 $0xB260;
	s10 =	sshrl.u32 s8, $0x1  }
0xc: {  	s31 =	ssub.s32 s8, s10;
	s0 =	sadd.s32 s0, s9;
	s4 =	sshrl.u32 s4, $0x3  }
0xd: {  	s10 =	simm.s32 $0x3;
	s8 =	smax.u32 s31, $0x1;
	s7 =	sadd.s32 s4, s1  }
0xe: {  	v0 =	vlaneseq.u32;
	v1 =	vimm.s32 $0x0;
	s9 =	sor.u32 $0x10, s0;
	s4 =	sadd.s32 $0xC00, s1;
	s7 =	sadd.s32 $0x27E00, s7  }
.LBB2_19:
0xf: {  	s24 =	simm.s32 @p3 $0xB360;
	s3 =	simm.s32 $0xB260  }
0x10: {  	[tilespmem:s24], [sflag:$0x1] =	stream.indirect.gather @!p2 [hbm4b:s6+s25], $0x40, s1, s25, $0xb8;
	[tilespmem:$0xF360] =	vst v63  }
.LBB2_20:
0x11: {  	_ =	swait.ge [sflag:s21], $0x2000  }
0x12: {  	[sflag:s21] =	ssyncset.done $0x0  }
0x13: {  	[sflag:s21] =	ssyncadd.s32 $0xFFFFE000  }
.LBB2_21:
0x14: {  	s26 =	sadd.s32 $0x1, s26  }
0x15: {  	p0 =	sne.s32 s26, s8  }
.Ltmp1:
0x16: {  	_ = 	snop;
	(pc) =	sbr.rel @!p0 .LBB2_22-.Ltmp1, $1  }
0x17: {  	_ =	sdelay $0x3  }
.LBB2_1:
0x18: {  	s1 =	simm.s32 $0x0  }
0x19: {  	[tilespmem:s1], [sflag:$0x3] =	stream.linear.gather [hbm4b:s7+s1], $0x1900, $0x38;
	[tilespmem:$0xF360] =	vst v63  }
0x1a: {  	_ =	swait.ge [sflag:s10], $0x1900  }
0x1b: {  	[sflag:s10] =	ssyncset.done $0x0  }
0x1c: {  	s0 =	simm.s32 $0x0;
	[sflag:s10] =	ssyncadd.s32 $0xFFFFE700  }
0x1d: {  	v2 =	vld [tilespmem:s0+$0x0];
	_ =	sdelay $0x4  }
0x1e: {  	vm0 =	vlt.s32 v2, $0x4E20;
	vm1 =	vgt.s32 v2, $0x30D3F  }
0x1f: {  	vm2 =	vmxor vm1, vm0;
	v3 =	vsel vm0, $0x1, v1  }
0x20: {  	vm3 =	vmneg vm2;
	(xrf0) =	vadd.scan.msk.s32 $0xffff, v3  }
0x21: {  	v3 =	vsel vm3, $0x1, v1  }
0x22: {  	(xrf0) =	vadd.scan.msk.s32 $0xffff, v3  }
0x23: {  	v4 =	vsel vm1, $0x1, v1;
	v3 =	vmov s1  }
0x24: {  	v3 =	vadd.s32 $0xFFFFFFFF, v3;
	(xrf0) =	vadd.scan.msk.s32 $0xffff, v4  }
0x25: {  	v3 =	vbroadcast v3, $0x0  }
0x26: {  	v54, _, _ =	vpop (xrf0)  }
0x27: {  	v5 =	vadd.s32 v54, v3  }
0x28: {  	v5 =	vnsel vm0, $0x198F, v5;
	v6, _, _ =	vpop (xrf0)  }
0x29: {  	v7 =	vadd.s32 v6, v3  }
0x2a: {  	v8, _, _ =	vpop (xrf0);
	v7 =	vsel vm2, $0x198F, v7  }
0x2b: {  	v3 =	vadd.s32 v8, v3  }
0x2c: {  	s22 =	sadd.s32 $0xFFFFFFF0, s9;
	v3 =	vnsel vm1, $0x198F, v3  }
0x2d: {  	v9 =	vor.u32 s22, v0;
	[tilespmem:v5+s11+$0x0] =	vst.idx.msk $0xffff, v2  }
0x2e: {  	v55 =	vadd.s32 $0xFFFFB1E0, v2;
	[tilespmem:v5+s12+$0x0] =	vst.idx.msk $0xffff, v9  }
0x2f: {  	[tilespmem:v7+s13+$0x0] =	vst.idx.msk $0xffff, v55  }
0x30: {  	v2 =	vadd.s32 $0xFFFCF2C0, v2;
	[tilespmem:v7+s14+$0x0] =	vst.idx.msk $0xffff, v9  }
0x31: {  	[tilespmem:v3+s15+$0x0] =	vst.idx.msk $0xffff, v2  }
0x32: {  	(v2sf) =	vpush v8, $0xF;
	[tilespmem:v3+s16+$0x0] =	vst.idx.msk $0xffff, v9  }
0x33: {  	v2 =	vld [tilespmem:s0+$0x10];
	_ =	sdelay $0x4  }
0x34: {  	vm12 =	vlt.s32 v2, $0x4E20  }
0x35: {  	(v2sf) =	vpush v54, $0xF;
	v3 =	vsel vm12, $0x1, v1  }
0x36: {  	vm13 =	vgt.s32 v2, $0x30D3F;
	(xrf0) =	vadd.scan.msk.s32 $0xffff, v3  }
0x37: {  	(v2sf) =	vpush v6, $0xF;
	vm14 =	vmxor vm13, vm12  }
0x38: {  	vm15 =	vmneg vm14  }
0x39: {  	v3 =	vsel vm15, $0x1, v1  }
0x3a: {  	v56 =	vsel vm13, $0x1, v1  }
0x3b: {  	(xrf0) =	vadd.scan.msk.s32 $0xffff, v56  }
0x3c: {  	(xrf0) =	vadd.scan.msk.s32 $0xffff, v3;
	v3, _, _ =	vpop (xrf0)  }
0x3d: {  	s23 =	spop (v2sf);
	(v2sf) =	vpush v3, $0xF;
	_ =	sdelay $0x6  }
0x3e: {  	s24 =	spop (v2sf)  }
0x3f: {  	s24 =	sadd.s32 $0x0, s24  }
0x40: {  	s25 =	spop (v2sf);
	v57 =	vmov s24  }
0x41: {  	s30 =	sadd.s32 $0x0, s25;
	v4 =	vadd.s32 $0xFFFFFFFF, v57  }
0x42: {  	s31 =	sadd.s32 $0x0, s23;
	v59 =	vmov s30;
	v4 =	vbroadcast v4, $0x0  }
0x43: {  	v60 =	vmov s31;
	v6 =	vadd.s32 $0xFFFFFFFF, v59;
	v58, _, _ =	vpop (xrf0)  }
0x44: {  	v6 =	vbroadcast v6, $0x0;
	v3 =	vadd.s32 v3, v4;
	(v2sf) =	vpush v58, $0xF  }
0x45: {  	v4 =	vadd.s32 $0xFFFFFFFF, v60;
	v3 =	vnsel vm12, $0x198F, v3;
	v61, _, _ =	vpop (xrf0)  }
0x46: {  	v4 =	vbroadcast v4, $0x0;
	v6 =	vadd.s32 v61, v6;
	s29 =	spop (v2sf);
	(v2sf) =	vpush v61, $0xF  }
0x47: {  	v6 =	vsel vm14, $0x198F, v6  }
0x48: {  	v4 =	vadd.s32 v58, v4  }
0x49: {  	v4 =	vnsel vm13, $0x198F, v4  }
0x4a: {  	v62 =	vor.u32 s9, v0;
	[tilespmem:v3+s11+$0x0] =	vst.idx.msk $0xffff, v2  }
0x4b: {  	v63 =	vadd.s32 $0xFFFFB1E0, v2;
	[tilespmem:v3+s12+$0x0] =	vst.idx.msk $0xffff, v62  }
0x4c: {  	[tilespmem:v6+s13+$0x0] =	vst.idx.msk $0xffff, v63  }
0x4d: {  	v2 =	vadd.s32 $0xFFFCF2C0, v2;
	[tilespmem:v6+s14+$0x0] =	vst.idx.msk $0xffff, v62  }
0x4e: {  	[tilespmem:v4+s15+$0x0] =	vst.idx.msk $0xffff, v2  }
0x4f: {  	s22 =	simm.s32 $0x20;
	[tilespmem:v4+s16+$0x0] =	vst.idx.msk $0xffff, v62  }
0x50: {  	v2 =	vld [tilespmem:s22+$0x0];
	_ =	sdelay $0x1  }
0x51: {  	s28 =	sadd.s32 $0x20, s9  }
0x52: {  	s1 =	simm.s32 $0x100;
	s0 =	sadd.s32 s24, s29;
	s24 =	spop (v2sf)  }
.LBB2_2:
0x53: {  	s31 =	sadd.s32 s31, s24  }
0x54: {  	vm1 =	vlt.s32 v2, $0x4E20;
	vm0 =	vgt.s32 v2, $0x30D3F;
	s24 =	spop (v2sf);
	s29 =	smov.u32 s1;
	s25 =	sadd.s32 $0x80, s1  }
0x55: {  	p0 =	sne.s32 s1, $0x6380;
	vm2 =	vmxor vm0, vm1;
	v3 =	vsel vm1, $0x1, v1;
	v4 =	vmov s31;
	s30 =	sadd.s32 s30, s24  }
0x56: {  	vm3 =	vmneg vm2;
	v5 =	vmov s30;
	v4 =	vadd.s32 $0xFFFFFFFF, v4;
	(xrf0) =	vadd.scan.msk.s32 $0xffff, v3  }
0x57: {  	v3 =	vsel vm3, $0x1, v1  }
0x58: {  	v6 =	vmov s0;
	v7 =	vsel vm0, $0x1, v1;
	(xrf0) =	vadd.scan.msk.s32 $0xffff, v3  }
0x59: {  	v3 =	vadd.s32 $0xFFFFFFFF, v6;
	(xrf0) =	vadd.scan.msk.s32 $0xffff, v7  }
0x5a: {  	v3 =	vbroadcast v3, $0x0  }
0x5b: {  	v5 =	vadd.s32 $0xFFFFFFFF, v5  }
0x5c: {  	v5 =	vbroadcast v5, $0x0;
	v6, _, _ =	vpop (xrf0)  }
0x5d: {  	v3 =	vadd.s32 v6, v3  }
0x5e: {  	v4 =	vbroadcast v4, $0x0;
	v3 =	vnsel vm1, $0x198F, v3;
	v7, _, _ =	vpop (xrf0)  }
0x5f: {  	v5 =	vadd.s32 v7, v5;
	v8, _, _ =	vpop (xrf0)  }
0x60: {  	v5 =	vsel vm2, $0x198F, v5;
	v4 =	vadd.s32 v8, v4;
	(v2sf) =	vpush v8, $0xF  }
0x61: {  	v4 =	vnsel vm0, $0x198F, v4;
	(v2sf) =	vpush v6, $0xF  }
0x62: {  	s1 =	sadd.s32 $0xFFFFFFF0, s28  }
0x63: {  	v6 =	vor.u32 s1, v0;
	[tilespmem:v3+s11+$0x0] =	vst.idx.msk $0xffff, v2;
	(v2sf) =	vpush v7, $0xF  }
0x64: {  	v7 =	vadd.s32 $0xFFFFB1E0, v2;
	[tilespmem:v3+s12+$0x0] =	vst.idx.msk $0xffff, v6  }
0x65: {  	[tilespmem:v5+s13+$0x0] =	vst.idx.msk $0xffff, v7  }
0x66: {  	v2 =	vadd.s32 $0xFFFCF2C0, v2;
	[tilespmem:v5+s14+$0x0] =	vst.idx.msk $0xffff, v6  }
0x67: {  	[tilespmem:v4+s15+$0x0] =	vst.idx.msk $0xffff, v2  }
0x68: {  	[tilespmem:v4+s16+$0x0] =	vst.idx.msk $0xffff, v6  }
0x69: {  	v2 =	vld [tilespmem:s22+$0x10];
	_ =	sdelay $0x4  }
0x6a: {  	vm2 =	vlt.s32 v2, $0x4E20;
	vm0 =	vgt.s32 v2, $0x30D3F  }
0x6b: {  	vm1 =	vmxor vm0, vm2;
	v3 =	vsel vm2, $0x1, v1;
	v4 =	vsel vm0, $0x1, v1;
	s1 =	spop (v2sf)  }
0x6c: {  	vm3 =	vmneg vm1;
	s22 =	spop (v2sf);
	(xrf0) =	vadd.scan.msk.s32 $0xffff, v3  }
0x6d: {  	s0 =	sadd.s32 s0, s22;
	v3 =	vsel vm3, $0x1, v1;
	(xrf0) =	vadd.scan.msk.s32 $0xffff, v4  }
0x6e: {  	v4 =	vmov s0;
	s22 =	spop (v2sf);
	(xrf0) =	vadd.scan.msk.s32 $0xffff, v3  }
0x6f: {  	s30 =	sadd.s32 s30, s22;
	v3 =	vadd.s32 $0xFFFFFFFF, v4  }
0x70: {  	v3 =	vbroadcast v3, $0x0;
	v4 =	vmov s30  }
0x71: {  	s31 =	sadd.s32 s31, s1;
	v4 =	vadd.s32 $0xFFFFFFFF, v4  }
0x72: {  	v4 =	vbroadcast v4, $0x0;
	v5, _, _ =	vpop (xrf0)  }
0x73: {  	v6 =	vmov s31;
	v3 =	vadd.s32 v5, v3;
	(v2sf) =	vpush v5, $0xF;
	v5, _, _ =	vpop (xrf0)  }
0x74: {  	v6 =	vadd.s32 $0xFFFFFFFF, v6;
	v3 =	vnsel vm2, $0x198F, v3;
	v7, _, _ =	vpop (xrf0);
	(v2sf) =	vpush v5, $0xF  }
0x75: {  	v6 =	vbroadcast v6, $0x0;
	v4 =	vadd.s32 v7, v4;
	(v2sf) =	vpush v7, $0xF  }
0x76: {  	v4 =	vsel vm1, $0x198F, v4  }
0x77: {  	v5 =	vadd.s32 v5, v6  }
0x78: {  	v6 =	vor.u32 s28, v0;
	v5 =	vnsel vm0, $0x198F, v5  }
0x79: {  	v7 =	vadd.s32 $0xFFFFB1E0, v2;
	[tilespmem:v3+s11+$0x0] =	vst.idx.msk $0xffff, v2  }
0x7a: {  	[tilespmem:v3+s12+$0x0] =	vst.idx.msk $0xffff, v6  }
0x7b: {  	v2 =	vadd.s32 $0xFFFCF2C0, v2;
	[tilespmem:v4+s13+$0x0] =	vst.idx.msk $0xffff, v7  }
0x7c: {  	[tilespmem:v4+s14+$0x0] =	vst.idx.msk $0xffff, v6  }
0x7d: {  	s22 =	sshra.s32 s29, $0x2;
	[tilespmem:v5+s15+$0x0] =	vst.idx.msk $0xffff, v2  }
0x7e: {  	[tilespmem:v5+s16+$0x0] =	vst.idx.msk $0xffff, v6  }
.Ltmp2:
0x7f: {  	v2 =	vld [tilespmem:s22+$0x0];
	(pc) =	sbr.rel @p0 .LBB2_2-.Ltmp2, $3  }
0x80: {  	_ =	sdelay $0x1  }
0x81: {  	s28 =	sadd.s32 $0x20, s28;
	s1 =	spop (v2sf)  }
0x82: {  	s0 =	sadd.s32 s0, s1;
	s24 =	spop (v2sf);
	s1 =	smov.u32 s25  }
0x83: {  	vm0 =	vlt.s32 v2, $0x4E20;
	vm1 =	vgt.s32 v2, $0x30D3F  }
0x84: {  	vm2 =	vmxor vm1, vm0;
	v3 =	vsel vm0, $0x1, v1  }
0x85: {  	vm3 =	vmneg vm2;
	(xrf0) =	vadd.scan.msk.s32 $0xffff, v3  }
0x86: {  	v3 =	vsel vm3, $0x1, v1  }
0x87: {  	(xrf0) =	vadd.scan.msk.s32 $0xffff, v3  }
0x88: {  	s1 =	spop (v2sf);
	v4 =	vsel vm1, $0x1, v1;
	v3 =	vmov s0  }
0x89: {  	s1 =	sadd.s32 s30, s1;
	v3 =	vadd.s32 $0xFFFFFFFF, v3;
	(xrf0) =	vadd.scan.msk.s32 $0xffff, v4  }
0x8a: {  	v54 =	vmov s1;
	v3 =	vbroadcast v3, $0x0  }
0x8b: {  	s24 =	sadd.s32 s31, s24;
	v4 =	vadd.s32 $0xFFFFFFFF, v54;
	v5, _, _ =	vpop (xrf0)  }
0x8c: {  	v6 =	vmov s24;
	v4 =	vbroadcast v4, $0x0;
	v3 =	vadd.s32 v5, v3  }
0x8d: {  	v6 =	vadd.s32 $0xFFFFFFFF, v6;
	v3 =	vnsel vm0, $0x198F, v3;
	v7, _, _ =	vpop (xrf0)  }
0x8e: {  	v6 =	vbroadcast v6, $0x0;
	v4 =	vadd.s32 v7, v4  }
0x8f: {  	v8, _, _ =	vpop (xrf0);
	v4 =	vsel vm2, $0x198F, v4  }
0x90: {  	v6 =	vadd.s32 v8, v6  }
0x91: {  	s25 =	sadd.s32 $0xFFFFFFF0, s28;
	v6 =	vnsel vm1, $0x198F, v6  }
0x92: {  	v9 =	vor.u32 s25, v0;
	[tilespmem:v3+s11+$0x0] =	vst.idx.msk $0xffff, v2  }
0x93: {  	[tilespmem:v3+s12+$0x0] =	vst.idx.msk $0xffff, v9;
	v3 =	vadd.s32 $0xFFFFB1E0, v2  }
0x94: {  	[tilespmem:v4+s13+$0x0] =	vst.idx.msk $0xffff, v3  }
0x95: {  	v2 =	vadd.s32 $0xFFFCF2C0, v2;
	[tilespmem:v4+s14+$0x0] =	vst.idx.msk $0xffff, v9  }
0x96: {  	[tilespmem:v6+s15+$0x0] =	vst.idx.msk $0xffff, v2  }
0x97: {  	[tilespmem:v6+s16+$0x0] =	vst.idx.msk $0xffff, v9  }
0x98: {  	v2 =	vld [tilespmem:s22+$0x10];
	_ =	sdelay $0x4  }
0x99: {  	(v2sf) =	vpush v8, $0xF;
	vm12 =	vlt.s32 v2, $0x4E20  }
0x9a: {  	(v2sf) =	vpush v5, $0xF;
	v3 =	vsel vm12, $0x1, v1  }
0x9b: {  	(xrf0) =	vadd.scan.msk.s32 $0xffff, v3  }
0x9c: {  	(v2sf) =	vpush v7, $0xF;
	_ =	sdelay $0x4  }
0x9d: {  	v3, _, _ =	vpop (xrf0)  }
0x9e: {  	(v2sf) =	vpush v3, $0xF;
	_ =	sdelay $0x3  }
0x9f: {  	vm13 =	vgt.s32 v2, $0x30D3F  }
0xa0: {  	vm14 =	vmxor vm13, vm12  }
0xa1: {  	s31 =	spop (v2sf);
	v55 =	vsel vm13, $0x1, v1;
	vm15 =	vmneg vm14  }
0xa2: {  	s20 =	spop (v2sf);
	v56 =	vsel vm15, $0x1, v1;
	(xrf0) =	vadd.scan.msk.s32 $0xffff, v55  }
0xa3: {  	s25 =	sadd.s32 s0, s20;
	(xrf0) =	vadd.scan.msk.s32 $0xffff, v56  }
0xa4: {  	s23 =	spop (v2sf);
	v57 =	vmov s25  }
0xa5: {  	s0 =	sadd.s32 s1, s23;
	v4 =	vadd.s32 $0xFFFFFFFF, v57  }
0xa6: {  	v58 =	vmov s0;
	v4 =	vbroadcast v4, $0x0  }
0xa7: {  	s1 =	sadd.s32 s24, s31;
	v5 =	vadd.s32 $0xFFFFFFFF, v58  }
0xa8: {  	v59 =	vmov s1;
	v5 =	vbroadcast v5, $0x0;
	v3 =	vadd.s32 v3, v4;
	v60, _, _ =	vpop (xrf0)  }
0xa9: {  	v4 =	vadd.s32 $0xFFFFFFFF, v59;
	v3 =	vnsel vm12, $0x198F, v3;
	v61, _, _ =	vpop (xrf0)  }
0xaa: {  	v4 =	vbroadcast v4, $0x0;
	v5 =	vadd.s32 v61, v5;
	s24 =	spop (v2sf)  }
0xab: {  	v5 =	vsel vm14, $0x198F, v5;
	s22 =	sadd.s32 s25, s24  }
0xac: {  	v4 =	vadd.s32 v60, v4;
	s25 =	sand.u32 $0x7F, s22  }
0xad: {  	v4 =	vnsel vm13, $0x198F, v4;
	p0 =	seq.s32 s25, $0x0  }
0xae: {  	v62 =	vor.u32 s28, v0;
	[tilespmem:v3+s11+$0x0] =	vst.idx.msk $0xffff, v2;
	s24 =	sadd.s32 @!p0 $0xFFFFFFFF, s22  }
0xaf: {  	v63 =	vadd.s32 $0xFFFFB1E0, v2;
	[tilespmem:v3+s12+$0x0] =	vst.idx.msk $0xffff, v62;
	v3 =	vmov @!p0 s24  }
0xb0: {  	[tilespmem:v5+s13+$0x0] =	vst.idx.msk $0xffff, v63  }
0xb1: {  	v2 =	vadd.s32 $0xFFFCF2C0, v2;
	[tilespmem:v5+s14+$0x0] =	vst.idx.msk $0xffff, v62  }
0xb2: {  	[tilespmem:v4+s15+$0x0] =	vst.idx.msk $0xffff, v2  }
0xb3: {  	[tilespmem:v4+s16+$0x0] =	vst.idx.msk $0xffff, v62;
	s24 =	simm.s32 @!p0 $0x1900  }
0xb4: {  	v2 =	vld.idx.msk @!p0 [tilespmem:v3+s24+$0x0], $0xffff;
	_ =	sdelay $0x2  }
0xb5: {  	(v2sf) =	vpush v60, $0xF  }
0xb6: {  	(v2sf) =	vpush v61, $0xF;
	s24 =	simm.s32 @!p0 $0x3290  }
0xb7: {  	v3 =	vld.idx.msk @!p0 [tilespmem:v3+s24+$0x0], $0xffff;
	[tilespmem:s22+$0x1900] =	vst @!p0 v2  }
0xb8: {  	[tilespmem:s22+$0x1910] =	vst @!p0 v2  }
0xb9: {  	[tilespmem:s22+$0x1920] =	vst @!p0 v2  }
0xba: {  	s31 =	sadd.s32 $0x7F, s22;
	[tilespmem:s22+$0x1930] =	vst @!p0 v2  }
0xbb: {  	s20 =	sand.u32 $0x7F, s31;
	[tilespmem:s22+$0x1940] =	vst @!p0 v2  }
0xbc: {  	s28 =	sshra.s32 s31, $0x1F;
	p1 =	slt.s32 s31, $0x1;
	p2 =	sne.s32 s20, $0x0;
	[tilespmem:s22+$0x1950] =	vst @!p0 v2  }
0xbd: {  	s23 =	sshrl.u32 s28, $0x19;
	p1 =	por !p1, !p2;
	[tilespmem:s22+$0x1960] =	vst @!p0 v2  }
0xbe: {  	s25 =	simm.s32 $0x1;
	p1 =	por !p1, !p1;
	s24 =	sadd.s32 s23, s31;
	[tilespmem:s22+$0x1970] =	vst @!p0 v2  }
0xbf: {  	s25 =	simm.s32 @!p1 $0x0;
	s24 =	sshra.s32 s24, $0x7;
	[tilespmem:s22+$0x3290] =	vst @!p0 v3  }
0xc0: {  	s30 =	ssub.s32 s24, s25;
	[tilespmem:s22+$0x32A0] =	vst @!p0 v3  }
0xc1: {  	p1 =	slt.s32 s30, $0x1;
	[tilespmem:s22+$0x32B0] =	vst @!p0 v3  }
.Ltmp3:
0xc2: {  	[tilespmem:s22+$0x32C0] =	vst @!p0 v3;
	(pc) =	sbr.rel @p1 .LBB2_9-.Ltmp3, $4  }
0xc3: {  	[tilespmem:s22+$0x32D0] =	vst @!p0 v3  }
0xc4: {  	s28 =	spop (v2sf);
	[tilespmem:s22+$0x32E0] =	vst @!p0 v3  }
0xc5: {  	s31 =	spop (v2sf);
	[tilespmem:s22+$0x32F0] =	vst @!p0 v3  }
0xc6: {  	s28 =	sadd.s32 s1, s28;
	s29 =	sadd.s32 s0, s31;
	[tilespmem:s22+$0x3300] =	vst @!p0 v3  }
0xc7: {  	[tilespmem:s19], [sflag:$0x1] =	stream.indirect.gather [hbm4b:s4+s18], $0x40, s11, s18, $0xb8;
	[tilespmem:$0xF360] =	vst v63  }
0xc8: {  	_ =	swait.ge [sflag:s17], $0x2000  }
0xc9: {  	[sflag:s17] =	ssyncset.done $0x0  }
0xca: {  	[sflag:s17] =	ssyncadd.s32 $0xFFFFE000  }
0xcb: {  	v2 =	vld [tilespmem:$0x3290]  }
0xcc: {  	v3 =	vld [tilespmem:$0x32A0]  }
0xcd: {  	v4 =	vld [tilespmem:$0x32B0]  }
0xce: {  	v5 =	vld [tilespmem:$0x32C0]  }
0xcf: {  	v6 =	vld [tilespmem:$0x32D0]  }
0xd0: {  	v63 =	vld [tilespmem:$0x3300];
	[tilespmem:$0xB260] =	vst v2  }
0xd1: {  	v2 =	vld [tilespmem:$0x32E0];
	[tilespmem:$0xB270] =	vst v3  }
0xd2: {  	v3 =	vld [tilespmem:$0x32F0];
	[tilespmem:$0xB280] =	vst v4  }
0xd3: {  	p0 =	seq.s32 s30, $0x1;
	[tilespmem:$0xB290] =	vst v5  }
.Ltmp4:
0xd4: {  	[tilespmem:$0xB2A0] =	vst v6;
	(pc) =	sbr.rel @p0 .LBB2_8-.Ltmp4, $4  }
0xd5: {  	[tilespmem:$0xB2D0] =	vst v63  }
0xd6: {  	[tilespmem:$0xB2B0] =	vst v2  }
0xd7: {  	[tilespmem:$0xB2C0] =	vst v3  }
0xd8: {  	[hbm4b:s2+s18] =	stream.indirect.scatter [tilespmem:s19], [sflag:$0x2], $0x40, s3, s18, $0xb8;
	[tilespmem:$0xF360] =	vst v63  }
0xd9: {  	s0 =	simm.s32 $0x1980;
	s1 =	simm.s32 $0xD360  }
0xda: {  	[tilespmem:s1], [sflag:$0x1] =	stream.indirect.gather [hbm4b:s4+s18], $0x40, s0, s18, $0xb8;
	[tilespmem:$0xF360] =	vst v63  }
0xdb: {  	_ =	swait.ge [sflag:s21], $0x2000  }
0xdc: {  	[sflag:s21] =	ssyncset.done $0x0  }
0xdd: {  	[sflag:s21] =	ssyncadd.s32 $0xFFFFE000  }
0xde: {  	_ =	swait.ge [sflag:s17], $0x2000  }
0xdf: {  	[sflag:s17] =	ssyncset.done $0x0  }
0xe0: {  	s0 =	simm.s32 $0x3380;
	[sflag:s17] =	ssyncadd.s32 $0xFFFFE000  }
0xe1: {  	v2 =	vld [tilespmem:s0+$0xFFFFFF90];
	_ =	sdelay $0x1  }
0xe2: {  	s25 =	simm.s32 $0x1  }
0xe3: {  	s1 =	sand.u32 $0x1, s25  }
0xe4: {  	p0 =	seq.s32 s1, $0x1  }
0xe5: {  	[tilespmem:$0xB2E0] =	vst @p0 v2  }
0xe6: {  	v3 =	vld @p0 [tilespmem:s0+$0xFFFFFFA0];
	_ =	sdelay $0x4  }
0xe7: {  	[tilespmem:$0xB2F0] =	vst @p0 v3  }
0xe8: {  	v3 =	vld @p0 [tilespmem:s0+$0xFFFFFFB0];
	_ =	sdelay $0x4  }
0xe9: {  	[tilespmem:$0xB300] =	vst @p0 v3  }
0xea: {  	v3 =	vld @p0 [tilespmem:s0+$0xFFFFFFC0];
	_ =	sdelay $0x4  }
0xeb: {  	[tilespmem:$0xB310] =	vst @p0 v3  }
0xec: {  	v3 =	vld @p0 [tilespmem:s0+$0xFFFFFFD0];
	_ =	sdelay $0x4  }
0xed: {  	[tilespmem:$0xB320] =	vst @p0 v3  }
0xee: {  	v3 =	vld @p0 [tilespmem:s0+$0xFFFFFFE0];
	_ =	sdelay $0x4  }
0xef: {  	[tilespmem:$0xB330] =	vst @p0 v3  }
0xf0: {  	v3 =	vld @p0 [tilespmem:s0+$0xFFFFFFF0];
	_ =	sdelay $0x4  }
0xf1: {  	[tilespmem:$0xB340] =	vst @p0 v3  }
0xf2: {  	v3 =	vld @p0 [tilespmem:s0+$0x0];
	_ =	sdelay $0x4  }
0xf3: {  	s1 =	simm.s32 @p0 $0x80;
	s22 =	simm.s32 @p0 $0xB2E0;
	s24 =	simm.s32 @p0 $0xD360;
	[tilespmem:$0xB350] =	vst @p0 v3  }
0xf4: {  	[hbm4b:s2+s1] =	stream.indirect.scatter @p0 [tilespmem:s24], [sflag:$0x2], $0x40, s22, s1, $0xb8;
	[tilespmem:$0xF360] =	vst v63  }
0xf5: {  	[tilespmem:$0xB260] =	vst @!p0 v2  }
0xf6: {  	v2 =	vld @!p0 [tilespmem:s0+$0xFFFFFFA0];
	_ =	sdelay $0x4  }
0xf7: {  	[tilespmem:$0xB270] =	vst @!p0 v2  }
0xf8: {  	v2 =	vld @!p0 [tilespmem:s0+$0xFFFFFFB0];
	_ =	sdelay $0x4  }
0xf9: {  	[tilespmem:$0xB280] =	vst @!p0 v2  }
0xfa: {  	v2 =	vld @!p0 [tilespmem:s0+$0xFFFFFFC0];
	_ =	sdelay $0x4  }
0xfb: {  	[tilespmem:$0xB290] =	vst @!p0 v2  }
0xfc: {  	v2 =	vld @!p0 [tilespmem:s0+$0xFFFFFFD0];
	_ =	sdelay $0x4  }
0xfd: {  	[tilespmem:$0xB2A0] =	vst @!p0 v2  }
0xfe: {  	v2 =	vld @!p0 [tilespmem:s0+$0xFFFFFFE0];
	_ =	sdelay $0x4  }
0xff: {  	[tilespmem:$0xB2B0] =	vst @!p0 v2  }
0x100: {  	v2 =	vld @!p0 [tilespmem:s0+$0xFFFFFFF0];
	_ =	sdelay $0x4  }
0x101: {  	[tilespmem:$0xB2C0] =	vst @!p0 v2  }
0x102: {  	v2 =	vld @!p0 [tilespmem:s0+$0x0];
	_ =	sdelay $0x4  }
0x103: {  	s25 =	simm.s32 @!p0 $0xB260;
	s24 =	simm.s32 @!p0 $0x80;
	s0 =	simm.s32 @!p0 $0xB360;
	[tilespmem:$0xB2D0] =	vst @!p0 v2  }
0x104: {  	[hbm4b:s2+s24] =	stream.indirect.scatter @!p0 [tilespmem:s0], [sflag:$0x2], $0x40, s25, s24, $0xb8;
	[tilespmem:$0xF360] =	vst v63  }
0x105: {  	p0 =	sne.s32 s30, $0x2  }
.Ltmp5:
0x106: {  	s31 =	simm.s32 $0x2;
	p2 =	sle.s32 s30, $0x2;
	(pc) =	sbr.rel @!p0 .LBB2_7-.Ltmp5, $4  }
0x107: {  	s22 =	sand.u32 @!p2 $0x1, s31  }
0x108: {  	p1 =	seq.s32 @!p2 s22, $0x1  }
0x109: {  	s1 =	simm.s32 $0x1A00;
	s22 =	simm.s32 $0x1A00;
	p3 =	por !p1, p2  }
0x10a: {  	s24 =	simm.s32 @!p2 $0xD360;
	s25 =	simm.s32 @!p2 $0x80;
	s0 =	simm.s32 $0x3400  }
.LBB2_6:
0x10b: {  	s24 =	simm.s32 @p3 $0xB360  }
0x10c: {  	s22 =	sadd.s32 $0x80, s22;
	s23 =	smov.u32 s31;
	s31 =	sadd.s32 $0x1, s31  }
0x10d: {  	[tilespmem:s24], [sflag:$0x1] =	stream.indirect.gather @!p2 [hbm4b:s4+s25], $0x40, s1, s25, $0xb8;
	[tilespmem:$0xF360] =	vst v63  }
0x10e: {  	p0 =	sne.s32 s30, s31;
	s1 =	smov.u32 s22;
	_ =	swait.ge [sflag:s21], $0x2000  }
0x10f: {  	[sflag:s21] =	ssyncset.done $0x0  }
0x110: {  	[sflag:s21] =	ssyncadd.s32 $0xFFFFE000  }
0x111: {  	_ =	swait.ge [sflag:s17], $0x2000  }
0x112: {  	[sflag:s17] =	ssyncset.done $0x0  }
0x113: {  	[sflag:s17] =	ssyncadd.s32 $0xFFFFE000  }
0x114: {  	v2 =	vld [tilespmem:s0+$0xFFFFFF90];
	_ =	sdelay $0x1  }
0x115: {  	s23 =	sand.u32 $0x1, s23  }
0x116: {  	p1 =	seq.s32 s23, $0x1;
	_ =	sdelay $0x1  }
0x117: {  	[tilespmem:$0xB2E0] =	vst @p1 v2  }
0x118: {  	v3 =	vld @p1 [tilespmem:s0+$0xFFFFFFA0];
	_ =	sdelay $0x4  }
0x119: {  	[tilespmem:$0xB2F0] =	vst @p1 v3  }
0x11a: {  	v3 =	vld @p1 [tilespmem:s0+$0xFFFFFFB0];
	_ =	sdelay $0x4  }
0x11b: {  	[tilespmem:$0xB300] =	vst @p1 v3  }
0x11c: {  	v3 =	vld @p1 [tilespmem:s0+$0xFFFFFFC0];
	_ =	sdelay $0x4  }
0x11d: {  	[tilespmem:$0xB310] =	vst @p1 v3  }
0x11e: {  	v3 =	vld @p1 [tilespmem:s0+$0xFFFFFFD0];
	_ =	sdelay $0x4  }
0x11f: {  	[tilespmem:$0xB320] =	vst @p1 v3  }
0x120: {  	v3 =	vld @p1 [tilespmem:s0+$0xFFFFFFE0];
	_ =	sdelay $0x4  }
0x121: {  	[tilespmem:$0xB330] =	vst @p1 v3  }
0x122: {  	v3 =	vld @p1 [tilespmem:s0+$0xFFFFFFF0];
	_ =	sdelay $0x4  }
0x123: {  	[tilespmem:$0xB340] =	vst @p1 v3  }
0x124: {  	v3 =	vld @p1 [tilespmem:s0+$0x0];
	_ =	sdelay $0x3  }
0x125: {  	s23 =	simm.s32 @p1 $0x80;
	s24 =	simm.s32 @p1 $0xB2E0;
	s25 =	simm.s32 @p1 $0xD360  }
0x126: {  	[tilespmem:$0xB350] =	vst @p1 v3  }
0x127: {  	[hbm4b:s2+s23] =	stream.indirect.scatter @p1 [tilespmem:s25], [sflag:$0x2], $0x40, s24, s23, $0xb8;
	[tilespmem:$0xF360] =	vst v63  }
0x128: {  	[tilespmem:$0xB260] =	vst @!p1 v2  }
0x129: {  	v2 =	vld @!p1 [tilespmem:s0+$0xFFFFFFA0];
	_ =	sdelay $0x4  }
0x12a: {  	[tilespmem:$0xB270] =	vst @!p1 v2  }
0x12b: {  	v2 =	vld @!p1 [tilespmem:s0+$0xFFFFFFB0];
	_ =	sdelay $0x4  }
0x12c: {  	[tilespmem:$0xB280] =	vst @!p1 v2  }
0x12d: {  	v2 =	vld @!p1 [tilespmem:s0+$0xFFFFFFC0];
	_ =	sdelay $0x4  }
0x12e: {  	[tilespmem:$0xB290] =	vst @!p1 v2  }
0x12f: {  	v2 =	vld @!p1 [tilespmem:s0+$0xFFFFFFD0];
	_ =	sdelay $0x4  }
0x130: {  	[tilespmem:$0xB2A0] =	vst @!p1 v2  }
0x131: {  	v2 =	vld @!p1 [tilespmem:s0+$0xFFFFFFE0];
	_ =	sdelay $0x4  }
0x132: {  	[tilespmem:$0xB2B0] =	vst @!p1 v2  }
0x133: {  	v2 =	vld @!p1 [tilespmem:s0+$0xFFFFFFF0];
	_ =	sdelay $0x4  }
0x134: {  	[tilespmem:$0xB2C0] =	vst @!p1 v2  }
0x135: {  	v2 =	vld @!p1 [tilespmem:s0+$0x0];
	_ =	sdelay $0x1  }
.Ltmp6:
0x136: {  	p2 =	sge.s32 s31, s30;
	(pc) =	sbr.rel @p0 .LBB2_6-.Ltmp6, $4  }
0x137: {  	s23 =	simm.s32 @!p1 $0xB360;
	s25 =	sand.u32 @!p2 $0x1, s31;
	s24 =	simm.s32 @!p2 $0xD360  }
0x138: {  	s20 =	simm.s32 @!p1 $0x80;
	s3 =	simm.s32 @!p1 $0xB260;
	p3 =	seq.s32 @!p2 s25, $0x1  }
0x139: {  	s25 =	simm.s32 @!p2 $0x80;
	p3 =	por !p3, p2;
	s0 =	sadd.s32 $0x80, s0;
	[tilespmem:$0xB2D0] =	vst @!p1 v2  }
0x13a: {  	[hbm4b:s2+s20] =	stream.indirect.scatter @!p1 [tilespmem:s23], [sflag:$0x2], $0x40, s3, s20, $0xb8;
	[tilespmem:$0xF360] =	vst v63  }
.LBB2_7:
0x13b: {  	s24 =	simm.s32 @p3 $0xB360;
	s3 =	simm.s32 $0xB260  }
0x13c: {  	[tilespmem:s24], [sflag:$0x1] =	stream.indirect.gather @!p2 [hbm4b:s4+s25], $0x40, s1, s25, $0xb8;
	[tilespmem:$0xF360] =	vst v63  }
.LBB2_8:
0x13d: {  	_ =	swait.ge [sflag:s21], $0x2000  }
0x13e: {  	[sflag:s21] =	ssyncset.done $0x0  }
0x13f: {  	[sflag:s21] =	ssyncadd.s32 $0xFFFFE000  }
.LBB2_9:
0x140: {  	s0 =	sand.u32 $0x7F, s29  }
0x141: {  	p0 =	seq.s32 s0, $0x0  }
0x142: {  	s0 =	sadd.s32 @!p0 $0xFFFFFFFF, s29  }
0x143: {  	v2 =	vmov @!p0 s0;
	_ =	sdelay $0x3  }
0x144: {  	s0 =	simm.s32 @!p0 $0x4C20  }
0x145: {  	v3 =	vld.idx.msk @!p0 [tilespmem:v2+s0+$0x0], $0xffff;
	_ =	sdelay $0x3  }
0x146: {  	s0 =	simm.s32 @!p0 $0x65B0  }
0x147: {  	v2 =	vld.idx.msk @!p0 [tilespmem:v2+s0+$0x0], $0xffff;
	[tilespmem:s29+$0x4C20] =	vst @!p0 v3  }
0x148: {  	[tilespmem:s29+$0x4C30] =	vst @!p0 v3  }
0x149: {  	[tilespmem:s29+$0x4C40] =	vst @!p0 v3  }
0x14a: {  	s25 =	sadd.s32 $0x7F, s29;
	[tilespmem:s29+$0x4C50] =	vst @!p0 v3  }
0x14b: {  	s1 =	sand.u32 $0x7F, s25;
	[tilespmem:s29+$0x4C60] =	vst @!p0 v3  }
0x14c: {  	s31 =	sshra.s32 s25, $0x1F;
	p2 =	slt.s32 s25, $0x1;
	p1 =	sne.s32 s1, $0x0;
	[tilespmem:s29+$0x4C70] =	vst @!p0 v3  }
0x14d: {  	s1 =	sshrl.u32 s31, $0x19;
	p1 =	por !p2, !p1;
	[tilespmem:s29+$0x4C80] =	vst @!p0 v3  }
0x14e: {  	p1 =	por !p1, !p1;
	s0 =	sadd.s32 s1, s25;
	s1 =	simm.s32 $0x1;
	[tilespmem:s29+$0x4C90] =	vst @!p0 v3  }
0x14f: {  	s0 =	sshra.s32 s0, $0x7;
	s1 =	simm.s32 @!p1 $0x0;
	[tilespmem:s29+$0x65B0] =	vst @!p0 v2  }
0x150: {  	s30 =	ssub.s32 s0, s1;
	[tilespmem:s29+$0x65C0] =	vst @!p0 v2  }
0x151: {  	p1 =	slt.s32 s30, $0x1;
	[tilespmem:s29+$0x65D0] =	vst @!p0 v2  }
.Ltmp7:
0x152: {  	[tilespmem:s29+$0x65E0] =	vst @!p0 v2;
	(pc) =	sbr.rel @p1 .LBB2_15-.Ltmp7, $4  }
0x153: {  	[tilespmem:s29+$0x65F0] =	vst @!p0 v2  }
0x154: {  	[tilespmem:s29+$0x6600] =	vst @!p0 v2  }
0x155: {  	[tilespmem:s29+$0x6610] =	vst @!p0 v2  }
0x156: {  	[tilespmem:s29+$0x6620] =	vst @!p0 v2  }
0x157: {  	[tilespmem:s19], [sflag:$0x1] =	stream.indirect.gather [hbm4b:s5+s18], $0x40, s13, s18, $0xb8;
	[tilespmem:$0xF360] =	vst v63  }
0x158: {  	_ =	swait.ge [sflag:s17], $0x2000  }
0x159: {  	[sflag:s17] =	ssyncset.done $0x0  }
0x15a: {  	[sflag:s17] =	ssyncadd.s32 $0xFFFFE000  }
0x15b: {  	v2 =	vld [tilespmem:$0x65B0]  }
0x15c: {  	v3 =	vld [tilespmem:$0x65C0]  }
0x15d: {  	v4 =	vld [tilespmem:$0x65D0]  }
0x15e: {  	v5 =	vld [tilespmem:$0x65E0]  }
0x15f: {  	v6 =	vld [tilespmem:$0x65F0]  }
0x160: {  	v63 =	vld [tilespmem:$0x6620];
	[tilespmem:$0xB260] =	vst v2  }
0x161: {  	v2 =	vld [tilespmem:$0x6600];
	[tilespmem:$0xB270] =	vst v3  }
0x162: {  	v3 =	vld [tilespmem:$0x6610];
	[tilespmem:$0xB280] =	vst v4  }
0x163: {  	p0 =	seq.s32 s30, $0x1;
	[tilespmem:$0xB290] =	vst v5  }
.Ltmp8:
0x164: {  	[tilespmem:$0xB2A0] =	vst v6;
	(pc) =	sbr.rel @p0 .LBB2_14-.Ltmp8, $4  }
0x165: {  	[tilespmem:$0xB2D0] =	vst v63  }
0x166: {  	[tilespmem:$0xB2B0] =	vst v2  }
0x167: {  	[tilespmem:$0xB2C0] =	vst v3  }
0x168: {  	[hbm4b:s2+s18] =	stream.indirect.scatter [tilespmem:s19], [sflag:$0x2], $0x40, s3, s18, $0xb8;
	[tilespmem:$0xF360] =	vst v63  }
0x169: {  	s0 =	simm.s32 $0xD360;
	s1 =	simm.s32 $0x4CA0  }
0x16a: {  	[tilespmem:s0], [sflag:$0x1] =	stream.indirect.gather [hbm4b:s5+s18], $0x40, s1, s18, $0xb8;
	[tilespmem:$0xF360] =	vst v63  }
0x16b: {  	_ =	swait.ge [sflag:s21], $0x2000  }
0x16c: {  	[sflag:s21] =	ssyncset.done $0x0  }
0x16d: {  	[sflag:s21] =	ssyncadd.s32 $0xFFFFE000  }
0x16e: {  	_ =	swait.ge [sflag:s17], $0x2000  }
0x16f: {  	[sflag:s17] =	ssyncset.done $0x0  }
0x170: {  	s0 =	simm.s32 $0x66A0;
	[sflag:s17] =	ssyncadd.s32 $0xFFFFE000  }
0x171: {  	v2 =	vld [tilespmem:s0+$0xFFFFFF90];
	_ =	sdelay $0x1  }
0x172: {  	s31 =	simm.s32 $0x1  }
0x173: {  	s1 =	sand.u32 $0x1, s31  }
0x174: {  	p0 =	seq.s32 s1, $0x1  }
0x175: {  	[tilespmem:$0xB2E0] =	vst @p0 v2  }
0x176: {  	v3 =	vld @p0 [tilespmem:s0+$0xFFFFFFA0];
	_ =	sdelay $0x4  }
0x177: {  	[tilespmem:$0xB2F0] =	vst @p0 v3  }
0x178: {  	v3 =	vld @p0 [tilespmem:s0+$0xFFFFFFB0];
	_ =	sdelay $0x4  }
0x179: {  	[tilespmem:$0xB300] =	vst @p0 v3  }
0x17a: {  	v3 =	vld @p0 [tilespmem:s0+$0xFFFFFFC0];
	_ =	sdelay $0x4  }
0x17b: {  	[tilespmem:$0xB310] =	vst @p0 v3  }
0x17c: {  	v3 =	vld @p0 [tilespmem:s0+$0xFFFFFFD0];
	_ =	sdelay $0x4  }
0x17d: {  	[tilespmem:$0xB320] =	vst @p0 v3  }
0x17e: {  	v3 =	vld @p0 [tilespmem:s0+$0xFFFFFFE0];
	_ =	sdelay $0x4  }
0x17f: {  	[tilespmem:$0xB330] =	vst @p0 v3  }
0x180: {  	v3 =	vld @p0 [tilespmem:s0+$0xFFFFFFF0];
	_ =	sdelay $0x4  }
0x181: {  	[tilespmem:$0xB340] =	vst @p0 v3  }
0x182: {  	v3 =	vld @p0 [tilespmem:s0+$0x0];
	_ =	sdelay $0x4  }
0x183: {  	s1 =	simm.s32 @p0 $0x80;
	s3 =	simm.s32 @p0 $0xB2E0;
	s20 =	simm.s32 @p0 $0xD360;
	[tilespmem:$0xB350] =	vst @p0 v3  }
0x184: {  	[hbm4b:s2+s1] =	stream.indirect.scatter @p0 [tilespmem:s20], [sflag:$0x2], $0x40, s3, s1, $0xb8;
	[tilespmem:$0xF360] =	vst v63  }
0x185: {  	[tilespmem:$0xB260] =	vst @!p0 v2  }
0x186: {  	v2 =	vld @!p0 [tilespmem:s0+$0xFFFFFFA0];
	_ =	sdelay $0x4  }
0x187: {  	[tilespmem:$0xB270] =	vst @!p0 v2  }
0x188: {  	v2 =	vld @!p0 [tilespmem:s0+$0xFFFFFFB0];
	_ =	sdelay $0x4  }
0x189: {  	[tilespmem:$0xB280] =	vst @!p0 v2  }
0x18a: {  	v2 =	vld @!p0 [tilespmem:s0+$0xFFFFFFC0];
	_ =	sdelay $0x4  }
0x18b: {  	[tilespmem:$0xB290] =	vst @!p0 v2  }
0x18c: {  	v2 =	vld @!p0 [tilespmem:s0+$0xFFFFFFD0];
	_ =	sdelay $0x4  }
0x18d: {  	[tilespmem:$0xB2A0] =	vst @!p0 v2  }
0x18e: {  	v2 =	vld @!p0 [tilespmem:s0+$0xFFFFFFE0];
	_ =	sdelay $0x4  }
0x18f: {  	[tilespmem:$0xB2B0] =	vst @!p0 v2  }
0x190: {  	v2 =	vld @!p0 [tilespmem:s0+$0xFFFFFFF0];
	_ =	sdelay $0x4  }
0x191: {  	[tilespmem:$0xB2C0] =	vst @!p0 v2  }
0x192: {  	v2 =	vld @!p0 [tilespmem:s0+$0x0];
	_ =	sdelay $0x4  }
0x193: {  	s22 =	simm.s32 @!p0 $0xB260;
	s20 =	simm.s32 @!p0 $0x80;
	s0 =	simm.s32 @!p0 $0xB360;
	[tilespmem:$0xB2D0] =	vst @!p0 v2  }
0x194: {  	[hbm4b:s2+s20] =	stream.indirect.scatter @!p0 [tilespmem:s0], [sflag:$0x2], $0x40, s22, s20, $0xb8;
	[tilespmem:$0xF360] =	vst v63  }
0x195: {  	p0 =	sne.s32 s30, $0x2  }
.Ltmp9:
0x196: {  	_ = 	snop;
	(pc) =	sbr.rel @!p0 .LBB2_13-.Ltmp9, $4  }
0x197: {  	s29 =	simm.s32 $0x2;
	p2 =	sle.s32 s30, $0x2  }
0x198: {  	s24 =	simm.s32 @!p2 $0xD360;
	s3 =	sand.u32 @!p2 $0x1, s29  }
0x199: {  	s25 =	simm.s32 @!p2 $0x80;
	s1 =	simm.s32 $0x4D20;
	p1 =	seq.s32 @!p2 s3, $0x1  }
0x19a: {  	p3 =	por !p1, p2;
	s0 =	simm.s32 $0x6720;
	s22 =	simm.s32 $0x4D20  }
.LBB2_12:
0x19b: {  	s24 =	simm.s32 @p3 $0xB360  }
0x19c: {  	s22 =	sadd.s32 $0x80, s22;
	s3 =	smov.u32 s29;
	s29 =	sadd.s32 $0x1, s29  }
0x19d: {  	[tilespmem:s24], [sflag:$0x1] =	stream.indirect.gather @!p2 [hbm4b:s5+s25], $0x40, s1, s25, $0xb8;
	[tilespmem:$0xF360] =	vst v63  }
0x19e: {  	p0 =	sne.s32 s30, s29;
	s1 =	smov.u32 s22;
	_ =	swait.ge [sflag:s21], $0x2000  }
0x19f: {  	[sflag:s21] =	ssyncset.done $0x0  }
0x1a0: {  	[sflag:s21] =	ssyncadd.s32 $0xFFFFE000  }
0x1a1: {  	_ =	swait.ge [sflag:s17], $0x2000  }
0x1a2: {  	[sflag:s17] =	ssyncset.done $0x0  }
0x1a3: {  	[sflag:s17] =	ssyncadd.s32 $0xFFFFE000  }
0x1a4: {  	v2 =	vld [tilespmem:s0+$0xFFFFFF90];
	_ =	sdelay $0x1  }
0x1a5: {  	s3 =	sand.u32 $0x1, s3  }
0x1a6: {  	p1 =	seq.s32 s3, $0x1;
	_ =	sdelay $0x1  }
0x1a7: {  	[tilespmem:$0xB2E0] =	vst @p1 v2  }
0x1a8: {  	v3 =	vld @p1 [tilespmem:s0+$0xFFFFFFA0];
	_ =	sdelay $0x4  }
0x1a9: {  	[tilespmem:$0xB2F0] =	vst @p1 v3  }
0x1aa: {  	v3 =	vld @p1 [tilespmem:s0+$0xFFFFFFB0];
	_ =	sdelay $0x4  }
0x1ab: {  	[tilespmem:$0xB300] =	vst @p1 v3  }
0x1ac: {  	v3 =	vld @p1 [tilespmem:s0+$0xFFFFFFC0];
	_ =	sdelay $0x4  }
0x1ad: {  	[tilespmem:$0xB310] =	vst @p1 v3  }
0x1ae: {  	v3 =	vld @p1 [tilespmem:s0+$0xFFFFFFD0];
	_ =	sdelay $0x4  }
0x1af: {  	[tilespmem:$0xB320] =	vst @p1 v3  }
0x1b0: {  	v3 =	vld @p1 [tilespmem:s0+$0xFFFFFFE0];
	_ =	sdelay $0x4  }
0x1b1: {  	[tilespmem:$0xB330] =	vst @p1 v3  }
0x1b2: {  	v3 =	vld @p1 [tilespmem:s0+$0xFFFFFFF0];
	_ =	sdelay $0x4  }
0x1b3: {  	[tilespmem:$0xB340] =	vst @p1 v3  }
0x1b4: {  	v3 =	vld @p1 [tilespmem:s0+$0x0];
	_ =	sdelay $0x3  }
0x1b5: {  	s3 =	simm.s32 @p1 $0x80;
	s20 =	simm.s32 @p1 $0xB2E0;
	s23 =	simm.s32 @p1 $0xD360  }
0x1b6: {  	[tilespmem:$0xB350] =	vst @p1 v3  }
0x1b7: {  	[hbm4b:s2+s3] =	stream.indirect.scatter @p1 [tilespmem:s23], [sflag:$0x2], $0x40, s20, s3, $0xb8;
	[tilespmem:$0xF360] =	vst v63  }
0x1b8: {  	[tilespmem:$0xB260] =	vst @!p1 v2  }
0x1b9: {  	v2 =	vld @!p1 [tilespmem:s0+$0xFFFFFFA0];
	_ =	sdelay $0x4  }
0x1ba: {  	[tilespmem:$0xB270] =	vst @!p1 v2  }
0x1bb: {  	v2 =	vld @!p1 [tilespmem:s0+$0xFFFFFFB0];
	_ =	sdelay $0x4  }
0x1bc: {  	[tilespmem:$0xB280] =	vst @!p1 v2  }
0x1bd: {  	v2 =	vld @!p1 [tilespmem:s0+$0xFFFFFFC0];
	_ =	sdelay $0x4  }
0x1be: {  	[tilespmem:$0xB290] =	vst @!p1 v2  }
0x1bf: {  	v2 =	vld @!p1 [tilespmem:s0+$0xFFFFFFD0];
	_ =	sdelay $0x4  }
0x1c0: {  	[tilespmem:$0xB2A0] =	vst @!p1 v2  }
0x1c1: {  	v2 =	vld @!p1 [tilespmem:s0+$0xFFFFFFE0];
	_ =	sdelay $0x4  }
0x1c2: {  	[tilespmem:$0xB2B0] =	vst @!p1 v2  }
0x1c3: {  	v2 =	vld @!p1 [tilespmem:s0+$0xFFFFFFF0];
	_ =	sdelay $0x4  }
0x1c4: {  	[tilespmem:$0xB2C0] =	vst @!p1 v2  }
0x1c5: {  	v2 =	vld @!p1 [tilespmem:s0+$0x0];
	_ =	sdelay $0x1  }
.Ltmp10:
0x1c6: {  	p2 =	sge.s32 s29, s30;
	(pc) =	sbr.rel @p0 .LBB2_12-.Ltmp10, $4  }
0x1c7: {  	s24 =	simm.s32 @!p2 $0xD360;
	s3 =	simm.s32 @!p1 $0xB360;
	s20 =	sand.u32 @!p2 $0x1, s29  }
0x1c8: {  	s31 =	simm.s32 @!p1 $0xB260;
	s23 =	simm.s32 @!p1 $0x80;
	p3 =	seq.s32 @!p2 s20, $0x1  }
0x1c9: {  	s25 =	simm.s32 @!p2 $0x80;
	p3 =	por !p3, p2;
	s0 =	sadd.s32 $0x80, s0;
	[tilespmem:$0xB2D0] =	vst @!p1 v2  }
0x1ca: {  	[hbm4b:s2+s23] =	stream.indirect.scatter @!p1 [tilespmem:s3], [sflag:$0x2], $0x40, s31, s23, $0xb8;
	[tilespmem:$0xF360] =	vst v63  }
.LBB2_13:
0x1cb: {  	s24 =	simm.s32 @p3 $0xB360;
	s3 =	simm.s32 $0xB260  }
0x1cc: {  	[tilespmem:s24], [sflag:$0x1] =	stream.indirect.gather @!p2 [hbm4b:s5+s25], $0x40, s1, s25, $0xb8;
	[tilespmem:$0xF360] =	vst v63  }
.LBB2_14:
0x1cd: {  	_ =	swait.ge [sflag:s21], $0x2000  }
0x1ce: {  	[sflag:s21] =	ssyncset.done $0x0  }
0x1cf: {  	[sflag:s21] =	ssyncadd.s32 $0xFFFFE000  }
.LBB2_15:
0x1d0: {  	s0 =	sand.u32 $0x7F, s28  }
0x1d1: {  	p0 =	seq.s32 s0, $0x0  }
0x1d2: {  	s0 =	sadd.s32 @!p0 $0xFFFFFFFF, s28  }
0x1d3: {  	v2 =	vmov @!p0 s0;
	_ =	sdelay $0x3  }
0x1d4: {  	s0 =	simm.s32 @!p0 $0x7F40  }
0x1d5: {  	v3 =	vld.idx.msk @!p0 [tilespmem:v2+s0+$0x0], $0xffff;
	_ =	sdelay $0x3  }
0x1d6: {  	s0 =	simm.s32 @!p0 $0x98D0  }
0x1d7: {  	v2 =	vld.idx.msk @!p0 [tilespmem:v2+s0+$0x0], $0xffff;
	[tilespmem:s28+$0x7F40] =	vst @!p0 v3  }
0x1d8: {  	[tilespmem:s28+$0x7F50] =	vst @!p0 v3  }
0x1d9: {  	[tilespmem:s28+$0x7F60] =	vst @!p0 v3  }
0x1da: {  	s30 =	sadd.s32 $0x7F, s28;
	[tilespmem:s28+$0x7F70] =	vst @!p0 v3  }
0x1db: {  	s1 =	sand.u32 $0x7F, s30;
	[tilespmem:s28+$0x7F80] =	vst @!p0 v3  }
0x1dc: {  	s31 =	sshra.s32 s30, $0x1F;
	p2 =	slt.s32 s30, $0x1;
	p1 =	sne.s32 s1, $0x0;
	[tilespmem:s28+$0x7F90] =	vst @!p0 v3  }
0x1dd: {  	s1 =	sshrl.u32 s31, $0x19;
	p1 =	por !p2, !p1;
	[tilespmem:s28+$0x7FA0] =	vst @!p0 v3  }
0x1de: {  	p1 =	por !p1, !p1;
	s0 =	sadd.s32 s1, s30;
	s1 =	simm.s32 $0x1;
	[tilespmem:s28+$0x7FB0] =	vst @!p0 v3  }
0x1df: {  	s0 =	sshra.s32 s0, $0x7;
	s1 =	simm.s32 @!p1 $0x0;
	[tilespmem:s28+$0x98D0] =	vst @!p0 v2  }
0x1e0: {  	s29 =	ssub.s32 s0, s1;
	[tilespmem:s28+$0x98E0] =	vst @!p0 v2  }
0x1e1: {  	p1 =	slt.s32 s29, $0x1;
	[tilespmem:s28+$0x98F0] =	vst @!p0 v2  }
.Ltmp11:
0x1e2: {  	[tilespmem:s28+$0x9900] =	vst @!p0 v2;
	(pc) =	sbr.rel @p1 .LBB2_21-.Ltmp11, $4  }
0x1e3: {  	[tilespmem:s28+$0x9910] =	vst @!p0 v2  }
0x1e4: {  	[tilespmem:s28+$0x9920] =	vst @!p0 v2  }
0x1e5: {  	[tilespmem:s28+$0x9930] =	vst @!p0 v2  }
0x1e6: {  	[tilespmem:s28+$0x9940] =	vst @!p0 v2  }
0x1e7: {  	[tilespmem:s19], [sflag:$0x1] =	stream.indirect.gather [hbm4b:s6+s18], $0x40, s15, s18, $0xb8;
	[tilespmem:$0xF360] =	vst v63  }
0x1e8: {  	_ =	swait.ge [sflag:s17], $0x2000  }
0x1e9: {  	[sflag:s17] =	ssyncset.done $0x0  }
0x1ea: {  	[sflag:s17] =	ssyncadd.s32 $0xFFFFE000  }
0x1eb: {  	v2 =	vld [tilespmem:$0x98D0]  }
0x1ec: {  	v3 =	vld [tilespmem:$0x98E0]  }
0x1ed: {  	v4 =	vld [tilespmem:$0x98F0]  }
0x1ee: {  	v5 =	vld [tilespmem:$0x9900]  }
0x1ef: {  	v6 =	vld [tilespmem:$0x9910]  }
0x1f0: {  	v63 =	vld [tilespmem:$0x9940];
	[tilespmem:$0xB260] =	vst v2  }
0x1f1: {  	v2 =	vld [tilespmem:$0x9920];
	[tilespmem:$0xB270] =	vst v3  }
0x1f2: {  	v3 =	vld [tilespmem:$0x9930];
	[tilespmem:$0xB280] =	vst v4  }
0x1f3: {  	p0 =	seq.s32 s29, $0x1;
	[tilespmem:$0xB290] =	vst v5  }
.Ltmp12:
0x1f4: {  	[tilespmem:$0xB2A0] =	vst v6;
	(pc) =	sbr.rel @p0 .LBB2_20-.Ltmp12, $4  }
0x1f5: {  	[tilespmem:$0xB2D0] =	vst v63  }
0x1f6: {  	[tilespmem:$0xB2B0] =	vst v2  }
0x1f7: {  	[tilespmem:$0xB2C0] =	vst v3  }
0x1f8: {  	[hbm4b:s2+s18] =	stream.indirect.scatter [tilespmem:s19], [sflag:$0x2], $0x40, s3, s18, $0xb8;
	[tilespmem:$0xF360] =	vst v63  }
0x1f9: {  	s0 =	simm.s32 $0xD360;
	s1 =	simm.s32 $0x7FC0  }
0x1fa: {  	[tilespmem:s0], [sflag:$0x1] =	stream.indirect.gather [hbm4b:s6+s18], $0x40, s1, s18, $0xb8;
	[tilespmem:$0xF360] =	vst v63  }
0x1fb: {  	_ =	swait.ge [sflag:s21], $0x2000  }
0x1fc: {  	[sflag:s21] =	ssyncset.done $0x0  }
0x1fd: {  	[sflag:s21] =	ssyncadd.s32 $0xFFFFE000  }
0x1fe: {  	_ =	swait.ge [sflag:s17], $0x2000  }
0x1ff: {  	[sflag:s17] =	ssyncset.done $0x0  }
0x200: {  	s0 =	simm.s32 $0x99C0;
	[sflag:s17] =	ssyncadd.s32 $0xFFFFE000  }
0x201: {  	v2 =	vld [tilespmem:s0+$0xFFFFFF90];
	_ =	sdelay $0x1  }
0x202: {  	s31 =	simm.s32 $0x1  }
0x203: {  	s1 =	sand.u32 $0x1, s31  }
0x204: {  	p0 =	seq.s32 s1, $0x1  }
0x205: {  	[tilespmem:$0xB2E0] =	vst @p0 v2  }
0x206: {  	v3 =	vld @p0 [tilespmem:s0+$0xFFFFFFA0];
	_ =	sdelay $0x4  }
0x207: {  	[tilespmem:$0xB2F0] =	vst @p0 v3  }
0x208: {  	v3 =	vld @p0 [tilespmem:s0+$0xFFFFFFB0];
	_ =	sdelay $0x4  }
0x209: {  	[tilespmem:$0xB300] =	vst @p0 v3  }
0x20a: {  	v3 =	vld @p0 [tilespmem:s0+$0xFFFFFFC0];
	_ =	sdelay $0x4  }
0x20b: {  	[tilespmem:$0xB310] =	vst @p0 v3  }
0x20c: {  	v3 =	vld @p0 [tilespmem:s0+$0xFFFFFFD0];
	_ =	sdelay $0x4  }
0x20d: {  	[tilespmem:$0xB320] =	vst @p0 v3  }
0x20e: {  	v3 =	vld @p0 [tilespmem:s0+$0xFFFFFFE0];
	_ =	sdelay $0x4  }
0x20f: {  	[tilespmem:$0xB330] =	vst @p0 v3  }
0x210: {  	v3 =	vld @p0 [tilespmem:s0+$0xFFFFFFF0];
	_ =	sdelay $0x4  }
0x211: {  	[tilespmem:$0xB340] =	vst @p0 v3  }
0x212: {  	v3 =	vld @p0 [tilespmem:s0+$0x0];
	_ =	sdelay $0x4  }
0x213: {  	s1 =	simm.s32 @p0 $0x80;
	s3 =	simm.s32 @p0 $0xB2E0;
	s20 =	simm.s32 @p0 $0xD360;
	[tilespmem:$0xB350] =	vst @p0 v3  }
0x214: {  	[hbm4b:s2+s1] =	stream.indirect.scatter @p0 [tilespmem:s20], [sflag:$0x2], $0x40, s3, s1, $0xb8;
	[tilespmem:$0xF360] =	vst v63  }
0x215: {  	[tilespmem:$0xB260] =	vst @!p0 v2  }
0x216: {  	v2 =	vld @!p0 [tilespmem:s0+$0xFFFFFFA0];
	_ =	sdelay $0x4  }
0x217: {  	[tilespmem:$0xB270] =	vst @!p0 v2  }
0x218: {  	v2 =	vld @!p0 [tilespmem:s0+$0xFFFFFFB0];
	_ =	sdelay $0x4  }
0x219: {  	[tilespmem:$0xB280] =	vst @!p0 v2  }
0x21a: {  	v2 =	vld @!p0 [tilespmem:s0+$0xFFFFFFC0];
	_ =	sdelay $0x4  }
0x21b: {  	[tilespmem:$0xB290] =	vst @!p0 v2  }
0x21c: {  	v2 =	vld @!p0 [tilespmem:s0+$0xFFFFFFD0];
	_ =	sdelay $0x4  }
0x21d: {  	[tilespmem:$0xB2A0] =	vst @!p0 v2  }
0x21e: {  	v2 =	vld @!p0 [tilespmem:s0+$0xFFFFFFE0];
	_ =	sdelay $0x4  }
0x21f: {  	[tilespmem:$0xB2B0] =	vst @!p0 v2  }
0x220: {  	v2 =	vld @!p0 [tilespmem:s0+$0xFFFFFFF0];
	_ =	sdelay $0x4  }
0x221: {  	[tilespmem:$0xB2C0] =	vst @!p0 v2  }
0x222: {  	v2 =	vld @!p0 [tilespmem:s0+$0x0];
	_ =	sdelay $0x4  }
0x223: {  	s22 =	simm.s32 @!p0 $0xB260;
	s20 =	simm.s32 @!p0 $0x80;
	s0 =	simm.s32 @!p0 $0xB360;
	[tilespmem:$0xB2D0] =	vst @!p0 v2  }
0x224: {  	[hbm4b:s2+s20] =	stream.indirect.scatter @!p0 [tilespmem:s0], [sflag:$0x2], $0x40, s22, s20, $0xb8;
	[tilespmem:$0xF360] =	vst v63  }
0x225: {  	p0 =	sne.s32 s29, $0x2  }
.Ltmp13:
0x226: {  	_ = 	snop;
	(pc) =	sbr.rel @!p0 .LBB2_19-.Ltmp13, $4  }
0x227: {  	s28 =	simm.s32 $0x2;
	p2 =	sle.s32 s29, $0x2  }
0x228: {  	s24 =	simm.s32 @!p2 $0xD360;
	s3 =	sand.u32 @!p2 $0x1, s28  }
0x229: {  	s25 =	simm.s32 @!p2 $0x80;
	s1 =	simm.s32 $0x8040;
	p1 =	seq.s32 @!p2 s3, $0x1  }
0x22a: {  	p3 =	por !p1, p2;
	s0 =	simm.s32 $0x9A40;
	s22 =	simm.s32 $0x8040  }
.LBB2_18:
0x22b: {  	s24 =	simm.s32 @p3 $0xB360  }
0x22c: {  	s22 =	sadd.s32 $0x80, s22;
	s3 =	smov.u32 s28;
	s28 =	sadd.s32 $0x1, s28  }
0x22d: {  	[tilespmem:s24], [sflag:$0x1] =	stream.indirect.gather @!p2 [hbm4b:s6+s25], $0x40, s1, s25, $0xb8;
	[tilespmem:$0xF360] =	vst v63  }
0x22e: {  	p0 =	sne.s32 s29, s28;
	s1 =	smov.u32 s22;
	_ =	swait.ge [sflag:s21], $0x2000  }
0x22f: {  	[sflag:s21] =	ssyncset.done $0x0  }
0x230: {  	[sflag:s21] =	ssyncadd.s32 $0xFFFFE000  }
0x231: {  	_ =	swait.ge [sflag:s17], $0x2000  }
0x232: {  	[sflag:s17] =	ssyncset.done $0x0  }
0x233: {  	[sflag:s17] =	ssyncadd.s32 $0xFFFFE000  }
0x234: {  	v2 =	vld [tilespmem:s0+$0xFFFFFF90];
	_ =	sdelay $0x1  }
0x235: {  	s3 =	sand.u32 $0x1, s3  }
0x236: {  	p1 =	seq.s32 s3, $0x1;
	_ =	sdelay $0x1  }
0x237: {  	[tilespmem:$0xB2E0] =	vst @p1 v2  }
0x238: {  	v3 =	vld @p1 [tilespmem:s0+$0xFFFFFFA0];
	_ =	sdelay $0x4  }
0x239: {  	[tilespmem:$0xB2F0] =	vst @p1 v3  }
0x23a: {  	v3 =	vld @p1 [tilespmem:s0+$0xFFFFFFB0];
	_ =	sdelay $0x4  }
0x23b: {  	[tilespmem:$0xB300] =	vst @p1 v3  }
0x23c: {  	v3 =	vld @p1 [tilespmem:s0+$0xFFFFFFC0];
	_ =	sdelay $0x4  }
0x23d: {  	[tilespmem:$0xB310] =	vst @p1 v3  }
0x23e: {  	v3 =	vld @p1 [tilespmem:s0+$0xFFFFFFD0];
	_ =	sdelay $0x4  }
0x23f: {  	[tilespmem:$0xB320] =	vst @p1 v3  }
0x240: {  	v3 =	vld @p1 [tilespmem:s0+$0xFFFFFFE0];
	_ =	sdelay $0x4  }
0x241: {  	[tilespmem:$0xB330] =	vst @p1 v3  }
0x242: {  	v3 =	vld @p1 [tilespmem:s0+$0xFFFFFFF0];
	_ =	sdelay $0x4  }
0x243: {  	[tilespmem:$0xB340] =	vst @p1 v3  }
0x244: {  	v3 =	vld @p1 [tilespmem:s0+$0x0];
	_ =	sdelay $0x3  }
0x245: {  	s3 =	simm.s32 @p1 $0x80;
	s20 =	simm.s32 @p1 $0xB2E0;
	s23 =	simm.s32 @p1 $0xD360  }
0x246: {  	[tilespmem:$0xB350] =	vst @p1 v3  }
0x247: {  	[hbm4b:s2+s3] =	stream.indirect.scatter @p1 [tilespmem:s23], [sflag:$0x2], $0x40, s20, s3, $0xb8;
	[tilespmem:$0xF360] =	vst v63  }
0x248: {  	[tilespmem:$0xB260] =	vst @!p1 v2  }
0x249: {  	v2 =	vld @!p1 [tilespmem:s0+$0xFFFFFFA0];
	_ =	sdelay $0x4  }
0x24a: {  	[tilespmem:$0xB270] =	vst @!p1 v2  }
0x24b: {  	v2 =	vld @!p1 [tilespmem:s0+$0xFFFFFFB0];
	_ =	sdelay $0x4  }
0x24c: {  	[tilespmem:$0xB280] =	vst @!p1 v2  }
0x24d: {  	v2 =	vld @!p1 [tilespmem:s0+$0xFFFFFFC0];
	_ =	sdelay $0x4  }
0x24e: {  	[tilespmem:$0xB290] =	vst @!p1 v2  }
0x24f: {  	v2 =	vld @!p1 [tilespmem:s0+$0xFFFFFFD0];
	_ =	sdelay $0x4  }
0x250: {  	[tilespmem:$0xB2A0] =	vst @!p1 v2  }
0x251: {  	v2 =	vld @!p1 [tilespmem:s0+$0xFFFFFFE0];
	_ =	sdelay $0x4  }
0x252: {  	[tilespmem:$0xB2B0] =	vst @!p1 v2  }
0x253: {  	v2 =	vld @!p1 [tilespmem:s0+$0xFFFFFFF0];
	_ =	sdelay $0x4  }
0x254: {  	[tilespmem:$0xB2C0] =	vst @!p1 v2  }
0x255: {  	v2 =	vld @!p1 [tilespmem:s0+$0x0];
	_ =	sdelay $0x1  }
.Ltmp14:
0x256: {  	p2 =	sge.s32 s28, s29;
	(pc) =	sbr.rel @p0 .LBB2_18-.Ltmp14, $4  }
0x257: {  	s24 =	simm.s32 @!p2 $0xD360;
	s3 =	simm.s32 @!p1 $0xB360;
	s20 =	sand.u32 @!p2 $0x1, s28  }
0x258: {  	s30 =	simm.s32 @!p1 $0xB260;
	s23 =	simm.s32 @!p1 $0x80;
	p3 =	seq.s32 @!p2 s20, $0x1  }
0x259: {  	s25 =	simm.s32 @!p2 $0x80;
	p3 =	por !p3, p2;
	s0 =	sadd.s32 $0x80, s0;
	[tilespmem:$0xB2D0] =	vst @!p1 v2  }
0x25a: {  	[hbm4b:s2+s23] =	stream.indirect.scatter @!p1 [tilespmem:s3], [sflag:$0x2], $0x40, s30, s23, $0xb8;
	[tilespmem:$0xF360] =	vst v63  }
.Ltmp15:
0x25b: {  	_ = 	snop;
	(pc) =	sbr.rel .LBB2_19-.Ltmp15, $1  }
0x25c: {  	_ =	sdelay $0x3  }
.LBB2_22:
0x25d: {  	_ =	sfence.sel $0x180000  }
0x25e: {  	[bflag:$0x0] =	sbarrier.arrive $0xFFFF  }
0x25f: {  	_ =	strace $0x90000047  }
0x260: {  	s0 =	stileid.u32;
	[bflag:$0x2] =	sbarrier.arrive $0xFFFF  }
0x261: {  	p0 =	sne.s32 s0, $0x0;
	s0 =	rddreg [dreg:$0x2]  }
0x262: {  	s0 =	sadd.s32 @!p0 $0x100000, s0  }
0x263: {  	[sflag:s0] =	ssyncadd.tile.s32 @!p0 $0x1;
	_ =	shalt  }
.Lfunc_end2:
_tile_overlayer_lowered:
.L_overlay_start_2:
0x264: {  	(tag) =	ssettag $0x2  }
0x265: {  	s0 =	rddreg [dreg:$0x0];
	s2 =	stileid.u32  }
0x266: {  	s1 =	rddreg [dreg:$0x1];
	p0 =	sne.s32 s2, $0x0  }
0x267: {  	s3 =	rddreg [dreg:$0x2];
	[bflag:$0x3] =	sbarrier.arrive $0xFFFF;
	s2 =	simm.s32 @!p0 $0x1C03  }
0x268: {  	[timem:s3], [sflag:s2] =	dma.local @!p0 [hbm:s0], s1  }
0x269: {  	s0 =	simm.s32 @!p0 $0x3  }
0x26a: {  	_ =	swait.ge @!p0 [sflag:s0], s1  }
0x26b: {  	s1 =	ssub.s32 @!p0 $0x0, s1;
	[sflag:s0] =	ssyncset.done @!p0 $0x0  }
0x26c: {  	[sflag:s0] =	ssyncadd.s32 @!p0 s1  }
0x26d: {  	[bflag:$0x3] =	sbarrier.arrive $0xFFFF  }
0x26e: {  	_ =	shalt  }

// kernel: sparse-core-data-format-call.cloned.1.call-start
scs
called_computation_lowered:
.L_overlay_start_0:
0x0: {  	s2 =	sld [smem:$0x3FD9]  }
0x1: {  	s3 =	sld [smem:$0x3FFE];
	_ =	sdelay $0x1  }
0x2: {  	s1 =	srdreg.scid  }
0x3: {  	s0 =	sand.u32 $0x1, s1  }
0x4: {  	s18 =	sshll.u32 s0, $0xA;
	s2 =	sadd.s32 s3, s2  }
0x5: {  	s2 =	sadd.s32 s2, s18  }
0x6: {  	[smem:$0x3FC4] =	sst s2  }
0x7: {  	_ = 	snop  }
0x8: {  	s2 =	sld [smem:$0x3FD0];
	(tm) =	ssettm $0x1  }
0x9: {  	s19 =	sld [smem:$0x3FFB];
	_ =	sdelay $0x3  }
0xa: {  	_ =	strace s19  }
0xb: {  	s3 =	sld [smem:$0x3FFC];
	_ =	sdelay $0x3  }
0xc: {  	_ =	strace s3  }
0xd: {  	s3 =	sld [smem:$0x3FFD];
	_ =	sdelay $0x3  }
0xe: {  	_ =	strace s3  }
0xf: {  	_ =	strace $0x8FFFFFFF  }
0x10: {  	s20 =	sld [smem:$0x3FDB];
	_ =	sdelay $0x1  }
0x11: {  	s4 =	simm.s32 $_scs_section_size  }
0x12: {  	s5 =	simm.s32 $_size__tile_overlayer_lowered;
	s6 =	simm.s32 $_tile_overlayer_lowered  }
0x13: {  	s23 =	simm.s32 $0x1BFF;
	s22 =	sshll.u32 s6, $0x1;
	s3 =	sadd.s32 s4, s20  }
0x14: {  	s7 =	simm.s32 $0x0;
	s21 =	sshll.u32 s5, $0x1;
	s5 =	sadd.s32 s22, s3  }
0x15: {  	[timem:s7], [sflag:s23] =	dma.local [hbm:s5], s21  }
0x16: {  	_ =	swait.ge [sflag:s23], s21  }
0x17: {  	s4 =	ssub.s32 $0x0, s21;
	[sflag:s23] =	ssyncset.done $0x0  }
0x18: {  	[sflag:s23] =	ssyncadd.s32 s4;
	_ =	sdelay $0x1  }
0x19: {  	s24 =	simm.s32 $0x1B8B  }
0x1a: {  	_ =	swait.ge [sflag:s24], $0x1  }
0x1b: {  	[sflag:s24] =	ssyncset.done $0x0  }
0x1c: {  	s26 =	simm.s32 $0x1B8E;
	s25 =	sld [smem:$0x3FFE];
	[sflag:s24] =	ssyncadd.s32 $0xFFFFFFFF  }
0x1d: {  	s27 =	simm.s32 $execute0_lowered;
	[smem:$0x3FD2] =	sst s26  }
0x1e: {  	s5 =	sshll.u32 s27, $0x1;
	_ =	strace $0x80000049;
	[dreg:$0x1] =	wrdreg $0xFFFFFFFF  }
0x1f: {  	s28 =	simm.s32 $_size_execute0_lowered;
	s3 =	sadd.s32 s3, s5;
	[dreg:$0x0] =	wrdreg $0x0  }
0x20: {  	s5 =	sshll.u32 s28, $0x1;
	[dreg:$0x2] =	wrdreg s3  }
0x21: {  	[dreg:$0x3] =	wrdreg s5  }
0x22: {  	[dreg:$0x4] =	wrdreg $0xC0  }
0x23: {  	_ =	task [dreg:s7], $0x5FFFF  }
0x24: {  	[dreg:$0x1] =	wrdreg $0xFFFFFFFF  }
0x25: {  	[dreg:$0x0] =	wrdreg $0x60  }
0x26: {  	[dreg:$0x2] =	wrdreg s25  }
0x27: {  	[dreg:$0x3] =	wrdreg s2  }
0x28: {  	[dreg:$0x4] =	wrdreg $0x9  }
0x29: {  	_ =	task.clear_ibuf [dreg:s7], $0x5FFFF;
	_ =	strace $0x90000049  }
0x2a: {  	s29 =	simm.s32 $0x9;
	_ =	strace $0x8000004B  }
0x2b: {  	_ =	swait.ge [sflag:s29], $0x1  }
0x2c: {  	[sflag:s29] =	ssyncadd.s32 $0xFFFFFFFF  }
0x2d: {  	_ =	strace $0x9000004B  }
0x2e: {  	_ =	sfence  }
0x2f: {  	s30 =	sld [smem:$0x0];
	_ =	sdelay $0x2  }
0x30: {  	s31 =	sshll.u32 s1, $0xD;
	s1 =	sshrl.u32 s1, $0x2  }
0x31: {  	s3 =	sand.u32 $0x4000, s31;
	s1 =	sadd.s32 s1, s30  }
0x32: {  	s0 =	sor.u32 s3, s0;
	s1 =	sshll.u32 s1, $0x11  }
0x33: {  	s0 =	sor.u32 s1, s0  }
0x34: {  	s0 =	sadd.s32 $0x8F2B, s0  }
0x35: {  	[sflag:s0] =	ssyncadd.remote.s32 $0x1  }
0x36: {  	_ =	sfence.sel $0xFFFF  }
0x37: {  	[dreg:$0x0] =	wrdreg $0xFFFFFFFF;
	(pc) =	sbr.abs _section_cstart, $3  }
0x38: {  	[dreg:$0x1] =	wrdreg $0xFFFFFFFF  }
0x39: {  	_ =	task.clear_ibuf [dreg:s7], $0x2FFFF;
	_ =	strace $0x9FFFFFFF  }
0x3a: {  	(tm) =	ssettm $0x7FFFFFFF  }
0x3b: {  	_ =	shalt  }
tec
execute0_lowered:
.L_overlay_start_1:
0x0: {  	(tag) =	ssettag $0x1  }
0x1: {  	s0 =	stileid.u32;
	s6 =	rddreg [dreg:$0x0]  }
0x2: {  	s2 =	rddreg [dreg:$0x1];
	s5 =	srdreg.scid  }
0x3: {  	s31 =	simm.s32 $0x2;
	s13 =	simm.s32 $0x0;
	s1 =	sshll.u32 s0, $0x7  }
0x4: {  	s14 =	simm.s32 $0x0;
	s12 =	simm.s32 $0x0;
	s3 =	sand.u32 $0x380, s1  }
0x5: {  	s5 =	sshll.u32 s5, $0x4;
	s6 =	sadd.s32 $0xC00, s6;
	s4 =	ssub.s32 $0x400, s3  }
0x6: {  	s1 =	rddreg [dreg:$0x2];
	_ =	strace $0x8000004A;
	s7 =	sand.u32 $0x380, s4  }
0x7: {  	s5 =	sand.u32 $0x10, s5;
	p0 =	sne.s32 s7, $0x0;
	s7 =	simm.s32 $0x1  }
.Ltmp0:
0x8: {  	s8 =	sshrl.u32 s4, $0xA;
	s7 =	simm.s32 @!p0 $0x0;
	(pc) =	sbr.rel .LBB1_1-.Ltmp0, $4  }
0x9: {  	s9 =	sor.u32 s0, s5;
	s4 =	simm.s32 $0x1;
	s30 =	sadd.s32 s7, s8  }
0xa: {  	s11 =	smov.u32 s3;
	[sflag:s4] =	ssyncpa.u1 $0x0;
	s5 =	smul.u32 $0x32, s30  }
0xb: {  	[sflag:s31] =	ssyncpa.u1 $0x0;
	p0 =	por $0x0, $0x0;
	s7 =	sshrl.u32 s9, $0x3  }
0xc: {  	s9 =	simm.s32 $0x2000;
	s10 =	smov.u32 s7;
	s8 =	sor.u32 $0x1, s5  }
.LBB1_4:
0xd: {  	s17 =	sand.u32 $0x1F80, s14;
	s13 =	sshll.u32 s13, $0xD  }
0xe: {  	[tilespmem:s16+$0x810 ss:$0x81] =	vst.msk $0xffff, v2;
	s18 =	sshrl.u32 s14, $0x3;
	s31 =	sand.u32 $0x7, s14;
	s17 =	sadd.s32 s2, s17  }
0xf: {  	[tilespmem:s16+$0x1020 ss:$0x81] =	vst.msk $0xffff, v0;
	s18 =	sand.u32 $0xF, s18;
	s14 =	sshll.u32 s31, $0x12;
	s13 =	sadd.s32 s13, s17  }
0x10: {  	[tilespmem:s16+$0x0 ss:$0x81] =	vst.msk $0xffff, v1;
	s14 =	sor.u32 $0x400, s14;
	s13 =	sadd.s32 s18, s13  }
0x11: {  	[hbm4b:s13+s14] =	stream.strided.scatter [tilespmem:s15], [sflag:$0x2], $0x2000, s9, s14, $0x20;
	[tilespmem:$0x8080] =	vst v63  }
.LBB1_5:
0x12: {  	s15 =	sadd.s32 $0x4, s10  }
0x13: {  	s13 =	sadd.s32 $0x400, s11;
	s17 =	smov.u32 s11;
	p2 =	sgt.s32 s15, $0xC7  }
0x14: {  	s17 =	smov.u32 @p2 s13  }
0x15: {  	s15 =	smov.u32 @p2 s7;
	p2 =	sgt.s32 s17, $0x3FF  }
0x16: {  	s17 =	smov.u32 @p2 s3;
	p2 =	sne.s32 s12, s8  }
.Ltmp1:
0x17: {  	p1 =	slt.u32 s12, $0x2;
	(pc) =	sbr.rel @!p2 .LBB1_6-.Ltmp1, $4  }
0x18: {  	s16 =	simm.s32 @!p1 $0x2  }
0x19: {  	s14 =	smov.u32 s11;
	p0 =	por !p0, !p0;
	_ =	swait.ge @!p1 [sflag:s16], $0x2000  }
0x1a: {  	s13 =	smov.u32 s10;
	[sflag:s16] =	ssyncset.done @!p1 $0x0;
	s10 =	smov.u32 s15  }
0x1b: {  	s12 =	sadd.s32 $0x1, s12;
	[sflag:s16] =	ssyncadd.s32 @!p1 $0xFFFFE000;
	s11 =	smov.u32 s17  }
.LBB1_1:
0x1c: {  	p1 =	sge.u32 s12, s5  }
0x1d: {  	s15 =	sand.u32 @!p1 $0x1FFFFFF, s10  }
0x1e: {  	s16 =	smulhi.u32 @!p1 $0x147AE15, s15;
	_ =	sdelay $0x1  }
0x1f: {  	s16 =	smul.u32 @!p1 $0xC8, s16  }
0x20: {  	s17 =	sxor.u32 @!p1 $0xFFFFFFFF, s12;
	s18 =	smul.u32 @!p1 $0xC80, s11  }
0x21: {  	s31 =	sadd.s32 $0xFFFFFFFF, s12;
	s17 =	sshll.u32 @!p1 s17, $0xD;
	s15 =	ssub.s32 @!p1 s15, s16  }
0x22: {  	s16 =	sand.u32 @!p1 $0x2000, s17;
	s17 =	sadd.s32 @!p1 s6, s18;
	s15 =	sshll.u32 @!p1 s15, $0x4  }
0x23: {  	s18 =	simm.s32 @!p1 $0x6400;
	s15 =	sadd.s32 @!p1 s15, s17;
	s17 =	simm.s32 @!p1 $0x40  }
0x24: {  	[tilespmem:s16], [sflag:$0x1] =	stream.strided.gather @!p1 [hbm4b:s15+s17], $0x2000, s18, s17, $0x38;
	[tilespmem:$0x8080] =	vst v63  }
0x25: {  	p1 =	sge.u32 s31, s5  }
.Ltmp2:
0x26: {  	_ = 	snop;
	(pc) =	sbr.rel @p1 .LBB1_5-.Ltmp2, $1  }
0x27: {  	_ =	sdelay $0x3  }
0x28: {  	s15 =	simm.s32 $0x1  }
0x29: {  	_ =	swait.ge [sflag:s4], $0x2000;
	s15 =	simm.s32 @!p0 $0x0  }
0x2a: {  	[sflag:s4] =	ssyncset.done $0x0;
	s16 =	sshll.u32 s15, $0xD  }
0x2b: {  	[sflag:s4] =	ssyncadd.s32 $0xFFFFE000;
	s19 =	sor.u32 $0x20, s16  }
0x2c: {  	s15 =	smul.u32 $0x8100, s15;
	v3 =	vld [tilespmem:s19+$0x10]  }
0x2d: {  	s30 =	sand.u32 $0x1, s12;
	v2 =	vld [tilespmem:s19+$0xFFFFFFF0]  }
0x2e: {  	s16 =	smul.u32 $0x8100, s30;
	s15 =	sshrl.u32 s15, $0x2;
	v0 =	vld [tilespmem:s19+$0x0]  }
0x2f: {  	v1 =	vld [tilespmem:s19+$0xFFFFFFE0];
	s17 =	sor.u32 $0x4000, s15  }
0x30: {  	s31 =	sshrl.u32 s16, $0x2;
	s16 =	sadd.s32 $0x0, s17  }
0x31: {  	s18 =	simm.s32 $0x4;
	s19 =	sadd.s32 $0x40, s19;
	s15 =	sor.u32 $0x4000, s31;
	[tilespmem:s16+$0x1830 ss:$0x81] =	vst.msk $0xffff, v3  }
.LBB1_3:
0x32: {  	v3 =	vld [tilespmem:s19+$0x10];
	p1 =	sne.s32 s18, $0x1FC;
	[tilespmem:s16+$0x810 ss:$0x81] =	vst.msk $0xffff, v2;
	s20 =	smov.u32 s18;
	s18 =	sadd.s32 $0x4, s18  }
.Ltmp3:
0x33: {  	v2 =	vld [tilespmem:s19+$0xFFFFFFF0];
	[tilespmem:s16+$0x1020 ss:$0x81] =	vst.msk $0xffff, v0;
	(pc) =	sbr.rel @p1 .LBB1_3-.Ltmp3, $4  }
0x34: {  	v0 =	vld [tilespmem:s19+$0x0];
	[tilespmem:s16+$0x0 ss:$0x81] =	vst.msk $0xffff, v1  }
0x35: {  	s16 =	sshra.s32 s20, $0x2;
	v1 =	vld [tilespmem:s19+$0xFFFFFFE0]  }
0x36: {  	s16 =	sadd.s32 s16, s17  }
0x37: {  	s19 =	sadd.s32 $0x40, s19;
	[tilespmem:s16+$0x1830 ss:$0x81] =	vst.msk $0xffff, v3  }
.Ltmp4:
0x38: {  	_ = 	snop;
	(pc) =	sbr.rel .LBB1_4-.Ltmp4, $1  }
0x39: {  	_ =	sdelay $0x3  }
.LBB1_6:
0x3a: {  	_ =	sfence.sel $0x180000  }
0x3b: {  	s2 =	simm.s32 $0x1;
	[bflag:$0x0] =	sbarrier.arrive $0xFFFF  }
0x3c: {  	s31 =	simm.s32 $0x2;
	[sflag:s2] =	ssyncpa.u1 $0x1  }
0x3d: {  	[sflag:s31] =	ssyncpa.u1 $0x1  }
0x3e: {  	p0 =	sne.s32 s0, $0x0;
	_ =	strace $0x9000004A  }
0x3f: {  	s0 =	sadd.s32 @!p0 $0x100000, s1;
	[bflag:$0x2] =	sbarrier.arrive $0xFFFF  }
0x40: {  	[sflag:s0] =	ssyncadd.tile.s32 @!p0 $0x1;
	_ =	shalt  }
.Lfunc_end1:
_tile_overlayer_lowered:
.L_overlay_start_2:
0x41: {  	(tag) =	ssettag $0x2  }
0x42: {  	s0 =	rddreg [dreg:$0x0];
	s2 =	stileid.u32  }
0x43: {  	s1 =	rddreg [dreg:$0x1];
	p0 =	sne.s32 s2, $0x0  }
0x44: {  	s3 =	rddreg [dreg:$0x2];
	[bflag:$0x3] =	sbarrier.arrive $0xFFFF;
	s2 =	simm.s32 @!p0 $0x1C01  }
0x45: {  	[timem:s3], [sflag:s2] =	dma.local @!p0 [hbm:s0], s1  }
0x46: {  	s0 =	simm.s32 @!p0 $0x1  }
0x47: {  	_ =	swait.ge @!p0 [sflag:s0], s1  }
0x48: {  	s1 =	ssub.s32 @!p0 $0x0, s1;
	[sflag:s0] =	ssyncset.done @!p0 $0x0  }
0x49: {  	[sflag:s0] =	ssyncadd.s32 @!p0 s1  }
0x4a: {  	[bflag:$0x3] =	sbarrier.arrive $0xFFFF  }
0x4b: {  	_ =	shalt  }

</sc_bundles>
